<compile_context>
chip_gen: v7x
topology: tpu7x:2x2x1
jax: 0.10.2.dev20260603
libtpu: 0.0.44.dev20260713+nightly
codegen_flags: <defaults>
</compile_context>

<pallas_src>
import functools

import jax
import jax.numpy as jnp
from jax import lax
from jax.experimental import pallas as pl
from jax.experimental.pallas import tpu as pltpu
from jax.experimental.pallas import tpu_sc as plsc

F = 26
V = 100000
D = 32
B = 4096
L = 20
NW = 32
BPW = B // NW
SB = 32
SUB = BPW // SB
ROWS = SB * L
KCH = ROWS // 128

def _build_gather():
    mesh = plsc.VectorSubcoreMesh(core_axis_name="c", subcore_axis_name="s")

    @functools.partial(
        pl.kernel,
        out_type=jax.ShapeDtypeStruct((B, F * D), jnp.float32),
        mesh=mesh,
        compiler_params=pltpu.CompilerParams(use_tc_tiling_on_sc=False),
        scratch_types=[
            pltpu.VMEM((F, L, SB), jnp.int32),
            pltpu.VMEM((F, KCH, 128), jnp.int32),
            pltpu.VMEM((ROWS, D), jnp.float32),
            pltpu.VMEM((ROWS, D), jnp.float32),
            pltpu.VMEM((SB, F * D), jnp.float32),
            pltpu.SemaphoreType.DMA,
            pltpu.SemaphoreType.DMA,
        ],
    )
    def k2(idx_hbm, tab_hbm, out_hbm, idx_v, idx_ck, rows0, rows1, acc_v,
           sem0, sem1):
        nc = 2
        wid = lax.axis_index("s") * nc + lax.axis_index("c")

        def repack(f, _):
            for l in range(L):
                for h in (0, 16):
                    flat = l * SB + h
                    idx_ck[f, flat // 128, pl.ds(flat % 128, 16)] = (
                        idx_v[f, l, pl.ds(h, 16)])
            return 0

        def issue(f, rbuf, sem):
            for kk in range(KCH):
                pltpu.async_copy(
                    tab_hbm.at[f].at[idx_ck.at[f, kk]],
                    rbuf.at[pl.ds(kk * 128, 128)],
                    sem,
                )

        def drain(f, rbuf, sem):
            for kk in range(KCH):
                pltpu.make_async_copy(
                    tab_hbm.at[f].at[idx_ck.at[f, kk]],
                    rbuf.at[pl.ds(kk * 128, 128)],
                    sem,
                ).wait()

        def pool(f, rbuf):
            def bag(j, _):
                a0 = rbuf[j, pl.ds(0, 16)]
                a1 = rbuf[j, pl.ds(16, 16)]
                for l in range(1, L):
                    a0 = a0 + rbuf[l * SB + j, pl.ds(0, 16)]
                    a1 = a1 + rbuf[l * SB + j, pl.ds(16, 16)]
                acc_v[j, pl.ds(f * D, 16)] = a0
                acc_v[j, pl.ds(f * D + 16, 16)] = a1
                return 0

            lax.fori_loop(0, SB, bag, 0)

        def sub(s, _):
            gb = wid * BPW + s * SB
            pltpu.sync_copy(idx_hbm.at[:, :, pl.ds(gb, SB)], idx_v)
            lax.fori_loop(0, F, repack, 0)
            issue(0, rows0, sem0)

            def pair(f2, _):
                fa = 2 * f2
                issue(fa + 1, rows1, sem1)
                drain(fa, rows0, sem0)
                pool(fa, rows0)
                issue(fa + 2, rows0, sem0)
                drain(fa + 1, rows1, sem1)
                pool(fa + 1, rows1)
                return 0

            lax.fori_loop(0, F // 2 - 1, pair, 0)
            issue(F - 1, rows1, sem1)
            drain(F - 2, rows0, sem0)
            pool(F - 2, rows0)
            drain(F - 1, rows1, sem1)
            pool(F - 1, rows1)

            pltpu.sync_copy(acc_v, out_hbm.at[pl.ds(gb, SB)])
            return 0

        lax.fori_loop(0, SUB, sub, 0)

    return k2


_k2 = _build_gather()


def kernel(indices, tables):
    idxT = jnp.transpose(indices.astype(jnp.int32), (0, 2, 1))
    return _k2(idxT, tables)

# --- scband reference (transcript-rebuilt; emitter-appended) ---
"""Pipeline reference for scband-test-sparse-arch-4552665334174 (READ-ONLY COPY).

The authoritative reference and input builder live on the scoring server;
editing this copy changes nothing except your own understanding.
"""

import jax, jax.numpy as jnp
import numpy as np

NUM_FEATURES = 26
NUM_EMBEDDINGS = 100000
EMBEDDING_DIM = 32
BATCH = 4096
HIST = 20


def setup_inputs(seed: int = 0) -> dict:
    key = jax.random.key(seed)
    k_idx, k_tab = jax.random.split(key)
    indices = jax.random.randint(k_idx, (NUM_FEATURES, BATCH, HIST), 0, NUM_EMBEDDINGS, dtype=jnp.int64 if jax.config.read('jax_enable_x64') else jnp.int32)
    tables = jax.random.normal(k_tab, (NUM_FEATURES, NUM_EMBEDDINGS, EMBEDDING_DIM), dtype=jnp.float32) * 0.01
    return {"indices": indices, "tables": tables}


def reference(indices, tables):
    # EmbeddingBagCollection with sum pooling per feature, outputs concatenated
    # (KeyedTensor dense layout: [B, num_features * embedding_dim]).
    def one_table(tab, idx):
        # tab: [V, D], idx: [B, L] -> pooled [B, D]
        emb = jnp.take(tab, idx, axis=0)  # [B, L, D] gather
        return jnp.sum(emb, axis=1)       # sum pooling over bag

    pooled = jax.vmap(one_table)(tables, indices)      # [F, B, D]
    out = jnp.transpose(pooled, (1, 0, 2)).reshape(indices.shape[1], NUM_FEATURES * EMBEDDING_DIM)
    return out

if __name__ == "__main__":
    import jax
    _d = setup_inputs()
    print(jax.jit(kernel)(*tuple(_d.values())))

</pallas_src>

<mosaic_0001>
#map = affine_map<(d0, d1) -> (0, 0, 0)>
#map1 = affine_map<(d0, d1) -> (0, 0)>
module attributes {stable_mosaic.version = 14 : i64} {
  func.func @k2(%arg0: i32, %arg1: i32, %arg2: memref<26x20x4096xi32, #tpu.memory_space<hbm>>, %arg3: memref<26x100000x32xf32, #tpu.memory_space<hbm>>, %arg4: memref<4096x832xf32, #tpu.memory_space<hbm>>, %arg5: memref<26x20x32xi32, #tpu.memory_space<vmem>>, %arg6: memref<26x5x128xi32, #tpu.memory_space<vmem>>, %arg7: memref<640x32xf32, #tpu.memory_space<vmem>>, %arg8: memref<640x32xf32, #tpu.memory_space<vmem>>, %arg9: memref<32x832xf32, #tpu.memory_space<vmem>>, %arg10: memref<!tpu.dma_semaphore, #tpu.memory_space<semaphore_mem>>, %arg11: memref<!tpu.dma_semaphore, #tpu.memory_space<semaphore_mem>>) attributes {dimension_semantics = [#tpu.dimension_semantics<core_parallel>, #tpu.dimension_semantics<subcore_parallel>], iteration_bounds = array<i64: 2, 16>, scalar_prefetch = 0 : i64, scratch_operands = 7 : i64, tpu.core_type = #tpu.core_type<sc_vector_subcore>, window_params = [{transform_indices = #map}, {transform_indices = #map}, {transform_indices = #map1}]} {
    %mul3A = arith.constant 2 : i32
    %mul3A_0 = arith.muli %arg1, %mul3A : i32
    %add3A = arith.addi %mul3A_0, %arg0 : i32
    %scan3A = arith.constant 0 : i32
    %scan3A_1 = arith.constant 0 : i32
    %scan3A_2 = arith.constant 4 : i32
    %scan3A_3 = arith.addi %scan3A_1, %scan3A_2 : i32
    %scan3A_4 = arith.constant 1 : i32
    %scan3A_5 = scf.for %scan3A_7 = %scan3A_1 to %scan3A_3 step %scan3A_4 iter_args(%scan3A_8 = %scan3A) -> (i32)  : i32 {
      %mul3A_9 = arith.constant 128 : i32
      %mul3A_10 = arith.muli %add3A, %mul3A_9 : i32
      %mul3A_11 = arith.constant 32 : i32
      %mul3A_12 = arith.muli %scan3A_7, %mul3A_11 : i32
      %add3A_13 = arith.addi %mul3A_10, %mul3A_12 : i32
      "tpu.region"() ({
        %run_scoped3A = tpu.sem_alloc : memref<!tpu.dma_semaphore, #tpu.memory_space<semaphore_mem>>
        %dma_start3A_361 = arith.constant 0 : i32
        %dma_start3A_362 = arith.constant 0 : i32
        %dma_start3A_363 = tpu.memref_slice %arg2[%dma_start3A_361, %dma_start3A_362, %add3A_13] : memref<26x20x4096xi32, #tpu.memory_space<hbm>> -> memref<26x20x32xi32, #tpu.memory_space<hbm>>
        %dma_start3A_364 = arith.constant 0 : i32
        %dma_start3A_365 = arith.constant 0 : i32
        %dma_start3A_366 = tpu.memref_slice %arg2[%dma_start3A_364, %dma_start3A_365, %add3A_13] : memref<26x20x4096xi32, #tpu.memory_space<hbm>> -> memref<26x20x32xi32, #tpu.memory_space<hbm>>
        tpu.enqueue_dma source(%dma_start3A_366 : memref<26x20x32xi32, #tpu.memory_space<hbm>>) target(%arg5 : memref<26x20x32xi32, #tpu.memory_space<vmem>>) target_semaphore(%run_scoped3A : memref<!tpu.dma_semaphore, #tpu.memory_space<semaphore_mem>>)
        %dma_wait3A_367 = arith.constant 0 : i32
        %dma_wait3A_368 = arith.constant 0 : i32
        %dma_wait3A_369 = tpu.memref_slice %arg2[%dma_wait3A_367, %dma_wait3A_368, %add3A_13] : memref<26x20x4096xi32, #tpu.memory_space<hbm>> -> memref<26x20x32xi32, #tpu.memory_space<hbm>>
        %dma_wait3A_370 = arith.constant 0 : i32
        %dma_wait3A_371 = arith.constant 0 : i32
        %dma_wait3A_372 = tpu.memref_slice %arg2[%dma_wait3A_370, %dma_wait3A_371, %add3A_13] : memref<26x20x4096xi32, #tpu.memory_space<hbm>> -> memref<26x20x32xi32, #tpu.memory_space<hbm>>
        tpu.wait_dma2 semaphore(%run_scoped3A : memref<!tpu.dma_semaphore, #tpu.memory_space<semaphore_mem>>) src(%dma_wait3A_372 : memref<26x20x32xi32, #tpu.memory_space<hbm>>) dst(%arg5 : memref<26x20x32xi32, #tpu.memory_space<vmem>>)
        tpu.yield
      }) : () -> ()
      %scan3A_14 = arith.constant 0 : i32
      %scan3A_15 = arith.constant 0 : i32
      %scan3A_16 = arith.constant 26 : i32
      %scan3A_17 = arith.addi %scan3A_15, %scan3A_16 : i32
      %scan3A_18 = arith.constant 1 : i32
      %scan3A_19 = scf.for %scan3A_361 = %scan3A_15 to %scan3A_17 step %scan3A_18 iter_args(%scan3A_362 = %scan3A_14) -> (i32)  : i32 {
        %get3A = arith.constant 0 : i32
        %get3A_363 = arith.index_cast %scan3A_361 : i32 to index
        %get3A_364 = arith.index_cast %get3A : i32 to index
        %get3A_365 = arith.constant 0 : index
        %get3A_366 = tpu.vector_load %arg5[%get3A_363, %get3A_364, %get3A_365] {strides = array<i32>} : memref<26x20x32xi32, #tpu.memory_space<vmem>>, vector<1x1x16xi32>,
        %get3A_367 = vector.shape_cast %get3A_366 : vector<1x1x16xi32> to vector<16xi32>
        %swap3A = arith.constant 0 : i32
        %swap3A_368 = arith.index_cast %scan3A_361 : i32 to index
        %swap3A_369 = arith.index_cast %swap3A : i32 to index
        %swap3A_370 = arith.constant 0 : index
        %swap3A_371 = tpu.vector_load %arg6[%swap3A_368, %swap3A_369, %swap3A_370] {strides = array<i32>} : memref<26x5x128xi32, #tpu.memory_space<vmem>>, vector<1x1x16xi32>,
        %swap3A_372 = vector.shape_cast %swap3A_371 : vector<1x1x16xi32> to vector<16xi32>
        %swap3A_373 = vector.shape_cast %get3A_367 : vector<16xi32> to vector<1x1x16xi32>
        tpu.vector_store %arg6[%swap3A_368, %swap3A_369, %swap3A_370], %swap3A_373 {strides = array<i32>} : memref<26x5x128xi32, #tpu.memory_space<vmem>>, vector<1x1x16xi32>,
        %get3A_374 = arith.constant 0 : i32
        %get3A_375 = arith.index_cast %scan3A_361 : i32 to index
        %get3A_376 = arith.index_cast %get3A_374 : i32 to index
        %get3A_377 = arith.constant 16 : index
        %get3A_378 = tpu.vector_load %arg5[%get3A_375, %get3A_376, %get3A_377] {strides = array<i32>} : memref<26x20x32xi32, #tpu.memory_space<vmem>>, vector<1x1x16xi32>,
        %get3A_379 = vector.shape_cast %get3A_378 : vector<1x1x16xi32> to vector<16xi32>
        %swap3A_380 = arith.constant 0 : i32
        %swap3A_381 = arith.index_cast %scan3A_361 : i32 to index
        %swap3A_382 = arith.index_cast %swap3A_380 : i32 to index
        %swap3A_383 = arith.constant 16 : index
        %swap3A_384 = tpu.vector_load %arg6[%swap3A_381, %swap3A_382, %swap3A_383] {strides = array<i32>} : memref<26x5x128xi32, #tpu.memory_space<vmem>>, vector<1x1x16xi32>,
        %swap3A_385 = vector.shape_cast %swap3A_384 : vector<1x1x16xi32> to vector<16xi32>
        %swap3A_386 = vector.shape_cast %get3A_379 : vector<16xi32> to vector<1x1x16xi32>
        tpu.vector_store %arg6[%swap3A_381, %swap3A_382, %swap3A_383], %swap3A_386 {strides = array<i32>} : memref<26x5x128xi32, #tpu.memory_space<vmem>>, vector<1x1x16xi32>,
        %get3A_387 = arith.constant 1 : i32
        %get3A_388 = arith.index_cast %scan3A_361 : i32 to index
        %get3A_389 = arith.index_cast %get3A_387 : i32 to index
        %get3A_390 = arith.constant 0 : index
        %get3A_391 = tpu.vector_load %arg5[%get3A_388, %get3A_389, %get3A_390] {strides = array<i32>} : memref<26x20x32xi32, #tpu.memory_space<vmem>>, vector<1x1x16xi32>,
        %get3A_392 = vector.shape_cast %get3A_391 : vector<1x1x16xi32> to vector<16xi32>
        %swap3A_393 = arith.constant 0 : i32
        %swap3A_394 = arith.index_cast %scan3A_361 : i32 to index
        %swap3A_395 = arith.index_cast %swap3A_393 : i32 to index
        %swap3A_396 = arith.constant 32 : index
        %swap3A_397 = tpu.vector_load %arg6[%swap3A_394, %swap3A_395, %swap3A_396] {strides = array<i32>} : memref<26x5x128xi32, #tpu.memory_space<vmem>>, vector<1x1x16xi32>,
        %swap3A_398 = vector.shape_cast %swap3A_397 : vector<1x1x16xi32> to vector<16xi32>
        %swap3A_399 = vector.shape_cast %get3A_392 : vector<16xi32> to vector<1x1x16xi32>
        tpu.vector_store %arg6[%swap3A_394, %swap3A_395, %swap3A_396], %swap3A_399 {strides = array<i32>} : memref<26x5x128xi32, #tpu.memory_space<vmem>>, vector<1x1x16xi32>,
        %get3A_400 = arith.constant 1 : i32
        %get3A_401 = arith.index_cast %scan3A_361 : i32 to index
        %get3A_402 = arith.index_cast %get3A_400 : i32 to index
        %get3A_403 = arith.constant 16 : index
        %get3A_404 = tpu.vector_load %arg5[%get3A_401, %get3A_402, %get3A_403] {strides = array<i32>} : memref<26x20x32xi32, #tpu.memory_space<vmem>>, vector<1x1x16xi32>,
        %get3A_405 = vector.shape_cast %get3A_404 : vector<1x1x16xi32> to vector<16xi32>
        %swap3A_406 = arith.constant 0 : i32
        %swap3A_407 = arith.index_cast %scan3A_361 : i32 to index
        %swap3A_408 = arith.index_cast %swap3A_406 : i32 to index
        %swap3A_409 = arith.constant 48 : index
        %swap3A_410 = tpu.vector_load %arg6[%swap3A_407, %swap3A_408, %swap3A_409] {strides = array<i32>} : memref<26x5x128xi32, #tpu.memory_space<vmem>>, vector<1x1x16xi32>,
        %swap3A_411 = vector.shape_cast %swap3A_410 : vector<1x1x16xi32> to vector<16xi32>
        %swap3A_412 = vector.shape_cast %get3A_405 : vector<16xi32> to vector<1x1x16xi32>
        tpu.vector_store %arg6[%swap3A_407, %swap3A_408, %swap3A_409], %swap3A_412 {strides = array<i32>} : memref<26x5x128xi32, #tpu.memory_space<vmem>>, vector<1x1x16xi32>,
        %get3A_413 = arith.constant 2 : i32
        %get3A_414 = arith.index_cast %scan3A_361 : i32 to index
        %get3A_415 = arith.index_cast %get3A_413 : i32 to index
        %get3A_416 = arith.constant 0 : index
        %get3A_417 = tpu.vector_load %arg5[%get3A_414, %get3A_415, %get3A_416] {strides = array<i32>} : memref<26x20x32xi32, #tpu.memory_space<vmem>>, vector<1x1x16xi32>,
        %get3A_418 = vector.shape_cast %get3A_417 : vector<1x1x16xi32> to vector<16xi32>
        %swap3A_419 = arith.constant 0 : i32
        %swap3A_420 = arith.index_cast %scan3A_361 : i32 to index
        %swap3A_421 = arith.index_cast %swap3A_419 : i32 to index
        %swap3A_422 = arith.constant 64 : index
        %swap3A_423 = tpu.vector_load %arg6[%swap3A_420, %swap3A_421, %swap3A_422] {strides = array<i32>} : memref<26x5x128xi32, #tpu.memory_space<vmem>>, vector<1x1x16xi32>,
        %swap3A_424 = vector.shape_cast %swap3A_423 : vector<1x1x16xi32> to vector<16xi32>
        %swap3A_425 = vector.shape_cast %get3A_418 : vector<16xi32> to vector<1x1x16xi32>
        tpu.vector_store %arg6[%swap3A_420, %swap3A_421, %swap3A_422], %swap3A_425 {strides = array<i32>} : memref<26x5x128xi32, #tpu.memory_space<vmem>>, vector<1x1x16xi32>,
        %get3A_426 = arith.constant 2 : i32
        %get3A_427 = arith.index_cast %scan3A_361 : i32 to index
        %get3A_428 = arith.index_cast %get3A_426 : i32 to index
        %get3A_429 = arith.constant 16 : index
        %get3A_430 = tpu.vector_load %arg5[%get3A_427, %get3A_428, %get3A_429] {strides = array<i32>} : memref<26x20x32xi32, #tpu.memory_space<vmem>>, vector<1x1x16xi32>,
        %get3A_431 = vector.shape_cast %get3A_430 : vector<1x1x16xi32> to vector<16xi32>
        %swap3A_432 = arith.constant 0 : i32
        %swap3A_433 = arith.index_cast %scan3A_361 : i32 to index
        %swap3A_434 = arith.index_cast %swap3A_432 : i32 to index
        %swap3A_435 = arith.constant 80 : index
        %swap3A_436 = tpu.vector_load %arg6[%swap3A_433, %swap3A_434, %swap3A_435] {strides = array<i32>} : memref<26x5x128xi32, #tpu.memory_space<vmem>>, vector<1x1x16xi32>,
        %swap3A_437 = vector.shape_cast %swap3A_436 : vector<1x1x16xi32> to vector<16xi32>
        %swap3A_438 = vector.shape_cast %get3A_431 : vector<16xi32> to vector<1x1x16xi32>
        tpu.vector_store %arg6[%swap3A_433, %swap3A_434, %swap3A_435], %swap3A_438 {strides = array<i32>} : memref<26x5x128xi32, #tpu.memory_space<vmem>>, vector<1x1x16xi32>,
        %get3A_439 = arith.constant 3 : i32
        %get3A_440 = arith.index_cast %scan3A_361 : i32 to index
        %get3A_441 = arith.index_cast %get3A_439 : i32 to index
        %get3A_442 = arith.constant 0 : index
        %get3A_443 = tpu.vector_load %arg5[%get3A_440, %get3A_441, %get3A_442] {strides = array<i32>} : memref<26x20x32xi32, #tpu.memory_space<vmem>>, vector<1x1x16xi32>,
        %get3A_444 = vector.shape_cast %get3A_443 : vector<1x1x16xi32> to vector<16xi32>
        %swap3A_445 = arith.constant 0 : i32
        %swap3A_446 = arith.index_cast %scan3A_361 : i32 to index
        %swap3A_447 = arith.index_cast %swap3A_445 : i32 to index
        %swap3A_448 = arith.constant 96 : index
        %swap3A_449 = tpu.vector_load %arg6[%swap3A_446, %swap3A_447, %swap3A_448] {strides = array<i32>} : memref<26x5x128xi32, #tpu.memory_space<vmem>>, vector<1x1x16xi32>,
        %swap3A_450 = vector.shape_cast %swap3A_449 : vector<1x1x16xi32> to vector<16xi32>
        %swap3A_451 = vector.shape_cast %get3A_444 : vector<16xi32> to vector<1x1x16xi32>
        tpu.vector_store %arg6[%swap3A_446, %swap3A_447, %swap3A_448], %swap3A_451 {strides = array<i32>} : memref<26x5x128xi32, #tpu.memory_space<vmem>>, vector<1x1x16xi32>,
        %get3A_452 = arith.constant 3 : i32
        %get3A_453 = arith.index_cast %scan3A_361 : i32 to index
        %get3A_454 = arith.index_cast %get3A_452 : i32 to index
        %get3A_455 = arith.constant 16 : index
        %get3A_456 = tpu.vector_load %arg5[%get3A_453, %get3A_454, %get3A_455] {strides = array<i32>} : memref<26x20x32xi32, #tpu.memory_space<vmem>>, vector<1x1x16xi32>,
        %get3A_457 = vector.shape_cast %get3A_456 : vector<1x1x16xi32> to vector<16xi32>
        %swap3A_458 = arith.constant 0 : i32
        %swap3A_459 = arith.index_cast %scan3A_361 : i32 to index
        %swap3A_460 = arith.index_cast %swap3A_458 : i32 to index
        %swap3A_461 = arith.constant 112 : index
        %swap3A_462 = tpu.vector_load %arg6[%swap3A_459, %swap3A_460, %swap3A_461] {strides = array<i32>} : memref<26x5x128xi32, #tpu.memory_space<vmem>>, vector<1x1x16xi32>,
        %swap3A_463 = vector.shape_cast %swap3A_462 : vector<1x1x16xi32> to vector<16xi32>
        %swap3A_464 = vector.shape_cast %get3A_457 : vector<16xi32> to vector<1x1x16xi32>
        tpu.vector_store %arg6[%swap3A_459, %swap3A_460, %swap3A_461], %swap3A_464 {strides = array<i32>} : memref<26x5x128xi32, #tpu.memory_space<vmem>>, vector<1x1x16xi32>,
        %get3A_465 = arith.constant 4 : i32
        %get3A_466 = arith.index_cast %scan3A_361 : i32 to index
        %get3A_467 = arith.index_cast %get3A_465 : i32 to index
        %get3A_468 = arith.constant 0 : index
        %get3A_469 = tpu.vector_load %arg5[%get3A_466, %get3A_467, %get3A_468] {strides = array<i32>} : memref<26x20x32xi32, #tpu.memory_space<vmem>>, vector<1x1x16xi32>,
        %get3A_470 = vector.shape_cast %get3A_469 : vector<1x1x16xi32> to vector<16xi32>
        %swap3A_471 = arith.constant 1 : i32
        %swap3A_472 = arith.index_cast %scan3A_361 : i32 to index
        %swap3A_473 = arith.index_cast %swap3A_471 : i32 to index
        %swap3A_474 = arith.constant 0 : index
        %swap3A_475 = tpu.vector_load %arg6[%swap3A_472, %swap3A_473, %swap3A_474] {strides = array<i32>} : memref<26x5x128xi32, #tpu.memory_space<vmem>>, vector<1x1x16xi32>,
        %swap3A_476 = vector.shape_cast %swap3A_475 : vector<1x1x16xi32> to vector<16xi32>
        %swap3A_477 = vector.shape_cast %get3A_470 : vector<16xi32> to vector<1x1x16xi32>
        tpu.vector_store %arg6[%swap3A_472, %swap3A_473, %swap3A_474], %swap3A_477 {strides = array<i32>} : memref<26x5x128xi32, #tpu.memory_space<vmem>>, vector<1x1x16xi32>,
        %get3A_478 = arith.constant 4 : i32
        %get3A_479 = arith.index_cast %scan3A_361 : i32 to index
        %get3A_480 = arith.index_cast %get3A_478 : i32 to index
        %get3A_481 = arith.constant 16 : index
        %get3A_482 = tpu.vector_load %arg5[%get3A_479, %get3A_480, %get3A_481] {strides = array<i32>} : memref<26x20x32xi32, #tpu.memory_space<vmem>>, vector<1x1x16xi32>,
        %get3A_483 = vector.shape_cast %get3A_482 : vector<1x1x16xi32> to vector<16xi32>
        %swap3A_484 = arith.constant 1 : i32
        %swap3A_485 = arith.index_cast %scan3A_361 : i32 to index
        %swap3A_486 = arith.index_cast %swap3A_484 : i32 to index
        %swap3A_487 = arith.constant 16 : index
        %swap3A_488 = tpu.vector_load %arg6[%swap3A_485, %swap3A_486, %swap3A_487] {strides = array<i32>} : memref<26x5x128xi32, #tpu.memory_space<vmem>>, vector<1x1x16xi32>,
        %swap3A_489 = vector.shape_cast %swap3A_488 : vector<1x1x16xi32> to vector<16xi32>
        %swap3A_490 = vector.shape_cast %get3A_483 : vector<16xi32> to vector<1x1x16xi32>
        tpu.vector_store %arg6[%swap3A_485, %swap3A_486, %swap3A_487], %swap3A_490 {strides = array<i32>} : memref<26x5x128xi32, #tpu.memory_space<vmem>>, vector<1x1x16xi32>,
        %get3A_491 = arith.constant 5 : i32
        %get3A_492 = arith.index_cast %scan3A_361 : i32 to index
        %get3A_493 = arith.index_cast %get3A_491 : i32 to index
        %get3A_494 = arith.constant 0 : index
        %get3A_495 = tpu.vector_load %arg5[%get3A_492, %get3A_493, %get3A_494] {strides = array<i32>} : memref<26x20x32xi32, #tpu.memory_space<vmem>>, vector<1x1x16xi32>,
        %get3A_496 = vector.shape_cast %get3A_495 : vector<1x1x16xi32> to vector<16xi32>
        %swap3A_497 = arith.constant 1 : i32
        %swap3A_498 = arith.index_cast %scan3A_361 : i32 to index
        %swap3A_499 = arith.index_cast %swap3A_497 : i32 to index
        %swap3A_500 = arith.constant 32 : index
        %swap3A_501 = tpu.vector_load %arg6[%swap3A_498, %swap3A_499, %swap3A_500] {strides = array<i32>} : memref<26x5x128xi32, #tpu.memory_space<vmem>>, vector<1x1x16xi32>,
        %swap3A_502 = vector.shape_cast %swap3A_501 : vector<1x1x16xi32> to vector<16xi32>
        %swap3A_503 = vector.shape_cast %get3A_496 : vector<16xi32> to vector<1x1x16xi32>
        tpu.vector_store %arg6[%swap3A_498, %swap3A_499, %swap3A_500], %swap3A_503 {strides = array<i32>} : memref<26x5x128xi32, #tpu.memory_space<vmem>>, vector<1x1x16xi32>,
        %get3A_504 = arith.constant 5 : i32
        %get3A_505 = arith.index_cast %scan3A_361 : i32 to index
        %get3A_506 = arith.index_cast %get3A_504 : i32 to index
        %get3A_507 = arith.constant 16 : index
        %get3A_508 = tpu.vector_load %arg5[%get3A_505, %get3A_506, %get3A_507] {strides = array<i32>} : memref<26x20x32xi32, #tpu.memory_space<vmem>>, vector<1x1x16xi32>,
        %get3A_509 = vector.shape_cast %get3A_508 : vector<1x1x16xi32> to vector<16xi32>
        %swap3A_510 = arith.constant 1 : i32
        %swap3A_511 = arith.index_cast %scan3A_361 : i32 to index
        %swap3A_512 = arith.index_cast %swap3A_510 : i32 to index
        %swap3A_513 = arith.constant 48 : index
        %swap3A_514 = tpu.vector_load %arg6[%swap3A_511, %swap3A_512, %swap3A_513] {strides = array<i32>} : memref<26x5x128xi32, #tpu.memory_space<vmem>>, vector<1x1x16xi32>,
        %swap3A_515 = vector.shape_cast %swap3A_514 : vector<1x1x16xi32> to vector<16xi32>
        %swap3A_516 = vector.shape_cast %get3A_509 : vector<16xi32> to vector<1x1x16xi32>
        tpu.vector_store %arg6[%swap3A_511, %swap3A_512, %swap3A_513], %swap3A_516 {strides = array<i32>} : memref<26x5x128xi32, #tpu.memory_space<vmem>>, vector<1x1x16xi32>,
        %get3A_517 = arith.constant 6 : i32
        %get3A_518 = arith.index_cast %scan3A_361 : i32 to index
        %get3A_519 = arith.index_cast %get3A_517 : i32 to index
        %get3A_520 = arith.constant 0 : index
        %get3A_521 = tpu.vector_load %arg5[%get3A_518, %get3A_519, %get3A_520] {strides = array<i32>} : memref<26x20x32xi32, #tpu.memory_space<vmem>>, vector<1x1x16xi32>,
        %get3A_522 = vector.shape_cast %get3A_521 : vector<1x1x16xi32> to vector<16xi32>
        %swap3A_523 = arith.constant 1 : i32
        %swap3A_524 = arith.index_cast %scan3A_361 : i32 to index
        %swap3A_525 = arith.index_cast %swap3A_523 : i32 to index
        %swap3A_526 = arith.constant 64 : index
        %swap3A_527 = tpu.vector_load %arg6[%swap3A_524, %swap3A_525, %swap3A_526] {strides = array<i32>} : memref<26x5x128xi32, #tpu.memory_space<vmem>>, vector<1x1x16xi32>,
        %swap3A_528 = vector.shape_cast %swap3A_527 : vector<1x1x16xi32> to vector<16xi32>
        %swap3A_529 = vector.shape_cast %get3A_522 : vector<16xi32> to vector<1x1x16xi32>
        tpu.vector_store %arg6[%swap3A_524, %swap3A_525, %swap3A_526], %swap3A_529 {strides = array<i32>} : memref<26x5x128xi32, #tpu.memory_space<vmem>>, vector<1x1x16xi32>,
        %get3A_530 = arith.constant 6 : i32
        %get3A_531 = arith.index_cast %scan3A_361 : i32 to index
        %get3A_532 = arith.index_cast %get3A_530 : i32 to index
        %get3A_533 = arith.constant 16 : index
        %get3A_534 = tpu.vector_load %arg5[%get3A_531, %get3A_532, %get3A_533] {strides = array<i32>} : memref<26x20x32xi32, #tpu.memory_space<vmem>>, vector<1x1x16xi32>,
        %get3A_535 = vector.shape_cast %get3A_534 : vector<1x1x16xi32> to vector<16xi32>
        %swap3A_536 = arith.constant 1 : i32
        %swap3A_537 = arith.index_cast %scan3A_361 : i32 to index
        %swap3A_538 = arith.index_cast %swap3A_536 : i32 to index
        %swap3A_539 = arith.constant 80 : index
        %swap3A_540 = tpu.vector_load %arg6[%swap3A_537, %swap3A_538, %swap3A_539] {strides = array<i32>} : memref<26x5x128xi32, #tpu.memory_space<vmem>>, vector<1x1x16xi32>,
        %swap3A_541 = vector.shape_cast %swap3A_540 : vector<1x1x16xi32> to vector<16xi32>
        %swap3A_542 = vector.shape_cast %get3A_535 : vector<16xi32> to vector<1x1x16xi32>
        tpu.vector_store %arg6[%swap3A_537, %swap3A_538, %swap3A_539], %swap3A_542 {strides = array<i32>} : memref<26x5x128xi32, #tpu.memory_space<vmem>>, vector<1x1x16xi32>,
        %get3A_543 = arith.constant 7 : i32
        %get3A_544 = arith.index_cast %scan3A_361 : i32 to index
        %get3A_545 = arith.index_cast %get3A_543 : i32 to index
        %get3A_546 = arith.constant 0 : index
        %get3A_547 = tpu.vector_load %arg5[%get3A_544, %get3A_545, %get3A_546] {strides = array<i32>} : memref<26x20x32xi32, #tpu.memory_space<vmem>>, vector<1x1x16xi32>,
        %get3A_548 = vector.shape_cast %get3A_547 : vector<1x1x16xi32> to vector<16xi32>
        %swap3A_549 = arith.constant 1 : i32
        %swap3A_550 = arith.index_cast %scan3A_361 : i32 to index
        %swap3A_551 = arith.index_cast %swap3A_549 : i32 to index
        %swap3A_552 = arith.constant 96 : index
        %swap3A_553 = tpu.vector_load %arg6[%swap3A_550, %swap3A_551, %swap3A_552] {strides = array<i32>} : memref<26x5x128xi32, #tpu.memory_space<vmem>>, vector<1x1x16xi32>,
        %swap3A_554 = vector.shape_cast %swap3A_553 : vector<1x1x16xi32> to vector<16xi32>
        %swap3A_555 = vector.shape_cast %get3A_548 : vector<16xi32> to vector<1x1x16xi32>
        tpu.vector_store %arg6[%swap3A_550, %swap3A_551, %swap3A_552], %swap3A_555 {strides = array<i32>} : memref<26x5x128xi32, #tpu.memory_space<vmem>>, vector<1x1x16xi32>,
        %get3A_556 = arith.constant 7 : i32
        %get3A_557 = arith.index_cast %scan3A_361 : i32 to index
        %get3A_558 = arith.index_cast %get3A_556 : i32 to index
        %get3A_559 = arith.constant 16 : index
        %get3A_560 = tpu.vector_load %arg5[%get3A_557, %get3A_558, %get3A_559] {strides = array<i32>} : memref<26x20x32xi32, #tpu.memory_space<vmem>>, vector<1x1x16xi32>,
        %get3A_561 = vector.shape_cast %get3A_560 : vector<1x1x16xi32> to vector<16xi32>
        %swap3A_562 = arith.constant 1 : i32
        %swap3A_563 = arith.index_cast %scan3A_361 : i32 to index
        %swap3A_564 = arith.index_cast %swap3A_562 : i32 to index
        %swap3A_565 = arith.constant 112 : index
        %swap3A_566 = tpu.vector_load %arg6[%swap3A_563, %swap3A_564, %swap3A_565] {strides = array<i32>} : memref<26x5x128xi32, #tpu.memory_space<vmem>>, vector<1x1x16xi32>,
        %swap3A_567 = vector.shape_cast %swap3A_566 : vector<1x1x16xi32> to vector<16xi32>
        %swap3A_568 = vector.shape_cast %get3A_561 : vector<16xi32> to vector<1x1x16xi32>
        tpu.vector_store %arg6[%swap3A_563, %swap3A_564, %swap3A_565], %swap3A_568 {strides = array<i32>} : memref<26x5x128xi32, #tpu.memory_space<vmem>>, vector<1x1x16xi32>,
        %get3A_569 = arith.constant 8 : i32
        %get3A_570 = arith.index_cast %scan3A_361 : i32 to index
        %get3A_571 = arith.index_cast %get3A_569 : i32 to index
        %get3A_572 = arith.constant 0 : index
        %get3A_573 = tpu.vector_load %arg5[%get3A_570, %get3A_571, %get3A_572] {strides = array<i32>} : memref<26x20x32xi32, #tpu.memory_space<vmem>>, vector<1x1x16xi32>,
        %get3A_574 = vector.shape_cast %get3A_573 : vector<1x1x16xi32> to vector<16xi32>
        %swap3A_575 = arith.constant 2 : i32
        %swap3A_576 = arith.index_cast %scan3A_361 : i32 to index
        %swap3A_577 = arith.index_cast %swap3A_575 : i32 to index
        %swap3A_578 = arith.constant 0 : index
        %swap3A_579 = tpu.vector_load %arg6[%swap3A_576, %swap3A_577, %swap3A_578] {strides = array<i32>} : memref<26x5x128xi32, #tpu.memory_space<vmem>>, vector<1x1x16xi32>,
        %swap3A_580 = vector.shape_cast %swap3A_579 : vector<1x1x16xi32> to vector<16xi32>
        %swap3A_581 = vector.shape_cast %get3A_574 : vector<16xi32> to vector<1x1x16xi32>
        tpu.vector_store %arg6[%swap3A_576, %swap3A_577, %swap3A_578], %swap3A_581 {strides = array<i32>} : memref<26x5x128xi32, #tpu.memory_space<vmem>>, vector<1x1x16xi32>,
        %get3A_582 = arith.constant 8 : i32
        %get3A_583 = arith.index_cast %scan3A_361 : i32 to index
        %get3A_584 = arith.index_cast %get3A_582 : i32 to index
        %get3A_585 = arith.constant 16 : index
        %get3A_586 = tpu.vector_load %arg5[%get3A_583, %get3A_584, %get3A_585] {strides = array<i32>} : memref<26x20x32xi32, #tpu.memory_space<vmem>>, vector<1x1x16xi32>,
        %get3A_587 = vector.shape_cast %get3A_586 : vector<1x1x16xi32> to vector<16xi32>
        %swap3A_588 = arith.constant 2 : i32
        %swap3A_589 = arith.index_cast %scan3A_361 : i32 to index
        %swap3A_590 = arith.index_cast %swap3A_588 : i32 to index
        %swap3A_591 = arith.constant 16 : index
        %swap3A_592 = tpu.vector_load %arg6[%swap3A_589, %swap3A_590, %swap3A_591] {strides = array<i32>} : memref<26x5x128xi32, #tpu.memory_space<vmem>>, vector<1x1x16xi32>,
        %swap3A_593 = vector.shape_cast %swap3A_592 : vector<1x1x16xi32> to vector<16xi32>
        %swap3A_594 = vector.shape_cast %get3A_587 : vector<16xi32> to vector<1x1x16xi32>
        tpu.vector_store %arg6[%swap3A_589, %swap3A_590, %swap3A_591], %swap3A_594 {strides = array<i32>} : memref<26x5x128xi32, #tpu.memory_space<vmem>>, vector<1x1x16xi32>,
        %get3A_595 = arith.constant 9 : i32
        %get3A_596 = arith.index_cast %scan3A_361 : i32 to index
        %get3A_597 = arith.index_cast %get3A_595 : i32 to index
        %get3A_598 = arith.constant 0 : index
        %get3A_599 = tpu.vector_load %arg5[%get3A_596, %get3A_597, %get3A_598] {strides = array<i32>} : memref<26x20x32xi32, #tpu.memory_space<vmem>>, vector<1x1x16xi32>,
        %get3A_600 = vector.shape_cast %get3A_599 : vector<1x1x16xi32> to vector<16xi32>
        %swap3A_601 = arith.constant 2 : i32
        %swap3A_602 = arith.index_cast %scan3A_361 : i32 to index
        %swap3A_603 = arith.index_cast %swap3A_601 : i32 to index
        %swap3A_604 = arith.constant 32 : index
        %swap3A_605 = tpu.vector_load %arg6[%swap3A_602, %swap3A_603, %swap3A_604] {strides = array<i32>} : memref<26x5x128xi32, #tpu.memory_space<vmem>>, vector<1x1x16xi32>,
        %swap3A_606 = vector.shape_cast %swap3A_605 : vector<1x1x16xi32> to vector<16xi32>
        %swap3A_607 = vector.shape_cast %get3A_600 : vector<16xi32> to vector<1x1x16xi32>
        tpu.vector_store %arg6[%swap3A_602, %swap3A_603, %swap3A_604], %swap3A_607 {strides = array<i32>} : memref<26x5x128xi32, #tpu.memory_space<vmem>>, vector<1x1x16xi32>,
        %get3A_608 = arith.constant 9 : i32
        %get3A_609 = arith.index_cast %scan3A_361 : i32 to index
        %get3A_610 = arith.index_cast %get3A_608 : i32 to index
        %get3A_611 = arith.constant 16 : index
        %get3A_612 = tpu.vector_load %arg5[%get3A_609, %get3A_610, %get3A_611] {strides = array<i32>} : memref<26x20x32xi32, #tpu.memory_space<vmem>>, vector<1x1x16xi32>,
        %get3A_613 = vector.shape_cast %get3A_612 : vector<1x1x16xi32> to vector<16xi32>
        %swap3A_614 = arith.constant 2 : i32
        %swap3A_615 = arith.index_cast %scan3A_361 : i32 to index
        %swap3A_616 = arith.index_cast %swap3A_614 : i32 to index
        %swap3A_617 = arith.constant 48 : index
        %swap3A_618 = tpu.vector_load %arg6[%swap3A_615, %swap3A_616, %swap3A_617] {strides = array<i32>} : memref<26x5x128xi32, #tpu.memory_space<vmem>>, vector<1x1x16xi32>,
        %swap3A_619 = vector.shape_cast %swap3A_618 : vector<1x1x16xi32> to vector<16xi32>
        %swap3A_620 = vector.shape_cast %get3A_613 : vector<16xi32> to vector<1x1x16xi32>
        tpu.vector_store %arg6[%swap3A_615, %swap3A_616, %swap3A_617], %swap3A_620 {strides = array<i32>} : memref<26x5x128xi32, #tpu.memory_space<vmem>>, vector<1x1x16xi32>,
        %get3A_621 = arith.constant 10 : i32
        %get3A_622 = arith.index_cast %scan3A_361 : i32 to index
        %get3A_623 = arith.index_cast %get3A_621 : i32 to index
        %get3A_624 = arith.constant 0 : index
        %get3A_625 = tpu.vector_load %arg5[%get3A_622, %get3A_623, %get3A_624] {strides = array<i32>} : memref<26x20x32xi32, #tpu.memory_space<vmem>>, vector<1x1x16xi32>,
        %get3A_626 = vector.shape_cast %get3A_625 : vector<1x1x16xi32> to vector<16xi32>
        %swap3A_627 = arith.constant 2 : i32
        %swap3A_628 = arith.index_cast %scan3A_361 : i32 to index
        %swap3A_629 = arith.index_cast %swap3A_627 : i32 to index
        %swap3A_630 = arith.constant 64 : index
        %swap3A_631 = tpu.vector_load %arg6[%swap3A_628, %swap3A_629, %swap3A_630] {strides = array<i32>} : memref<26x5x128xi32, #tpu.memory_space<vmem>>, vector<1x1x16xi32>,
        %swap3A_632 = vector.shape_cast %swap3A_631 : vector<1x1x16xi32> to vector<16xi32>
        %swap3A_633 = vector.shape_cast %get3A_626 : vector<16xi32> to vector<1x1x16xi32>
        tpu.vector_store %arg6[%swap3A_628, %swap3A_629, %swap3A_630], %swap3A_633 {strides = array<i32>} : memref<26x5x128xi32, #tpu.memory_space<vmem>>, vector<1x1x16xi32>,
        %get3A_634 = arith.constant 10 : i32
        %get3A_635 = arith.index_cast %scan3A_361 : i32 to index
        %get3A_636 = arith.index_cast %get3A_634 : i32 to index
        %get3A_637 = arith.constant 16 : index
        %get3A_638 = tpu.vector_load %arg5[%get3A_635, %get3A_636, %get3A_637] {strides = array<i32>} : memref<26x20x32xi32, #tpu.memory_space<vmem>>, vector<1x1x16xi32>,
        %get3A_639 = vector.shape_cast %get3A_638 : vector<1x1x16xi32> to vector<16xi32>
        %swap3A_640 = arith.constant 2 : i32
        %swap3A_641 = arith.index_cast %scan3A_361 : i32 to index
        %swap3A_642 = arith.index_cast %swap3A_640 : i32 to index
        %swap3A_643 = arith.constant 80 : index
        %swap3A_644 = tpu.vector_load %arg6[%swap3A_641, %swap3A_642, %swap3A_643] {strides = array<i32>} : memref<26x5x128xi32, #tpu.memory_space<vmem>>, vector<1x1x16xi32>,
        %swap3A_645 = vector.shape_cast %swap3A_644 : vector<1x1x16xi32> to vector<16xi32>
        %swap3A_646 = vector.shape_cast %get3A_639 : vector<16xi32> to vector<1x1x16xi32>
        tpu.vector_store %arg6[%swap3A_641, %swap3A_642, %swap3A_643], %swap3A_646 {strides = array<i32>} : memref<26x5x128xi32, #tpu.memory_space<vmem>>, vector<1x1x16xi32>,
        %get3A_647 = arith.constant 11 : i32
        %get3A_648 = arith.index_cast %scan3A_361 : i32 to index
        %get3A_649 = arith.index_cast %get3A_647 : i32 to index
        %get3A_650 = arith.constant 0 : index
        %get3A_651 = tpu.vector_load %arg5[%get3A_648, %get3A_649, %get3A_650] {strides = array<i32>} : memref<26x20x32xi32, #tpu.memory_space<vmem>>, vector<1x1x16xi32>,
        %get3A_652 = vector.shape_cast %get3A_651 : vector<1x1x16xi32> to vector<16xi32>
        %swap3A_653 = arith.constant 2 : i32
        %swap3A_654 = arith.index_cast %scan3A_361 : i32 to index
        %swap3A_655 = arith.index_cast %swap3A_653 : i32 to index
        %swap3A_656 = arith.constant 96 : index
        %swap3A_657 = tpu.vector_load %arg6[%swap3A_654, %swap3A_655, %swap3A_656] {strides = array<i32>} : memref<26x5x128xi32, #tpu.memory_space<vmem>>, vector<1x1x16xi32>,
        %swap3A_658 = vector.shape_cast %swap3A_657 : vector<1x1x16xi32> to vector<16xi32>
        %swap3A_659 = vector.shape_cast %get3A_652 : vector<16xi32> to vector<1x1x16xi32>
        tpu.vector_store %arg6[%swap3A_654, %swap3A_655, %swap3A_656], %swap3A_659 {strides = array<i32>} : memref<26x5x128xi32, #tpu.memory_space<vmem>>, vector<1x1x16xi32>,
        %get3A_660 = arith.constant 11 : i32
        %get3A_661 = arith.index_cast %scan3A_361 : i32 to index
        %get3A_662 = arith.index_cast %get3A_660 : i32 to index
        %get3A_663 = arith.constant 16 : index
        %get3A_664 = tpu.vector_load %arg5[%get3A_661, %get3A_662, %get3A_663] {strides = array<i32>} : memref<26x20x32xi32, #tpu.memory_space<vmem>>, vector<1x1x16xi32>,
        %get3A_665 = vector.shape_cast %get3A_664 : vector<1x1x16xi32> to vector<16xi32>
        %swap3A_666 = arith.constant 2 : i32
        %swap3A_667 = arith.index_cast %scan3A_361 : i32 to index
        %swap3A_668 = arith.index_cast %swap3A_666 : i32 to index
        %swap3A_669 = arith.constant 112 : index
        %swap3A_670 = tpu.vector_load %arg6[%swap3A_667, %swap3A_668, %swap3A_669] {strides = array<i32>} : memref<26x5x128xi32, #tpu.memory_space<vmem>>, vector<1x1x16xi32>,
        %swap3A_671 = vector.shape_cast %swap3A_670 : vector<1x1x16xi32> to vector<16xi32>
        %swap3A_672 = vector.shape_cast %get3A_665 : vector<16xi32> to vector<1x1x16xi32>
        tpu.vector_store %arg6[%swap3A_667, %swap3A_668, %swap3A_669], %swap3A_672 {strides = array<i32>} : memref<26x5x128xi32, #tpu.memory_space<vmem>>, vector<1x1x16xi32>,
        %get3A_673 = arith.constant 12 : i32
        %get3A_674 = arith.index_cast %scan3A_361 : i32 to index
        %get3A_675 = arith.index_cast %get3A_673 : i32 to index
        %get3A_676 = arith.constant 0 : index
        %get3A_677 = tpu.vector_load %arg5[%get3A_674, %get3A_675, %get3A_676] {strides = array<i32>} : memref<26x20x32xi32, #tpu.memory_space<vmem>>, vector<1x1x16xi32>,
        %get3A_678 = vector.shape_cast %get3A_677 : vector<1x1x16xi32> to vector<16xi32>
        %swap3A_679 = arith.constant 3 : i32
        %swap3A_680 = arith.index_cast %scan3A_361 : i32 to index
        %swap3A_681 = arith.index_cast %swap3A_679 : i32 to index
        %swap3A_682 = arith.constant 0 : index
        %swap3A_683 = tpu.vector_load %arg6[%swap3A_680, %swap3A_681, %swap3A_682] {strides = array<i32>} : memref<26x5x128xi32, #tpu.memory_space<vmem>>, vector<1x1x16xi32>,
        %swap3A_684 = vector.shape_cast %swap3A_683 : vector<1x1x16xi32> to vector<16xi32>
        %swap3A_685 = vector.shape_cast %get3A_678 : vector<16xi32> to vector<1x1x16xi32>
        tpu.vector_store %arg6[%swap3A_680, %swap3A_681, %swap3A_682], %swap3A_685 {strides = array<i32>} : memref<26x5x128xi32, #tpu.memory_space<vmem>>, vector<1x1x16xi32>,
        %get3A_686 = arith.constant 12 : i32
        %get3A_687 = arith.index_cast %scan3A_361 : i32 to index
        %get3A_688 = arith.index_cast %get3A_686 : i32 to index
        %get3A_689 = arith.constant 16 : index
        %get3A_690 = tpu.vector_load %arg5[%get3A_687, %get3A_688, %get3A_689] {strides = array<i32>} : memref<26x20x32xi32, #tpu.memory_space<vmem>>, vector<1x1x16xi32>,
        %get3A_691 = vector.shape_cast %get3A_690 : vector<1x1x16xi32> to vector<16xi32>
        %swap3A_692 = arith.constant 3 : i32
        %swap3A_693 = arith.index_cast %scan3A_361 : i32 to index
        %swap3A_694 = arith.index_cast %swap3A_692 : i32 to index
        %swap3A_695 = arith.constant 16 : index
        %swap3A_696 = tpu.vector_load %arg6[%swap3A_693, %swap3A_694, %swap3A_695] {strides = array<i32>} : memref<26x5x128xi32, #tpu.memory_space<vmem>>, vector<1x1x16xi32>,
        %swap3A_697 = vector.shape_cast %swap3A_696 : vector<1x1x16xi32> to vector<16xi32>
        %swap3A_698 = vector.shape_cast %get3A_691 : vector<16xi32> to vector<1x1x16xi32>
        tpu.vector_store %arg6[%swap3A_693, %swap3A_694, %swap3A_695], %swap3A_698 {strides = array<i32>} : memref<26x5x128xi32, #tpu.memory_space<vmem>>, vector<1x1x16xi32>,
        %get3A_699 = arith.constant 13 : i32
        %get3A_700 = arith.index_cast %scan3A_361 : i32 to index
        %get3A_701 = arith.index_cast %get3A_699 : i32 to index
        %get3A_702 = arith.constant 0 : index
        %get3A_703 = tpu.vector_load %arg5[%get3A_700, %get3A_701, %get3A_702] {strides = array<i32>} : memref<26x20x32xi32, #tpu.memory_space<vmem>>, vector<1x1x16xi32>,
        %get3A_704 = vector.shape_cast %get3A_703 : vector<1x1x16xi32> to vector<16xi32>
        %swap3A_705 = arith.constant 3 : i32
        %swap3A_706 = arith.index_cast %scan3A_361 : i32 to index
        %swap3A_707 = arith.index_cast %swap3A_705 : i32 to index
        %swap3A_708 = arith.constant 32 : index
        %swap3A_709 = tpu.vector_load %arg6[%swap3A_706, %swap3A_707, %swap3A_708] {strides = array<i32>} : memref<26x5x128xi32, #tpu.memory_space<vmem>>, vector<1x1x16xi32>,
        %swap3A_710 = vector.shape_cast %swap3A_709 : vector<1x1x16xi32> to vector<16xi32>
        %swap3A_711 = vector.shape_cast %get3A_704 : vector<16xi32> to vector<1x1x16xi32>
        tpu.vector_store %arg6[%swap3A_706, %swap3A_707, %swap3A_708], %swap3A_711 {strides = array<i32>} : memref<26x5x128xi32, #tpu.memory_space<vmem>>, vector<1x1x16xi32>,
        %get3A_712 = arith.constant 13 : i32
        %get3A_713 = arith.index_cast %scan3A_361 : i32 to index
        %get3A_714 = arith.index_cast %get3A_712 : i32 to index
        %get3A_715 = arith.constant 16 : index
        %get3A_716 = tpu.vector_load %arg5[%get3A_713, %get3A_714, %get3A_715] {strides = array<i32>} : memref<26x20x32xi32, #tpu.memory_space<vmem>>, vector<1x1x16xi32>,
        %get3A_717 = vector.shape_cast %get3A_716 : vector<1x1x16xi32> to vector<16xi32>
        %swap3A_718 = arith.constant 3 : i32
        %swap3A_719 = arith.index_cast %scan3A_361 : i32 to index
        %swap3A_720 = arith.index_cast %swap3A_718 : i32 to index
        %swap3A_721 = arith.constant 48 : index
        %swap3A_722 = tpu.vector_load %arg6[%swap3A_719, %swap3A_720, %swap3A_721] {strides = array<i32>} : memref<26x5x128xi32, #tpu.memory_space<vmem>>, vector<1x1x16xi32>,
        %swap3A_723 = vector.shape_cast %swap3A_722 : vector<1x1x16xi32> to vector<16xi32>
        %swap3A_724 = vector.shape_cast %get3A_717 : vector<16xi32> to vector<1x1x16xi32>
        tpu.vector_store %arg6[%swap3A_719, %swap3A_720, %swap3A_721], %swap3A_724 {strides = array<i32>} : memref<26x5x128xi32, #tpu.memory_space<vmem>>, vector<1x1x16xi32>,
        %get3A_725 = arith.constant 14 : i32
        %get3A_726 = arith.index_cast %scan3A_361 : i32 to index
        %get3A_727 = arith.index_cast %get3A_725 : i32 to index
        %get3A_728 = arith.constant 0 : index
        %get3A_729 = tpu.vector_load %arg5[%get3A_726, %get3A_727, %get3A_728] {strides = array<i32>} : memref<26x20x32xi32, #tpu.memory_space<vmem>>, vector<1x1x16xi32>,
        %get3A_730 = vector.shape_cast %get3A_729 : vector<1x1x16xi32> to vector<16xi32>
        %swap3A_731 = arith.constant 3 : i32
        %swap3A_732 = arith.index_cast %scan3A_361 : i32 to index
        %swap3A_733 = arith.index_cast %swap3A_731 : i32 to index
        %swap3A_734 = arith.constant 64 : index
        %swap3A_735 = tpu.vector_load %arg6[%swap3A_732, %swap3A_733, %swap3A_734] {strides = array<i32>} : memref<26x5x128xi32, #tpu.memory_space<vmem>>, vector<1x1x16xi32>,
        %swap3A_736 = vector.shape_cast %swap3A_735 : vector<1x1x16xi32> to vector<16xi32>
        %swap3A_737 = vector.shape_cast %get3A_730 : vector<16xi32> to vector<1x1x16xi32>
        tpu.vector_store %arg6[%swap3A_732, %swap3A_733, %swap3A_734], %swap3A_737 {strides = array<i32>} : memref<26x5x128xi32, #tpu.memory_space<vmem>>, vector<1x1x16xi32>,
        %get3A_738 = arith.constant 14 : i32
        %get3A_739 = arith.index_cast %scan3A_361 : i32 to index
        %get3A_740 = arith.index_cast %get3A_738 : i32 to index
        %get3A_741 = arith.constant 16 : index
        %get3A_742 = tpu.vector_load %arg5[%get3A_739, %get3A_740, %get3A_741] {strides = array<i32>} : memref<26x20x32xi32, #tpu.memory_space<vmem>>, vector<1x1x16xi32>,
        %get3A_743 = vector.shape_cast %get3A_742 : vector<1x1x16xi32> to vector<16xi32>
        %swap3A_744 = arith.constant 3 : i32
        %swap3A_745 = arith.index_cast %scan3A_361 : i32 to index
        %swap3A_746 = arith.index_cast %swap3A_744 : i32 to index
        %swap3A_747 = arith.constant 80 : index
        %swap3A_748 = tpu.vector_load %arg6[%swap3A_745, %swap3A_746, %swap3A_747] {strides = array<i32>} : memref<26x5x128xi32, #tpu.memory_space<vmem>>, vector<1x1x16xi32>,
        %swap3A_749 = vector.shape_cast %swap3A_748 : vector<1x1x16xi32> to vector<16xi32>
        %swap3A_750 = vector.shape_cast %get3A_743 : vector<16xi32> to vector<1x1x16xi32>
        tpu.vector_store %arg6[%swap3A_745, %swap3A_746, %swap3A_747], %swap3A_750 {strides = array<i32>} : memref<26x5x128xi32, #tpu.memory_space<vmem>>, vector<1x1x16xi32>,
        %get3A_751 = arith.constant 15 : i32
        %get3A_752 = arith.index_cast %scan3A_361 : i32 to index
        %get3A_753 = arith.index_cast %get3A_751 : i32 to index
        %get3A_754 = arith.constant 0 : index
        %get3A_755 = tpu.vector_load %arg5[%get3A_752, %get3A_753, %get3A_754] {strides = array<i32>} : memref<26x20x32xi32, #tpu.memory_space<vmem>>, vector<1x1x16xi32>,
        %get3A_756 = vector.shape_cast %get3A_755 : vector<1x1x16xi32> to vector<16xi32>
        %swap3A_757 = arith.constant 3 : i32
        %swap3A_758 = arith.index_cast %scan3A_361 : i32 to index
        %swap3A_759 = arith.index_cast %swap3A_757 : i32 to index
        %swap3A_760 = arith.constant 96 : index
        %swap3A_761 = tpu.vector_load %arg6[%swap3A_758, %swap3A_759, %swap3A_760] {strides = array<i32>} : memref<26x5x128xi32, #tpu.memory_space<vmem>>, vector<1x1x16xi32>,
        %swap3A_762 = vector.shape_cast %swap3A_761 : vector<1x1x16xi32> to vector<16xi32>
        %swap3A_763 = vector.shape_cast %get3A_756 : vector<16xi32> to vector<1x1x16xi32>
        tpu.vector_store %arg6[%swap3A_758, %swap3A_759, %swap3A_760], %swap3A_763 {strides = array<i32>} : memref<26x5x128xi32, #tpu.memory_space<vmem>>, vector<1x1x16xi32>,
        %get3A_764 = arith.constant 15 : i32
        %get3A_765 = arith.index_cast %scan3A_361 : i32 to index
        %get3A_766 = arith.index_cast %get3A_764 : i32 to index
        %get3A_767 = arith.constant 16 : index
        %get3A_768 = tpu.vector_load %arg5[%get3A_765, %get3A_766, %get3A_767] {strides = array<i32>} : memref<26x20x32xi32, #tpu.memory_space<vmem>>, vector<1x1x16xi32>,
        %get3A_769 = vector.shape_cast %get3A_768 : vector<1x1x16xi32> to vector<16xi32>
        %swap3A_770 = arith.constant 3 : i32
        %swap3A_771 = arith.index_cast %scan3A_361 : i32 to index
        %swap3A_772 = arith.index_cast %swap3A_770 : i32 to index
        %swap3A_773 = arith.constant 112 : index
        %swap3A_774 = tpu.vector_load %arg6[%swap3A_771, %swap3A_772, %swap3A_773] {strides = array<i32>} : memref<26x5x128xi32, #tpu.memory_space<vmem>>, vector<1x1x16xi32>,
        %swap3A_775 = vector.shape_cast %swap3A_774 : vector<1x1x16xi32> to vector<16xi32>
        %swap3A_776 = vector.shape_cast %get3A_769 : vector<16xi32> to vector<1x1x16xi32>
        tpu.vector_store %arg6[%swap3A_771, %swap3A_772, %swap3A_773], %swap3A_776 {strides = array<i32>} : memref<26x5x128xi32, #tpu.memory_space<vmem>>, vector<1x1x16xi32>,
        %get3A_777 = arith.constant 16 : i32
        %get3A_778 = arith.index_cast %scan3A_361 : i32 to index
        %get3A_779 = arith.index_cast %get3A_777 : i32 to index
        %get3A_780 = arith.constant 0 : index
        %get3A_781 = tpu.vector_load %arg5[%get3A_778, %get3A_779, %get3A_780] {strides = array<i32>} : memref<26x20x32xi32, #tpu.memory_space<vmem>>, vector<1x1x16xi32>,
        %get3A_782 = vector.shape_cast %get3A_781 : vector<1x1x16xi32> to vector<16xi32>
        %swap3A_783 = arith.constant 4 : i32
        %swap3A_784 = arith.index_cast %scan3A_361 : i32 to index
        %swap3A_785 = arith.index_cast %swap3A_783 : i32 to index
        %swap3A_786 = arith.constant 0 : index
        %swap3A_787 = tpu.vector_load %arg6[%swap3A_784, %swap3A_785, %swap3A_786] {strides = array<i32>} : memref<26x5x128xi32, #tpu.memory_space<vmem>>, vector<1x1x16xi32>,
        %swap3A_788 = vector.shape_cast %swap3A_787 : vector<1x1x16xi32> to vector<16xi32>
        %swap3A_789 = vector.shape_cast %get3A_782 : vector<16xi32> to vector<1x1x16xi32>
        tpu.vector_store %arg6[%swap3A_784, %swap3A_785, %swap3A_786], %swap3A_789 {strides = array<i32>} : memref<26x5x128xi32, #tpu.memory_space<vmem>>, vector<1x1x16xi32>,
        %get3A_790 = arith.constant 16 : i32
        %get3A_791 = arith.index_cast %scan3A_361 : i32 to index
        %get3A_792 = arith.index_cast %get3A_790 : i32 to index
        %get3A_793 = arith.constant 16 : index
        %get3A_794 = tpu.vector_load %arg5[%get3A_791, %get3A_792, %get3A_793] {strides = array<i32>} : memref<26x20x32xi32, #tpu.memory_space<vmem>>, vector<1x1x16xi32>,
        %get3A_795 = vector.shape_cast %get3A_794 : vector<1x1x16xi32> to vector<16xi32>
        %swap3A_796 = arith.constant 4 : i32
        %swap3A_797 = arith.index_cast %scan3A_361 : i32 to index
        %swap3A_798 = arith.index_cast %swap3A_796 : i32 to index
        %swap3A_799 = arith.constant 16 : index
        %swap3A_800 = tpu.vector_load %arg6[%swap3A_797, %swap3A_798, %swap3A_799] {strides = array<i32>} : memref<26x5x128xi32, #tpu.memory_space<vmem>>, vector<1x1x16xi32>,
        %swap3A_801 = vector.shape_cast %swap3A_800 : vector<1x1x16xi32> to vector<16xi32>
        %swap3A_802 = vector.shape_cast %get3A_795 : vector<16xi32> to vector<1x1x16xi32>
        tpu.vector_store %arg6[%swap3A_797, %swap3A_798, %swap3A_799], %swap3A_802 {strides = array<i32>} : memref<26x5x128xi32, #tpu.memory_space<vmem>>, vector<1x1x16xi32>,
        %get3A_803 = arith.constant 17 : i32
        %get3A_804 = arith.index_cast %scan3A_361 : i32 to index
        %get3A_805 = arith.index_cast %get3A_803 : i32 to index
        %get3A_806 = arith.constant 0 : index
        %get3A_807 = tpu.vector_load %arg5[%get3A_804, %get3A_805, %get3A_806] {strides = array<i32>} : memref<26x20x32xi32, #tpu.memory_space<vmem>>, vector<1x1x16xi32>,
        %get3A_808 = vector.shape_cast %get3A_807 : vector<1x1x16xi32> to vector<16xi32>
        %swap3A_809 = arith.constant 4 : i32
        %swap3A_810 = arith.index_cast %scan3A_361 : i32 to index
        %swap3A_811 = arith.index_cast %swap3A_809 : i32 to index
        %swap3A_812 = arith.constant 32 : index
        %swap3A_813 = tpu.vector_load %arg6[%swap3A_810, %swap3A_811, %swap3A_812] {strides = array<i32>} : memref<26x5x128xi32, #tpu.memory_space<vmem>>, vector<1x1x16xi32>,
        %swap3A_814 = vector.shape_cast %swap3A_813 : vector<1x1x16xi32> to vector<16xi32>
        %swap3A_815 = vector.shape_cast %get3A_808 : vector<16xi32> to vector<1x1x16xi32>
        tpu.vector_store %arg6[%swap3A_810, %swap3A_811, %swap3A_812], %swap3A_815 {strides = array<i32>} : memref<26x5x128xi32, #tpu.memory_space<vmem>>, vector<1x1x16xi32>,
        %get3A_816 = arith.constant 17 : i32
        %get3A_817 = arith.index_cast %scan3A_361 : i32 to index
        %get3A_818 = arith.index_cast %get3A_816 : i32 to index
        %get3A_819 = arith.constant 16 : index
        %get3A_820 = tpu.vector_load %arg5[%get3A_817, %get3A_818, %get3A_819] {strides = array<i32>} : memref<26x20x32xi32, #tpu.memory_space<vmem>>, vector<1x1x16xi32>,
        %get3A_821 = vector.shape_cast %get3A_820 : vector<1x1x16xi32> to vector<16xi32>
        %swap3A_822 = arith.constant 4 : i32
        %swap3A_823 = arith.index_cast %scan3A_361 : i32 to index
        %swap3A_824 = arith.index_cast %swap3A_822 : i32 to index
        %swap3A_825 = arith.constant 48 : index
        %swap3A_826 = tpu.vector_load %arg6[%swap3A_823, %swap3A_824, %swap3A_825] {strides = array<i32>} : memref<26x5x128xi32, #tpu.memory_space<vmem>>, vector<1x1x16xi32>,
        %swap3A_827 = vector.shape_cast %swap3A_826 : vector<1x1x16xi32> to vector<16xi32>
        %swap3A_828 = vector.shape_cast %get3A_821 : vector<16xi32> to vector<1x1x16xi32>
        tpu.vector_store %arg6[%swap3A_823, %swap3A_824, %swap3A_825], %swap3A_828 {strides = array<i32>} : memref<26x5x128xi32, #tpu.memory_space<vmem>>, vector<1x1x16xi32>,
        %get3A_829 = arith.constant 18 : i32
        %get3A_830 = arith.index_cast %scan3A_361 : i32 to index
        %get3A_831 = arith.index_cast %get3A_829 : i32 to index
        %get3A_832 = arith.constant 0 : index
        %get3A_833 = tpu.vector_load %arg5[%get3A_830, %get3A_831, %get3A_832] {strides = array<i32>} : memref<26x20x32xi32, #tpu.memory_space<vmem>>, vector<1x1x16xi32>,
        %get3A_834 = vector.shape_cast %get3A_833 : vector<1x1x16xi32> to vector<16xi32>
        %swap3A_835 = arith.constant 4 : i32
        %swap3A_836 = arith.index_cast %scan3A_361 : i32 to index
        %swap3A_837 = arith.index_cast %swap3A_835 : i32 to index
        %swap3A_838 = arith.constant 64 : index
        %swap3A_839 = tpu.vector_load %arg6[%swap3A_836, %swap3A_837, %swap3A_838] {strides = array<i32>} : memref<26x5x128xi32, #tpu.memory_space<vmem>>, vector<1x1x16xi32>,
        %swap3A_840 = vector.shape_cast %swap3A_839 : vector<1x1x16xi32> to vector<16xi32>
        %swap3A_841 = vector.shape_cast %get3A_834 : vector<16xi32> to vector<1x1x16xi32>
        tpu.vector_store %arg6[%swap3A_836, %swap3A_837, %swap3A_838], %swap3A_841 {strides = array<i32>} : memref<26x5x128xi32, #tpu.memory_space<vmem>>, vector<1x1x16xi32>,
        %get3A_842 = arith.constant 18 : i32
        %get3A_843 = arith.index_cast %scan3A_361 : i32 to index
        %get3A_844 = arith.index_cast %get3A_842 : i32 to index
        %get3A_845 = arith.constant 16 : index
        %get3A_846 = tpu.vector_load %arg5[%get3A_843, %get3A_844, %get3A_845] {strides = array<i32>} : memref<26x20x32xi32, #tpu.memory_space<vmem>>, vector<1x1x16xi32>,
        %get3A_847 = vector.shape_cast %get3A_846 : vector<1x1x16xi32> to vector<16xi32>
        %swap3A_848 = arith.constant 4 : i32
        %swap3A_849 = arith.index_cast %scan3A_361 : i32 to index
        %swap3A_850 = arith.index_cast %swap3A_848 : i32 to index
        %swap3A_851 = arith.constant 80 : index
        %swap3A_852 = tpu.vector_load %arg6[%swap3A_849, %swap3A_850, %swap3A_851] {strides = array<i32>} : memref<26x5x128xi32, #tpu.memory_space<vmem>>, vector<1x1x16xi32>,
        %swap3A_853 = vector.shape_cast %swap3A_852 : vector<1x1x16xi32> to vector<16xi32>
        %swap3A_854 = vector.shape_cast %get3A_847 : vector<16xi32> to vector<1x1x16xi32>
        tpu.vector_store %arg6[%swap3A_849, %swap3A_850, %swap3A_851], %swap3A_854 {strides = array<i32>} : memref<26x5x128xi32, #tpu.memory_space<vmem>>, vector<1x1x16xi32>,
        %get3A_855 = arith.constant 19 : i32
        %get3A_856 = arith.index_cast %scan3A_361 : i32 to index
        %get3A_857 = arith.index_cast %get3A_855 : i32 to index
        %get3A_858 = arith.constant 0 : index
        %get3A_859 = tpu.vector_load %arg5[%get3A_856, %get3A_857, %get3A_858] {strides = array<i32>} : memref<26x20x32xi32, #tpu.memory_space<vmem>>, vector<1x1x16xi32>,
        %get3A_860 = vector.shape_cast %get3A_859 : vector<1x1x16xi32> to vector<16xi32>
        %swap3A_861 = arith.constant 4 : i32
        %swap3A_862 = arith.index_cast %scan3A_361 : i32 to index
        %swap3A_863 = arith.index_cast %swap3A_861 : i32 to index
        %swap3A_864 = arith.constant 96 : index
        %swap3A_865 = tpu.vector_load %arg6[%swap3A_862, %swap3A_863, %swap3A_864] {strides = array<i32>} : memref<26x5x128xi32, #tpu.memory_space<vmem>>, vector<1x1x16xi32>,
        %swap3A_866 = vector.shape_cast %swap3A_865 : vector<1x1x16xi32> to vector<16xi32>
        %swap3A_867 = vector.shape_cast %get3A_860 : vector<16xi32> to vector<1x1x16xi32>
        tpu.vector_store %arg6[%swap3A_862, %swap3A_863, %swap3A_864], %swap3A_867 {strides = array<i32>} : memref<26x5x128xi32, #tpu.memory_space<vmem>>, vector<1x1x16xi32>,
        %get3A_868 = arith.constant 19 : i32
        %get3A_869 = arith.index_cast %scan3A_361 : i32 to index
        %get3A_870 = arith.index_cast %get3A_868 : i32 to index
        %get3A_871 = arith.constant 16 : index
        %get3A_872 = tpu.vector_load %arg5[%get3A_869, %get3A_870, %get3A_871] {strides = array<i32>} : memref<26x20x32xi32, #tpu.memory_space<vmem>>, vector<1x1x16xi32>,
        %get3A_873 = vector.shape_cast %get3A_872 : vector<1x1x16xi32> to vector<16xi32>
        %swap3A_874 = arith.constant 4 : i32
        %swap3A_875 = arith.index_cast %scan3A_361 : i32 to index
        %swap3A_876 = arith.index_cast %swap3A_874 : i32 to index
        %swap3A_877 = arith.constant 112 : index
        %swap3A_878 = tpu.vector_load %arg6[%swap3A_875, %swap3A_876, %swap3A_877] {strides = array<i32>} : memref<26x5x128xi32, #tpu.memory_space<vmem>>, vector<1x1x16xi32>,
        %swap3A_879 = vector.shape_cast %swap3A_878 : vector<1x1x16xi32> to vector<16xi32>
        %swap3A_880 = vector.shape_cast %get3A_873 : vector<16xi32> to vector<1x1x16xi32>
        tpu.vector_store %arg6[%swap3A_875, %swap3A_876, %swap3A_877], %swap3A_880 {strides = array<i32>} : memref<26x5x128xi32, #tpu.memory_space<vmem>>, vector<1x1x16xi32>,
        %scan3A_881 = arith.constant 0 : i32
        scf.yield %scan3A_881 : i32
      }
      %scan3A_20 = arith.constant 26 : i32
      %dma_start3A = arith.constant 0 : i32
      %dma_start3A_21 = arith.constant 0 : i32
      %dma_start3A_22 = arith.constant 0 : i32
      %dma_start3A_23 = arith.constant 0 : i32
      %dma_start3A_24 = arith.constant 0 : i32
      %dma_start3A_25 = tpu.memref_slice %arg7[%dma_start3A_23, %dma_start3A_24] : memref<640x32xf32, #tpu.memory_space<vmem>> -> memref<128x32xf32, #tpu.memory_space<vmem>>
      %dma_start3A_26 = arith.constant 0 : i32
      %dma_start3A_27 = tpu.memref_slice %arg6[%dma_start3A_21, %dma_start3A_22, %dma_start3A_26] : memref<26x5x128xi32, #tpu.memory_space<vmem>> -> memref<1x1x128xi32, #tpu.memory_space<vmem>>
      %dma_start3A_28 = tpu.memref_squeeze %dma_start3A_27 : memref<1x1x128xi32, #tpu.memory_space<vmem>> -> memref<128xi32, #tpu.memory_space<vmem>>
      %dma_start3A_29 = arith.constant 0 : i32
      %dma_start3A_30 = arith.constant 0 : i32
      %dma_start3A_31 = tpu.memref_slice %arg3[%dma_start3A, %dma_start3A_29, %dma_start3A_30] : memref<26x100000x32xf32, #tpu.memory_space<hbm>> -> memref<1x100000x32xf32, #tpu.memory_space<hbm>>
      %dma_start3A_32 = tpu.memref_squeeze %dma_start3A_31 : memref<1x100000x32xf32, #tpu.memory_space<hbm>> -> memref<100000x32xf32, #tpu.memory_space<hbm>>
      %dma_start3A_33 = arith.constant 0 : i32
      %dma_start3A_34 = arith.constant 0 : i32
      %dma_start3A_35 = tpu.memref_slice %dma_start3A_32[%dma_start3A_33, %dma_start3A_34] : memref<100000x32xf32, #tpu.memory_space<hbm>> -> memref<100000x32xf32, #tpu.memory_space<hbm>>
      tpu.enqueue_indirect_dma source(%dma_start3A_35 : memref<100000x32xf32, #tpu.memory_space<hbm>>) target(%dma_start3A_25 : memref<128x32xf32, #tpu.memory_space<vmem>>) offsets(%dma_start3A_28 : memref<128xi32, #tpu.memory_space<vmem>>) semaphore(%arg10 : memref<!tpu.dma_semaphore, #tpu.memory_space<semaphore_mem>>)
      %dma_start3A_36 = arith.constant 0 : i32
      %dma_start3A_37 = arith.constant 0 : i32
      %dma_start3A_38 = arith.constant 1 : i32
      %dma_start3A_39 = arith.constant 128 : i32
      %dma_start3A_40 = arith.constant 0 : i32
      %dma_start3A_41 = tpu.memref_slice %arg7[%dma_start3A_39, %dma_start3A_40] : memref<640x32xf32, #tpu.memory_space<vmem>> -> memref<128x32xf32, #tpu.memory_space<vmem>>
      %dma_start3A_42 = arith.constant 0 : i32
      %dma_start3A_43 = tpu.memref_slice %arg6[%dma_start3A_37, %dma_start3A_38, %dma_start3A_42] : memref<26x5x128xi32, #tpu.memory_space<vmem>> -> memref<1x1x128xi32, #tpu.memory_space<vmem>>
      %dma_start3A_44 = tpu.memref_squeeze %dma_start3A_43 : memref<1x1x128xi32, #tpu.memory_space<vmem>> -> memref<128xi32, #tpu.memory_space<vmem>>
      %dma_start3A_45 = arith.constant 0 : i32
      %dma_start3A_46 = arith.constant 0 : i32
      %dma_start3A_47 = tpu.memref_slice %arg3[%dma_start3A_36, %dma_start3A_45, %dma_start3A_46] : memref<26x100000x32xf32, #tpu.memory_space<hbm>> -> memref<1x100000x32xf32, #tpu.memory_space<hbm>>
      %dma_start3A_48 = tpu.memref_squeeze %dma_start3A_47 : memref<1x100000x32xf32, #tpu.memory_space<hbm>> -> memref<100000x32xf32, #tpu.memory_space<hbm>>
      %dma_start3A_49 = arith.constant 0 : i32
      %dma_start3A_50 = arith.constant 0 : i32
      %dma_start3A_51 = tpu.memref_slice %dma_start3A_48[%dma_start3A_49, %dma_start3A_50] : memref<100000x32xf32, #tpu.memory_space<hbm>> -> memref<100000x32xf32, #tpu.memory_space<hbm>>
      tpu.enqueue_indirect_dma source(%dma_start3A_51 : memref<100000x32xf32, #tpu.memory_space<hbm>>) target(%dma_start3A_41 : memref<128x32xf32, #tpu.memory_space<vmem>>) offsets(%dma_start3A_44 : memref<128xi32, #tpu.memory_space<vmem>>) semaphore(%arg10 : memref<!tpu.dma_semaphore, #tpu.memory_space<semaphore_mem>>)
      %dma_start3A_52 = arith.constant 0 : i32
      %dma_start3A_53 = arith.constant 0 : i32
      %dma_start3A_54 = arith.constant 2 : i32
      %dma_start3A_55 = arith.constant 256 : i32
      %dma_start3A_56 = arith.constant 0 : i32
      %dma_start3A_57 = tpu.memref_slice %arg7[%dma_start3A_55, %dma_start3A_56] : memref<640x32xf32, #tpu.memory_space<vmem>> -> memref<128x32xf32, #tpu.memory_space<vmem>>
      %dma_start3A_58 = arith.constant 0 : i32
      %dma_start3A_59 = tpu.memref_slice %arg6[%dma_start3A_53, %dma_start3A_54, %dma_start3A_58] : memref<26x5x128xi32, #tpu.memory_space<vmem>> -> memref<1x1x128xi32, #tpu.memory_space<vmem>>
      %dma_start3A_60 = tpu.memref_squeeze %dma_start3A_59 : memref<1x1x128xi32, #tpu.memory_space<vmem>> -> memref<128xi32, #tpu.memory_space<vmem>>
      %dma_start3A_61 = arith.constant 0 : i32
      %dma_start3A_62 = arith.constant 0 : i32
      %dma_start3A_63 = tpu.memref_slice %arg3[%dma_start3A_52, %dma_start3A_61, %dma_start3A_62] : memref<26x100000x32xf32, #tpu.memory_space<hbm>> -> memref<1x100000x32xf32, #tpu.memory_space<hbm>>
      %dma_start3A_64 = tpu.memref_squeeze %dma_start3A_63 : memref<1x100000x32xf32, #tpu.memory_space<hbm>> -> memref<100000x32xf32, #tpu.memory_space<hbm>>
      %dma_start3A_65 = arith.constant 0 : i32
      %dma_start3A_66 = arith.constant 0 : i32
      %dma_start3A_67 = tpu.memref_slice %dma_start3A_64[%dma_start3A_65, %dma_start3A_66] : memref<100000x32xf32, #tpu.memory_space<hbm>> -> memref<100000x32xf32, #tpu.memory_space<hbm>>
      tpu.enqueue_indirect_dma source(%dma_start3A_67 : memref<100000x32xf32, #tpu.memory_space<hbm>>) target(%dma_start3A_57 : memref<128x32xf32, #tpu.memory_space<vmem>>) offsets(%dma_start3A_60 : memref<128xi32, #tpu.memory_space<vmem>>) semaphore(%arg10 : memref<!tpu.dma_semaphore, #tpu.memory_space<semaphore_mem>>)
      %dma_start3A_68 = arith.constant 0 : i32
      %dma_start3A_69 = arith.constant 0 : i32
      %dma_start3A_70 = arith.constant 3 : i32
      %dma_start3A_71 = arith.constant 384 : i32
      %dma_start3A_72 = arith.constant 0 : i32
      %dma_start3A_73 = tpu.memref_slice %arg7[%dma_start3A_71, %dma_start3A_72] : memref<640x32xf32, #tpu.memory_space<vmem>> -> memref<128x32xf32, #tpu.memory_space<vmem>>
      %dma_start3A_74 = arith.constant 0 : i32
      %dma_start3A_75 = tpu.memref_slice %arg6[%dma_start3A_69, %dma_start3A_70, %dma_start3A_74] : memref<26x5x128xi32, #tpu.memory_space<vmem>> -> memref<1x1x128xi32, #tpu.memory_space<vmem>>
      %dma_start3A_76 = tpu.memref_squeeze %dma_start3A_75 : memref<1x1x128xi32, #tpu.memory_space<vmem>> -> memref<128xi32, #tpu.memory_space<vmem>>
      %dma_start3A_77 = arith.constant 0 : i32
      %dma_start3A_78 = arith.constant 0 : i32
      %dma_start3A_79 = tpu.memref_slice %arg3[%dma_start3A_68, %dma_start3A_77, %dma_start3A_78] : memref<26x100000x32xf32, #tpu.memory_space<hbm>> -> memref<1x100000x32xf32, #tpu.memory_space<hbm>>
      %dma_start3A_80 = tpu.memref_squeeze %dma_start3A_79 : memref<1x100000x32xf32, #tpu.memory_space<hbm>> -> memref<100000x32xf32, #tpu.memory_space<hbm>>
      %dma_start3A_81 = arith.constant 0 : i32
      %dma_start3A_82 = arith.constant 0 : i32
      %dma_start3A_83 = tpu.memref_slice %dma_start3A_80[%dma_start3A_81, %dma_start3A_82] : memref<100000x32xf32, #tpu.memory_space<hbm>> -> memref<100000x32xf32, #tpu.memory_space<hbm>>
      tpu.enqueue_indirect_dma source(%dma_start3A_83 : memref<100000x32xf32, #tpu.memory_space<hbm>>) target(%dma_start3A_73 : memref<128x32xf32, #tpu.memory_space<vmem>>) offsets(%dma_start3A_76 : memref<128xi32, #tpu.memory_space<vmem>>) semaphore(%arg10 : memref<!tpu.dma_semaphore, #tpu.memory_space<semaphore_mem>>)
      %dma_start3A_84 = arith.constant 0 : i32
      %dma_start3A_85 = arith.constant 0 : i32
      %dma_start3A_86 = arith.constant 4 : i32
      %dma_start3A_87 = arith.constant 512 : i32
      %dma_start3A_88 = arith.constant 0 : i32
      %dma_start3A_89 = tpu.memref_slice %arg7[%dma_start3A_87, %dma_start3A_88] : memref<640x32xf32, #tpu.memory_space<vmem>> -> memref<128x32xf32, #tpu.memory_space<vmem>>
      %dma_start3A_90 = arith.constant 0 : i32
      %dma_start3A_91 = tpu.memref_slice %arg6[%dma_start3A_85, %dma_start3A_86, %dma_start3A_90] : memref<26x5x128xi32, #tpu.memory_space<vmem>> -> memref<1x1x128xi32, #tpu.memory_space<vmem>>
      %dma_start3A_92 = tpu.memref_squeeze %dma_start3A_91 : memref<1x1x128xi32, #tpu.memory_space<vmem>> -> memref<128xi32, #tpu.memory_space<vmem>>
      %dma_start3A_93 = arith.constant 0 : i32
      %dma_start3A_94 = arith.constant 0 : i32
      %dma_start3A_95 = tpu.memref_slice %arg3[%dma_start3A_84, %dma_start3A_93, %dma_start3A_94] : memref<26x100000x32xf32, #tpu.memory_space<hbm>> -> memref<1x100000x32xf32, #tpu.memory_space<hbm>>
      %dma_start3A_96 = tpu.memref_squeeze %dma_start3A_95 : memref<1x100000x32xf32, #tpu.memory_space<hbm>> -> memref<100000x32xf32, #tpu.memory_space<hbm>>
      %dma_start3A_97 = arith.constant 0 : i32
      %dma_start3A_98 = arith.constant 0 : i32
      %dma_start3A_99 = tpu.memref_slice %dma_start3A_96[%dma_start3A_97, %dma_start3A_98] : memref<100000x32xf32, #tpu.memory_space<hbm>> -> memref<100000x32xf32, #tpu.memory_space<hbm>>
      tpu.enqueue_indirect_dma source(%dma_start3A_99 : memref<100000x32xf32, #tpu.memory_space<hbm>>) target(%dma_start3A_89 : memref<128x32xf32, #tpu.memory_space<vmem>>) offsets(%dma_start3A_92 : memref<128xi32, #tpu.memory_space<vmem>>) semaphore(%arg10 : memref<!tpu.dma_semaphore, #tpu.memory_space<semaphore_mem>>)
      %scan3A_100 = arith.constant 0 : i32
      %scan3A_101 = arith.constant 0 : i32
      %scan3A_102 = arith.constant 12 : i32
      %scan3A_103 = arith.addi %scan3A_101, %scan3A_102 : i32
      %scan3A_104 = arith.constant 1 : i32
      %scan3A_105 = scf.for %scan3A_361 = %scan3A_101 to %scan3A_103 step %scan3A_104 iter_args(%scan3A_362 = %scan3A_100) -> (i32)  : i32 {
        %mul3A_363 = arith.constant 2 : i32
        %mul3A_364 = arith.muli %mul3A_363, %scan3A_361 : i32
        %add3A_365 = arith.constant 1 : i32
        %add3A_366 = arith.addi %mul3A_364, %add3A_365 : i32
        %dma_start3A_367 = arith.constant 0 : i32
        %dma_start3A_368 = arith.constant 0 : i32
        %dma_start3A_369 = arith.constant 0 : i32
        %dma_start3A_370 = tpu.memref_slice %arg8[%dma_start3A_368, %dma_start3A_369] : memref<640x32xf32, #tpu.memory_space<vmem>> -> memref<128x32xf32, #tpu.memory_space<vmem>>
        %dma_start3A_371 = arith.constant 0 : i32
        %dma_start3A_372 = tpu.memref_slice %arg6[%add3A_366, %dma_start3A_367, %dma_start3A_371] : memref<26x5x128xi32, #tpu.memory_space<vmem>> -> memref<1x1x128xi32, #tpu.memory_space<vmem>>
        %dma_start3A_373 = tpu.memref_squeeze %dma_start3A_372 : memref<1x1x128xi32, #tpu.memory_space<vmem>> -> memref<128xi32, #tpu.memory_space<vmem>>
        %dma_start3A_374 = arith.constant 0 : i32
        %dma_start3A_375 = arith.constant 0 : i32
        %dma_start3A_376 = tpu.memref_slice %arg3[%add3A_366, %dma_start3A_374, %dma_start3A_375] : memref<26x100000x32xf32, #tpu.memory_space<hbm>> -> memref<1x100000x32xf32, #tpu.memory_space<hbm>>
        %dma_start3A_377 = tpu.memref_squeeze %dma_start3A_376 : memref<1x100000x32xf32, #tpu.memory_space<hbm>> -> memref<100000x32xf32, #tpu.memory_space<hbm>>
        %dma_start3A_378 = arith.constant 0 : i32
        %dma_start3A_379 = arith.constant 0 : i32
        %dma_start3A_380 = tpu.memref_slice %dma_start3A_377[%dma_start3A_378, %dma_start3A_379] : memref<100000x32xf32, #tpu.memory_space<hbm>> -> memref<100000x32xf32, #tpu.memory_space<hbm>>
        tpu.enqueue_indirect_dma source(%dma_start3A_380 : memref<100000x32xf32, #tpu.memory_space<hbm>>) target(%dma_start3A_370 : memref<128x32xf32, #tpu.memory_space<vmem>>) offsets(%dma_start3A_373 : memref<128xi32, #tpu.memory_space<vmem>>) semaphore(%arg11 : memref<!tpu.dma_semaphore, #tpu.memory_space<semaphore_mem>>)
        %dma_start3A_381 = arith.constant 1 : i32
        %dma_start3A_382 = arith.constant 128 : i32
        %dma_start3A_383 = arith.constant 0 : i32
        %dma_start3A_384 = tpu.memref_slice %arg8[%dma_start3A_382, %dma_start3A_383] : memref<640x32xf32, #tpu.memory_space<vmem>> -> memref<128x32xf32, #tpu.memory_space<vmem>>
        %dma_start3A_385 = arith.constant 0 : i32
        %dma_start3A_386 = tpu.memref_slice %arg6[%add3A_366, %dma_start3A_381, %dma_start3A_385] : memref<26x5x128xi32, #tpu.memory_space<vmem>> -> memref<1x1x128xi32, #tpu.memory_space<vmem>>
        %dma_start3A_387 = tpu.memref_squeeze %dma_start3A_386 : memref<1x1x128xi32, #tpu.memory_space<vmem>> -> memref<128xi32, #tpu.memory_space<vmem>>
        %dma_start3A_388 = arith.constant 0 : i32
        %dma_start3A_389 = arith.constant 0 : i32
        %dma_start3A_390 = tpu.memref_slice %arg3[%add3A_366, %dma_start3A_388, %dma_start3A_389] : memref<26x100000x32xf32, #tpu.memory_space<hbm>> -> memref<1x100000x32xf32, #tpu.memory_space<hbm>>
        %dma_start3A_391 = tpu.memref_squeeze %dma_start3A_390 : memref<1x100000x32xf32, #tpu.memory_space<hbm>> -> memref<100000x32xf32, #tpu.memory_space<hbm>>
        %dma_start3A_392 = arith.constant 0 : i32
        %dma_start3A_393 = arith.constant 0 : i32
        %dma_start3A_394 = tpu.memref_slice %dma_start3A_391[%dma_start3A_392, %dma_start3A_393] : memref<100000x32xf32, #tpu.memory_space<hbm>> -> memref<100000x32xf32, #tpu.memory_space<hbm>>
        tpu.enqueue_indirect_dma source(%dma_start3A_394 : memref<100000x32xf32, #tpu.memory_space<hbm>>) target(%dma_start3A_384 : memref<128x32xf32, #tpu.memory_space<vmem>>) offsets(%dma_start3A_387 : memref<128xi32, #tpu.memory_space<vmem>>) semaphore(%arg11 : memref<!tpu.dma_semaphore, #tpu.memory_space<semaphore_mem>>)
        %dma_start3A_395 = arith.constant 2 : i32
        %dma_start3A_396 = arith.constant 256 : i32
        %dma_start3A_397 = arith.constant 0 : i32
        %dma_start3A_398 = tpu.memref_slice %arg8[%dma_start3A_396, %dma_start3A_397] : memref<640x32xf32, #tpu.memory_space<vmem>> -> memref<128x32xf32, #tpu.memory_space<vmem>>
        %dma_start3A_399 = arith.constant 0 : i32
        %dma_start3A_400 = tpu.memref_slice %arg6[%add3A_366, %dma_start3A_395, %dma_start3A_399] : memref<26x5x128xi32, #tpu.memory_space<vmem>> -> memref<1x1x128xi32, #tpu.memory_space<vmem>>
        %dma_start3A_401 = tpu.memref_squeeze %dma_start3A_400 : memref<1x1x128xi32, #tpu.memory_space<vmem>> -> memref<128xi32, #tpu.memory_space<vmem>>
        %dma_start3A_402 = arith.constant 0 : i32
        %dma_start3A_403 = arith.constant 0 : i32
        %dma_start3A_404 = tpu.memref_slice %arg3[%add3A_366, %dma_start3A_402, %dma_start3A_403] : memref<26x100000x32xf32, #tpu.memory_space<hbm>> -> memref<1x100000x32xf32, #tpu.memory_space<hbm>>
        %dma_start3A_405 = tpu.memref_squeeze %dma_start3A_404 : memref<1x100000x32xf32, #tpu.memory_space<hbm>> -> memref<100000x32xf32, #tpu.memory_space<hbm>>
        %dma_start3A_406 = arith.constant 0 : i32
        %dma_start3A_407 = arith.constant 0 : i32
        %dma_start3A_408 = tpu.memref_slice %dma_start3A_405[%dma_start3A_406, %dma_start3A_407] : memref<100000x32xf32, #tpu.memory_space<hbm>> -> memref<100000x32xf32, #tpu.memory_space<hbm>>
        tpu.enqueue_indirect_dma source(%dma_start3A_408 : memref<100000x32xf32, #tpu.memory_space<hbm>>) target(%dma_start3A_398 : memref<128x32xf32, #tpu.memory_space<vmem>>) offsets(%dma_start3A_401 : memref<128xi32, #tpu.memory_space<vmem>>) semaphore(%arg11 : memref<!tpu.dma_semaphore, #tpu.memory_space<semaphore_mem>>)
        %dma_start3A_409 = arith.constant 3 : i32
        %dma_start3A_410 = arith.constant 384 : i32
        %dma_start3A_411 = arith.constant 0 : i32
        %dma_start3A_412 = tpu.memref_slice %arg8[%dma_start3A_410, %dma_start3A_411] : memref<640x32xf32, #tpu.memory_space<vmem>> -> memref<128x32xf32, #tpu.memory_space<vmem>>
        %dma_start3A_413 = arith.constant 0 : i32
        %dma_start3A_414 = tpu.memref_slice %arg6[%add3A_366, %dma_start3A_409, %dma_start3A_413] : memref<26x5x128xi32, #tpu.memory_space<vmem>> -> memref<1x1x128xi32, #tpu.memory_space<vmem>>
        %dma_start3A_415 = tpu.memref_squeeze %dma_start3A_414 : memref<1x1x128xi32, #tpu.memory_space<vmem>> -> memref<128xi32, #tpu.memory_space<vmem>>
        %dma_start3A_416 = arith.constant 0 : i32
        %dma_start3A_417 = arith.constant 0 : i32
        %dma_start3A_418 = tpu.memref_slice %arg3[%add3A_366, %dma_start3A_416, %dma_start3A_417] : memref<26x100000x32xf32, #tpu.memory_space<hbm>> -> memref<1x100000x32xf32, #tpu.memory_space<hbm>>
        %dma_start3A_419 = tpu.memref_squeeze %dma_start3A_418 : memref<1x100000x32xf32, #tpu.memory_space<hbm>> -> memref<100000x32xf32, #tpu.memory_space<hbm>>
        %dma_start3A_420 = arith.constant 0 : i32
        %dma_start3A_421 = arith.constant 0 : i32
        %dma_start3A_422 = tpu.memref_slice %dma_start3A_419[%dma_start3A_420, %dma_start3A_421] : memref<100000x32xf32, #tpu.memory_space<hbm>> -> memref<100000x32xf32, #tpu.memory_space<hbm>>
        tpu.enqueue_indirect_dma source(%dma_start3A_422 : memref<100000x32xf32, #tpu.memory_space<hbm>>) target(%dma_start3A_412 : memref<128x32xf32, #tpu.memory_space<vmem>>) offsets(%dma_start3A_415 : memref<128xi32, #tpu.memory_space<vmem>>) semaphore(%arg11 : memref<!tpu.dma_semaphore, #tpu.memory_space<semaphore_mem>>)
        %dma_start3A_423 = arith.constant 4 : i32
        %dma_start3A_424 = arith.constant 512 : i32
        %dma_start3A_425 = arith.constant 0 : i32
        %dma_start3A_426 = tpu.memref_slice %arg8[%dma_start3A_424, %dma_start3A_425] : memref<640x32xf32, #tpu.memory_space<vmem>> -> memref<128x32xf32, #tpu.memory_space<vmem>>
        %dma_start3A_427 = arith.constant 0 : i32
        %dma_start3A_428 = tpu.memref_slice %arg6[%add3A_366, %dma_start3A_423, %dma_start3A_427] : memref<26x5x128xi32, #tpu.memory_space<vmem>> -> memref<1x1x128xi32, #tpu.memory_space<vmem>>
        %dma_start3A_429 = tpu.memref_squeeze %dma_start3A_428 : memref<1x1x128xi32, #tpu.memory_space<vmem>> -> memref<128xi32, #tpu.memory_space<vmem>>
        %dma_start3A_430 = arith.constant 0 : i32
        %dma_start3A_431 = arith.constant 0 : i32
        %dma_start3A_432 = tpu.memref_slice %arg3[%add3A_366, %dma_start3A_430, %dma_start3A_431] : memref<26x100000x32xf32, #tpu.memory_space<hbm>> -> memref<1x100000x32xf32, #tpu.memory_space<hbm>>
        %dma_start3A_433 = tpu.memref_squeeze %dma_start3A_432 : memref<1x100000x32xf32, #tpu.memory_space<hbm>> -> memref<100000x32xf32, #tpu.memory_space<hbm>>
        %dma_start3A_434 = arith.constant 0 : i32
        %dma_start3A_435 = arith.constant 0 : i32
        %dma_start3A_436 = tpu.memref_slice %dma_start3A_433[%dma_start3A_434, %dma_start3A_435] : memref<100000x32xf32, #tpu.memory_space<hbm>> -> memref<100000x32xf32, #tpu.memory_space<hbm>>
        tpu.enqueue_indirect_dma source(%dma_start3A_436 : memref<100000x32xf32, #tpu.memory_space<hbm>>) target(%dma_start3A_426 : memref<128x32xf32, #tpu.memory_space<vmem>>) offsets(%dma_start3A_429 : memref<128xi32, #tpu.memory_space<vmem>>) semaphore(%arg11 : memref<!tpu.dma_semaphore, #tpu.memory_space<semaphore_mem>>)
        %dma_wait3A_437 = arith.constant 0 : i32
        %dma_wait3A_438 = arith.constant 0 : i32
        %dma_wait3A_439 = arith.constant 0 : i32
        %dma_wait3A_440 = tpu.memref_slice %arg7[%dma_wait3A_438, %dma_wait3A_439] : memref<640x32xf32, #tpu.memory_space<vmem>> -> memref<128x32xf32, #tpu.memory_space<vmem>>
        %dma_wait3A_441 = arith.constant 0 : i32
        %dma_wait3A_442 = tpu.memref_slice %arg6[%mul3A_364, %dma_wait3A_437, %dma_wait3A_441] : memref<26x5x128xi32, #tpu.memory_space<vmem>> -> memref<1x1x128xi32, #tpu.memory_space<vmem>>
        %dma_wait3A_443 = tpu.memref_squeeze %dma_wait3A_442 : memref<1x1x128xi32, #tpu.memory_space<vmem>> -> memref<128xi32, #tpu.memory_space<vmem>>
        %dma_wait3A_444 = arith.constant 0 : i32
        %dma_wait3A_445 = arith.constant 0 : i32
        %dma_wait3A_446 = tpu.memref_slice %arg3[%mul3A_364, %dma_wait3A_444, %dma_wait3A_445] : memref<26x100000x32xf32, #tpu.memory_space<hbm>> -> memref<1x100000x32xf32, #tpu.memory_space<hbm>>
        %dma_wait3A_447 = tpu.memref_squeeze %dma_wait3A_446 : memref<1x100000x32xf32, #tpu.memory_space<hbm>> -> memref<100000x32xf32, #tpu.memory_space<hbm>>
        %dma_wait3A_448 = arith.constant 0 : i32
        %dma_wait3A_449 = arith.constant 0 : i32
        %dma_wait3A_450 = tpu.memref_slice %dma_wait3A_447[%dma_wait3A_448, %dma_wait3A_449] : memref<100000x32xf32, #tpu.memory_space<hbm>> -> memref<100000x32xf32, #tpu.memory_space<hbm>>
        tpu.wait_indirect_dma semaphore(%arg10 : memref<!tpu.dma_semaphore, #tpu.memory_space<semaphore_mem>>) src(%dma_wait3A_450 : memref<100000x32xf32, #tpu.memory_space<hbm>>) dst(%dma_wait3A_440 : memref<128x32xf32, #tpu.memory_space<vmem>>)
        %dma_wait3A_451 = arith.constant 1 : i32
        %dma_wait3A_452 = arith.constant 128 : i32
        %dma_wait3A_453 = arith.constant 0 : i32
        %dma_wait3A_454 = tpu.memref_slice %arg7[%dma_wait3A_452, %dma_wait3A_453] : memref<640x32xf32, #tpu.memory_space<vmem>> -> memref<128x32xf32, #tpu.memory_space<vmem>>
        %dma_wait3A_455 = arith.constant 0 : i32
        %dma_wait3A_456 = tpu.memref_slice %arg6[%mul3A_364, %dma_wait3A_451, %dma_wait3A_455] : memref<26x5x128xi32, #tpu.memory_space<vmem>> -> memref<1x1x128xi32, #tpu.memory_space<vmem>>
        %dma_wait3A_457 = tpu.memref_squeeze %dma_wait3A_456 : memref<1x1x128xi32, #tpu.memory_space<vmem>> -> memref<128xi32, #tpu.memory_space<vmem>>
        %dma_wait3A_458 = arith.constant 0 : i32
        %dma_wait3A_459 = arith.constant 0 : i32
        %dma_wait3A_460 = tpu.memref_slice %arg3[%mul3A_364, %dma_wait3A_458, %dma_wait3A_459] : memref<26x100000x32xf32, #tpu.memory_space<hbm>> -> memref<1x100000x32xf32, #tpu.memory_space<hbm>>
        %dma_wait3A_461 = tpu.memref_squeeze %dma_wait3A_460 : memref<1x100000x32xf32, #tpu.memory_space<hbm>> -> memref<100000x32xf32, #tpu.memory_space<hbm>>
        %dma_wait3A_462 = arith.constant 0 : i32
        %dma_wait3A_463 = arith.constant 0 : i32
        %dma_wait3A_464 = tpu.memref_slice %dma_wait3A_461[%dma_wait3A_462, %dma_wait3A_463] : memref<100000x32xf32, #tpu.memory_space<hbm>> -> memref<100000x32xf32, #tpu.memory_space<hbm>>
        tpu.wait_indirect_dma semaphore(%arg10 : memref<!tpu.dma_semaphore, #tpu.memory_space<semaphore_mem>>) src(%dma_wait3A_464 : memref<100000x32xf32, #tpu.memory_space<hbm>>) dst(%dma_wait3A_454 : memref<128x32xf32, #tpu.memory_space<vmem>>)
        %dma_wait3A_465 = arith.constant 2 : i32
        %dma_wait3A_466 = arith.constant 256 : i32
        %dma_wait3A_467 = arith.constant 0 : i32
        %dma_wait3A_468 = tpu.memref_slice %arg7[%dma_wait3A_466, %dma_wait3A_467] : memref<640x32xf32, #tpu.memory_space<vmem>> -> memref<128x32xf32, #tpu.memory_space<vmem>>
        %dma_wait3A_469 = arith.constant 0 : i32
        %dma_wait3A_470 = tpu.memref_slice %arg6[%mul3A_364, %dma_wait3A_465, %dma_wait3A_469] : memref<26x5x128xi32, #tpu.memory_space<vmem>> -> memref<1x1x128xi32, #tpu.memory_space<vmem>>
        %dma_wait3A_471 = tpu.memref_squeeze %dma_wait3A_470 : memref<1x1x128xi32, #tpu.memory_space<vmem>> -> memref<128xi32, #tpu.memory_space<vmem>>
        %dma_wait3A_472 = arith.constant 0 : i32
        %dma_wait3A_473 = arith.constant 0 : i32
        %dma_wait3A_474 = tpu.memref_slice %arg3[%mul3A_364, %dma_wait3A_472, %dma_wait3A_473] : memref<26x100000x32xf32, #tpu.memory_space<hbm>> -> memref<1x100000x32xf32, #tpu.memory_space<hbm>>
        %dma_wait3A_475 = tpu.memref_squeeze %dma_wait3A_474 : memref<1x100000x32xf32, #tpu.memory_space<hbm>> -> memref<100000x32xf32, #tpu.memory_space<hbm>>
        %dma_wait3A_476 = arith.constant 0 : i32
        %dma_wait3A_477 = arith.constant 0 : i32
        %dma_wait3A_478 = tpu.memref_slice %dma_wait3A_475[%dma_wait3A_476, %dma_wait3A_477] : memref<100000x32xf32, #tpu.memory_space<hbm>> -> memref<100000x32xf32, #tpu.memory_space<hbm>>
        tpu.wait_indirect_dma semaphore(%arg10 : memref<!tpu.dma_semaphore, #tpu.memory_space<semaphore_mem>>) src(%dma_wait3A_478 : memref<100000x32xf32, #tpu.memory_space<hbm>>) dst(%dma_wait3A_468 : memref<128x32xf32, #tpu.memory_space<vmem>>)
        %dma_wait3A_479 = arith.constant 3 : i32
        %dma_wait3A_480 = arith.constant 384 : i32
        %dma_wait3A_481 = arith.constant 0 : i32
        %dma_wait3A_482 = tpu.memref_slice %arg7[%dma_wait3A_480, %dma_wait3A_481] : memref<640x32xf32, #tpu.memory_space<vmem>> -> memref<128x32xf32, #tpu.memory_space<vmem>>
        %dma_wait3A_483 = arith.constant 0 : i32
        %dma_wait3A_484 = tpu.memref_slice %arg6[%mul3A_364, %dma_wait3A_479, %dma_wait3A_483] : memref<26x5x128xi32, #tpu.memory_space<vmem>> -> memref<1x1x128xi32, #tpu.memory_space<vmem>>
        %dma_wait3A_485 = tpu.memref_squeeze %dma_wait3A_484 : memref<1x1x128xi32, #tpu.memory_space<vmem>> -> memref<128xi32, #tpu.memory_space<vmem>>
        %dma_wait3A_486 = arith.constant 0 : i32
        %dma_wait3A_487 = arith.constant 0 : i32
        %dma_wait3A_488 = tpu.memref_slice %arg3[%mul3A_364, %dma_wait3A_486, %dma_wait3A_487] : memref<26x100000x32xf32, #tpu.memory_space<hbm>> -> memref<1x100000x32xf32, #tpu.memory_space<hbm>>
        %dma_wait3A_489 = tpu.memref_squeeze %dma_wait3A_488 : memref<1x100000x32xf32, #tpu.memory_space<hbm>> -> memref<100000x32xf32, #tpu.memory_space<hbm>>
        %dma_wait3A_490 = arith.constant 0 : i32
        %dma_wait3A_491 = arith.constant 0 : i32
        %dma_wait3A_492 = tpu.memref_slice %dma_wait3A_489[%dma_wait3A_490, %dma_wait3A_491] : memref<100000x32xf32, #tpu.memory_space<hbm>> -> memref<100000x32xf32, #tpu.memory_space<hbm>>
        tpu.wait_indirect_dma semaphore(%arg10 : memref<!tpu.dma_semaphore, #tpu.memory_space<semaphore_mem>>) src(%dma_wait3A_492 : memref<100000x32xf32, #tpu.memory_space<hbm>>) dst(%dma_wait3A_482 : memref<128x32xf32, #tpu.memory_space<vmem>>)
        %dma_wait3A_493 = arith.constant 4 : i32
        %dma_wait3A_494 = arith.constant 512 : i32
        %dma_wait3A_495 = arith.constant 0 : i32
        %dma_wait3A_496 = tpu.memref_slice %arg7[%dma_wait3A_494, %dma_wait3A_495] : memref<640x32xf32, #tpu.memory_space<vmem>> -> memref<128x32xf32, #tpu.memory_space<vmem>>
        %dma_wait3A_497 = arith.constant 0 : i32
        %dma_wait3A_498 = tpu.memref_slice %arg6[%mul3A_364, %dma_wait3A_493, %dma_wait3A_497] : memref<26x5x128xi32, #tpu.memory_space<vmem>> -> memref<1x1x128xi32, #tpu.memory_space<vmem>>
        %dma_wait3A_499 = tpu.memref_squeeze %dma_wait3A_498 : memref<1x1x128xi32, #tpu.memory_space<vmem>> -> memref<128xi32, #tpu.memory_space<vmem>>
        %dma_wait3A_500 = arith.constant 0 : i32
        %dma_wait3A_501 = arith.constant 0 : i32
        %dma_wait3A_502 = tpu.memref_slice %arg3[%mul3A_364, %dma_wait3A_500, %dma_wait3A_501] : memref<26x100000x32xf32, #tpu.memory_space<hbm>> -> memref<1x100000x32xf32, #tpu.memory_space<hbm>>
        %dma_wait3A_503 = tpu.memref_squeeze %dma_wait3A_502 : memref<1x100000x32xf32, #tpu.memory_space<hbm>> -> memref<100000x32xf32, #tpu.memory_space<hbm>>
        %dma_wait3A_504 = arith.constant 0 : i32
        %dma_wait3A_505 = arith.constant 0 : i32
        %dma_wait3A_506 = tpu.memref_slice %dma_wait3A_503[%dma_wait3A_504, %dma_wait3A_505] : memref<100000x32xf32, #tpu.memory_space<hbm>> -> memref<100000x32xf32, #tpu.memory_space<hbm>>
        tpu.wait_indirect_dma semaphore(%arg10 : memref<!tpu.dma_semaphore, #tpu.memory_space<semaphore_mem>>) src(%dma_wait3A_506 : memref<100000x32xf32, #tpu.memory_space<hbm>>) dst(%dma_wait3A_496 : memref<128x32xf32, #tpu.memory_space<vmem>>)
        %scan3A_507 = arith.constant 0 : i32
        %scan3A_508 = arith.constant 0 : i32
        %scan3A_509 = arith.constant 32 : i32
        %scan3A_510 = arith.addi %scan3A_508, %scan3A_509 : i32
        %scan3A_511 = arith.constant 1 : i32
        %scan3A_512 = scf.for %scan3A_668 = %scan3A_508 to %scan3A_510 step %scan3A_511 iter_args(%scan3A_669 = %scan3A_507) -> (i32)  : i32 {
          %get3A = arith.index_cast %scan3A_668 : i32 to index
          %get3A_670 = arith.constant 0 : index
          %get3A_671 = tpu.vector_load %arg7[%get3A, %get3A_670] {strides = array<i32>} : memref<640x32xf32, #tpu.memory_space<vmem>>, vector<1x16xf32>,
          %get3A_672 = vector.shape_cast %get3A_671 : vector<1x16xf32> to vector<16xf32>
          %get3A_673 = arith.index_cast %scan3A_668 : i32 to index
          %get3A_674 = arith.constant 16 : index
          %get3A_675 = tpu.vector_load %arg7[%get3A_673, %get3A_674] {strides = array<i32>} : memref<640x32xf32, #tpu.memory_space<vmem>>, vector<1x16xf32>,
          %get3A_676 = vector.shape_cast %get3A_675 : vector<1x16xf32> to vector<16xf32>
          %add3A_677 = arith.constant 32 : i32
          %add3A_678 = arith.addi %add3A_677, %scan3A_668 : i32
          %get3A_679 = arith.index_cast %add3A_678 : i32 to index
          %get3A_680 = arith.constant 0 : index
          %get3A_681 = tpu.vector_load %arg7[%get3A_679, %get3A_680] {strides = array<i32>} : memref<640x32xf32, #tpu.memory_space<vmem>>, vector<1x16xf32>,
          %get3A_682 = vector.shape_cast %get3A_681 : vector<1x16xf32> to vector<16xf32>
          %add3A_683 = arith.addf %get3A_672, %get3A_682 : vector<16xf32>
          %add3A_684 = arith.constant 32 : i32
          %add3A_685 = arith.addi %add3A_684, %scan3A_668 : i32
          %get3A_686 = arith.index_cast %add3A_685 : i32 to index
          %get3A_687 = arith.constant 16 : index
          %get3A_688 = tpu.vector_load %arg7[%get3A_686, %get3A_687] {strides = array<i32>} : memref<640x32xf32, #tpu.memory_space<vmem>>, vector<1x16xf32>,
          %get3A_689 = vector.shape_cast %get3A_688 : vector<1x16xf32> to vector<16xf32>
          %add3A_690 = arith.addf %get3A_676, %get3A_689 : vector<16xf32>
          %add3A_691 = arith.constant 64 : i32
          %add3A_692 = arith.addi %add3A_691, %scan3A_668 : i32
          %get3A_693 = arith.index_cast %add3A_692 : i32 to index
          %get3A_694 = arith.constant 0 : index
          %get3A_695 = tpu.vector_load %arg7[%get3A_693, %get3A_694] {strides = array<i32>} : memref<640x32xf32, #tpu.memory_space<vmem>>, vector<1x16xf32>,
          %get3A_696 = vector.shape_cast %get3A_695 : vector<1x16xf32> to vector<16xf32>
          %add3A_697 = arith.addf %add3A_683, %get3A_696 : vector<16xf32>
          %add3A_698 = arith.constant 64 : i32
          %add3A_699 = arith.addi %add3A_698, %scan3A_668 : i32
          %get3A_700 = arith.index_cast %add3A_699 : i32 to index
          %get3A_701 = arith.constant 16 : index
          %get3A_702 = tpu.vector_load %arg7[%get3A_700, %get3A_701] {strides = array<i32>} : memref<640x32xf32, #tpu.memory_space<vmem>>, vector<1x16xf32>,
          %get3A_703 = vector.shape_cast %get3A_702 : vector<1x16xf32> to vector<16xf32>
          %add3A_704 = arith.addf %add3A_690, %get3A_703 : vector<16xf32>
          %add3A_705 = arith.constant 96 : i32
          %add3A_706 = arith.addi %add3A_705, %scan3A_668 : i32
          %get3A_707 = arith.index_cast %add3A_706 : i32 to index
          %get3A_708 = arith.constant 0 : index
          %get3A_709 = tpu.vector_load %arg7[%get3A_707, %get3A_708] {strides = array<i32>} : memref<640x32xf32, #tpu.memory_space<vmem>>, vector<1x16xf32>,
          %get3A_710 = vector.shape_cast %get3A_709 : vector<1x16xf32> to vector<16xf32>
          %add3A_711 = arith.addf %add3A_697, %get3A_710 : vector<16xf32>
          %add3A_712 = arith.constant 96 : i32
          %add3A_713 = arith.addi %add3A_712, %scan3A_668 : i32
          %get3A_714 = arith.index_cast %add3A_713 : i32 to index
          %get3A_715 = arith.constant 16 : index
          %get3A_716 = tpu.vector_load %arg7[%get3A_714, %get3A_715] {strides = array<i32>} : memref<640x32xf32, #tpu.memory_space<vmem>>, vector<1x16xf32>,
          %get3A_717 = vector.shape_cast %get3A_716 : vector<1x16xf32> to vector<16xf32>
          %add3A_718 = arith.addf %add3A_704, %get3A_717 : vector<16xf32>
          %add3A_719 = arith.constant 128 : i32
          %add3A_720 = arith.addi %add3A_719, %scan3A_668 : i32
          %get3A_721 = arith.index_cast %add3A_720 : i32 to index
          %get3A_722 = arith.constant 0 : index
          %get3A_723 = tpu.vector_load %arg7[%get3A_721, %get3A_722] {strides = array<i32>} : memref<640x32xf32, #tpu.memory_space<vmem>>, vector<1x16xf32>,
          %get3A_724 = vector.shape_cast %get3A_723 : vector<1x16xf32> to vector<16xf32>
          %add3A_725 = arith.addf %add3A_711, %get3A_724 : vector<16xf32>
          %add3A_726 = arith.constant 128 : i32
          %add3A_727 = arith.addi %add3A_726, %scan3A_668 : i32
          %get3A_728 = arith.index_cast %add3A_727 : i32 to index
          %get3A_729 = arith.constant 16 : index
          %get3A_730 = tpu.vector_load %arg7[%get3A_728, %get3A_729] {strides = array<i32>} : memref<640x32xf32, #tpu.memory_space<vmem>>, vector<1x16xf32>,
          %get3A_731 = vector.shape_cast %get3A_730 : vector<1x16xf32> to vector<16xf32>
          %add3A_732 = arith.addf %add3A_718, %get3A_731 : vector<16xf32>
          %add3A_733 = arith.constant 160 : i32
          %add3A_734 = arith.addi %add3A_733, %scan3A_668 : i32
          %get3A_735 = arith.index_cast %add3A_734 : i32 to index
          %get3A_736 = arith.constant 0 : index
          %get3A_737 = tpu.vector_load %arg7[%get3A_735, %get3A_736] {strides = array<i32>} : memref<640x32xf32, #tpu.memory_space<vmem>>, vector<1x16xf32>,
          %get3A_738 = vector.shape_cast %get3A_737 : vector<1x16xf32> to vector<16xf32>
          %add3A_739 = arith.addf %add3A_725, %get3A_738 : vector<16xf32>
          %add3A_740 = arith.constant 160 : i32
          %add3A_741 = arith.addi %add3A_740, %scan3A_668 : i32
          %get3A_742 = arith.index_cast %add3A_741 : i32 to index
          %get3A_743 = arith.constant 16 : index
          %get3A_744 = tpu.vector_load %arg7[%get3A_742, %get3A_743] {strides = array<i32>} : memref<640x32xf32, #tpu.memory_space<vmem>>, vector<1x16xf32>,
          %get3A_745 = vector.shape_cast %get3A_744 : vector<1x16xf32> to vector<16xf32>
          %add3A_746 = arith.addf %add3A_732, %get3A_745 : vector<16xf32>
          %add3A_747 = arith.constant 192 : i32
          %add3A_748 = arith.addi %add3A_747, %scan3A_668 : i32
          %get3A_749 = arith.index_cast %add3A_748 : i32 to index
          %get3A_750 = arith.constant 0 : index
          %get3A_751 = tpu.vector_load %arg7[%get3A_749, %get3A_750] {strides = array<i32>} : memref<640x32xf32, #tpu.memory_space<vmem>>, vector<1x16xf32>,
          %get3A_752 = vector.shape_cast %get3A_751 : vector<1x16xf32> to vector<16xf32>
          %add3A_753 = arith.addf %add3A_739, %get3A_752 : vector<16xf32>
          %add3A_754 = arith.constant 192 : i32
          %add3A_755 = arith.addi %add3A_754, %scan3A_668 : i32
          %get3A_756 = arith.index_cast %add3A_755 : i32 to index
          %get3A_757 = arith.constant 16 : index
          %get3A_758 = tpu.vector_load %arg7[%get3A_756, %get3A_757] {strides = array<i32>} : memref<640x32xf32, #tpu.memory_space<vmem>>, vector<1x16xf32>,
          %get3A_759 = vector.shape_cast %get3A_758 : vector<1x16xf32> to vector<16xf32>
          %add3A_760 = arith.addf %add3A_746, %get3A_759 : vector<16xf32>
          %add3A_761 = arith.constant 224 : i32
          %add3A_762 = arith.addi %add3A_761, %scan3A_668 : i32
          %get3A_763 = arith.index_cast %add3A_762 : i32 to index
          %get3A_764 = arith.constant 0 : index
          %get3A_765 = tpu.vector_load %arg7[%get3A_763, %get3A_764] {strides = array<i32>} : memref<640x32xf32, #tpu.memory_space<vmem>>, vector<1x16xf32>,
          %get3A_766 = vector.shape_cast %get3A_765 : vector<1x16xf32> to vector<16xf32>
          %add3A_767 = arith.addf %add3A_753, %get3A_766 : vector<16xf32>
          %add3A_768 = arith.constant 224 : i32
          %add3A_769 = arith.addi %add3A_768, %scan3A_668 : i32
          %get3A_770 = arith.index_cast %add3A_769 : i32 to index
          %get3A_771 = arith.constant 16 : index
          %get3A_772 = tpu.vector_load %arg7[%get3A_770, %get3A_771] {strides = array<i32>} : memref<640x32xf32, #tpu.memory_space<vmem>>, vector<1x16xf32>,
          %get3A_773 = vector.shape_cast %get3A_772 : vector<1x16xf32> to vector<16xf32>
          %add3A_774 = arith.addf %add3A_760, %get3A_773 : vector<16xf32>
          %add3A_775 = arith.constant 256 : i32
          %add3A_776 = arith.addi %add3A_775, %scan3A_668 : i32
          %get3A_777 = arith.index_cast %add3A_776 : i32 to index
          %get3A_778 = arith.constant 0 : index
          %get3A_779 = tpu.vector_load %arg7[%get3A_777, %get3A_778] {strides = array<i32>} : memref<640x32xf32, #tpu.memory_space<vmem>>, vector<1x16xf32>,
          %get3A_780 = vector.shape_cast %get3A_779 : vector<1x16xf32> to vector<16xf32>
          %add3A_781 = arith.addf %add3A_767, %get3A_780 : vector<16xf32>
          %add3A_782 = arith.constant 256 : i32
          %add3A_783 = arith.addi %add3A_782, %scan3A_668 : i32
          %get3A_784 = arith.index_cast %add3A_783 : i32 to index
          %get3A_785 = arith.constant 16 : index
          %get3A_786 = tpu.vector_load %arg7[%get3A_784, %get3A_785] {strides = array<i32>} : memref<640x32xf32, #tpu.memory_space<vmem>>, vector<1x16xf32>,
          %get3A_787 = vector.shape_cast %get3A_786 : vector<1x16xf32> to vector<16xf32>
          %add3A_788 = arith.addf %add3A_774, %get3A_787 : vector<16xf32>
          %add3A_789 = arith.constant 288 : i32
          %add3A_790 = arith.addi %add3A_789, %scan3A_668 : i32
          %get3A_791 = arith.index_cast %add3A_790 : i32 to index
          %get3A_792 = arith.constant 0 : index
          %get3A_793 = tpu.vector_load %arg7[%get3A_791, %get3A_792] {strides = array<i32>} : memref<640x32xf32, #tpu.memory_space<vmem>>, vector<1x16xf32>,
          %get3A_794 = vector.shape_cast %get3A_793 : vector<1x16xf32> to vector<16xf32>
          %add3A_795 = arith.addf %add3A_781, %get3A_794 : vector<16xf32>
          %add3A_796 = arith.constant 288 : i32
          %add3A_797 = arith.addi %add3A_796, %scan3A_668 : i32
          %get3A_798 = arith.index_cast %add3A_797 : i32 to index
          %get3A_799 = arith.constant 16 : index
          %get3A_800 = tpu.vector_load %arg7[%get3A_798, %get3A_799] {strides = array<i32>} : memref<640x32xf32, #tpu.memory_space<vmem>>, vector<1x16xf32>,
          %get3A_801 = vector.shape_cast %get3A_800 : vector<1x16xf32> to vector<16xf32>
          %add3A_802 = arith.addf %add3A_788, %get3A_801 : vector<16xf32>
          %add3A_803 = arith.constant 320 : i32
          %add3A_804 = arith.addi %add3A_803, %scan3A_668 : i32
          %get3A_805 = arith.index_cast %add3A_804 : i32 to index
          %get3A_806 = arith.constant 0 : index
          %get3A_807 = tpu.vector_load %arg7[%get3A_805, %get3A_806] {strides = array<i32>} : memref<640x32xf32, #tpu.memory_space<vmem>>, vector<1x16xf32>,
          %get3A_808 = vector.shape_cast %get3A_807 : vector<1x16xf32> to vector<16xf32>
          %add3A_809 = arith.addf %add3A_795, %get3A_808 : vector<16xf32>
          %add3A_810 = arith.constant 320 : i32
          %add3A_811 = arith.addi %add3A_810, %scan3A_668 : i32
          %get3A_812 = arith.index_cast %add3A_811 : i32 to index
          %get3A_813 = arith.constant 16 : index
          %get3A_814 = tpu.vector_load %arg7[%get3A_812, %get3A_813] {strides = array<i32>} : memref<640x32xf32, #tpu.memory_space<vmem>>, vector<1x16xf32>,
          %get3A_815 = vector.shape_cast %get3A_814 : vector<1x16xf32> to vector<16xf32>
          %add3A_816 = arith.addf %add3A_802, %get3A_815 : vector<16xf32>
          %add3A_817 = arith.constant 352 : i32
          %add3A_818 = arith.addi %add3A_817, %scan3A_668 : i32
          %get3A_819 = arith.index_cast %add3A_818 : i32 to index
          %get3A_820 = arith.constant 0 : index
          %get3A_821 = tpu.vector_load %arg7[%get3A_819, %get3A_820] {strides = array<i32>} : memref<640x32xf32, #tpu.memory_space<vmem>>, vector<1x16xf32>,
          %get3A_822 = vector.shape_cast %get3A_821 : vector<1x16xf32> to vector<16xf32>
          %add3A_823 = arith.addf %add3A_809, %get3A_822 : vector<16xf32>
          %add3A_824 = arith.constant 352 : i32
          %add3A_825 = arith.addi %add3A_824, %scan3A_668 : i32
          %get3A_826 = arith.index_cast %add3A_825 : i32 to index
          %get3A_827 = arith.constant 16 : index
          %get3A_828 = tpu.vector_load %arg7[%get3A_826, %get3A_827] {strides = array<i32>} : memref<640x32xf32, #tpu.memory_space<vmem>>, vector<1x16xf32>,
          %get3A_829 = vector.shape_cast %get3A_828 : vector<1x16xf32> to vector<16xf32>
          %add3A_830 = arith.addf %add3A_816, %get3A_829 : vector<16xf32>
          %add3A_831 = arith.constant 384 : i32
          %add3A_832 = arith.addi %add3A_831, %scan3A_668 : i32
          %get3A_833 = arith.index_cast %add3A_832 : i32 to index
          %get3A_834 = arith.constant 0 : index
          %get3A_835 = tpu.vector_load %arg7[%get3A_833, %get3A_834] {strides = array<i32>} : memref<640x32xf32, #tpu.memory_space<vmem>>, vector<1x16xf32>,
          %get3A_836 = vector.shape_cast %get3A_835 : vector<1x16xf32> to vector<16xf32>
          %add3A_837 = arith.addf %add3A_823, %get3A_836 : vector<16xf32>
          %add3A_838 = arith.constant 384 : i32
          %add3A_839 = arith.addi %add3A_838, %scan3A_668 : i32
          %get3A_840 = arith.index_cast %add3A_839 : i32 to index
          %get3A_841 = arith.constant 16 : index
          %get3A_842 = tpu.vector_load %arg7[%get3A_840, %get3A_841] {strides = array<i32>} : memref<640x32xf32, #tpu.memory_space<vmem>>, vector<1x16xf32>,
          %get3A_843 = vector.shape_cast %get3A_842 : vector<1x16xf32> to vector<16xf32>
          %add3A_844 = arith.addf %add3A_830, %get3A_843 : vector<16xf32>
          %add3A_845 = arith.constant 416 : i32
          %add3A_846 = arith.addi %add3A_845, %scan3A_668 : i32
          %get3A_847 = arith.index_cast %add3A_846 : i32 to index
          %get3A_848 = arith.constant 0 : index
          %get3A_849 = tpu.vector_load %arg7[%get3A_847, %get3A_848] {strides = array<i32>} : memref<640x32xf32, #tpu.memory_space<vmem>>, vector<1x16xf32>,
          %get3A_850 = vector.shape_cast %get3A_849 : vector<1x16xf32> to vector<16xf32>
          %add3A_851 = arith.addf %add3A_837, %get3A_850 : vector<16xf32>
          %add3A_852 = arith.constant 416 : i32
          %add3A_853 = arith.addi %add3A_852, %scan3A_668 : i32
          %get3A_854 = arith.index_cast %add3A_853 : i32 to index
          %get3A_855 = arith.constant 16 : index
          %get3A_856 = tpu.vector_load %arg7[%get3A_854, %get3A_855] {strides = array<i32>} : memref<640x32xf32, #tpu.memory_space<vmem>>, vector<1x16xf32>,
          %get3A_857 = vector.shape_cast %get3A_856 : vector<1x16xf32> to vector<16xf32>
          %add3A_858 = arith.addf %add3A_844, %get3A_857 : vector<16xf32>
          %add3A_859 = arith.constant 448 : i32
          %add3A_860 = arith.addi %add3A_859, %scan3A_668 : i32
          %get3A_861 = arith.index_cast %add3A_860 : i32 to index
          %get3A_862 = arith.constant 0 : index
          %get3A_863 = tpu.vector_load %arg7[%get3A_861, %get3A_862] {strides = array<i32>} : memref<640x32xf32, #tpu.memory_space<vmem>>, vector<1x16xf32>,
          %get3A_864 = vector.shape_cast %get3A_863 : vector<1x16xf32> to vector<16xf32>
          %add3A_865 = arith.addf %add3A_851, %get3A_864 : vector<16xf32>
          %add3A_866 = arith.constant 448 : i32
          %add3A_867 = arith.addi %add3A_866, %scan3A_668 : i32
          %get3A_868 = arith.index_cast %add3A_867 : i32 to index
          %get3A_869 = arith.constant 16 : index
          %get3A_870 = tpu.vector_load %arg7[%get3A_868, %get3A_869] {strides = array<i32>} : memref<640x32xf32, #tpu.memory_space<vmem>>, vector<1x16xf32>,
          %get3A_871 = vector.shape_cast %get3A_870 : vector<1x16xf32> to vector<16xf32>
          %add3A_872 = arith.addf %add3A_858, %get3A_871 : vector<16xf32>
          %add3A_873 = arith.constant 480 : i32
          %add3A_874 = arith.addi %add3A_873, %scan3A_668 : i32
          %get3A_875 = arith.index_cast %add3A_874 : i32 to index
          %get3A_876 = arith.constant 0 : index
          %get3A_877 = tpu.vector_load %arg7[%get3A_875, %get3A_876] {strides = array<i32>} : memref<640x32xf32, #tpu.memory_space<vmem>>, vector<1x16xf32>,
          %get3A_878 = vector.shape_cast %get3A_877 : vector<1x16xf32> to vector<16xf32>
          %add3A_879 = arith.addf %add3A_865, %get3A_878 : vector<16xf32>
          %add3A_880 = arith.constant 480 : i32
          %add3A_881 = arith.addi %add3A_880, %scan3A_668 : i32
          %get3A_882 = arith.index_cast %add3A_881 : i32 to index
          %get3A_883 = arith.constant 16 : index
          %get3A_884 = tpu.vector_load %arg7[%get3A_882, %get3A_883] {strides = array<i32>} : memref<640x32xf32, #tpu.memory_space<vmem>>, vector<1x16xf32>,
          %get3A_885 = vector.shape_cast %get3A_884 : vector<1x16xf32> to vector<16xf32>
          %add3A_886 = arith.addf %add3A_872, %get3A_885 : vector<16xf32>
          %add3A_887 = arith.constant 512 : i32
          %add3A_888 = arith.addi %add3A_887, %scan3A_668 : i32
          %get3A_889 = arith.index_cast %add3A_888 : i32 to index
          %get3A_890 = arith.constant 0 : index
          %get3A_891 = tpu.vector_load %arg7[%get3A_889, %get3A_890] {strides = array<i32>} : memref<640x32xf32, #tpu.memory_space<vmem>>, vector<1x16xf32>,
          %get3A_892 = vector.shape_cast %get3A_891 : vector<1x16xf32> to vector<16xf32>
          %add3A_893 = arith.addf %add3A_879, %get3A_892 : vector<16xf32>
          %add3A_894 = arith.constant 512 : i32
          %add3A_895 = arith.addi %add3A_894, %scan3A_668 : i32
          %get3A_896 = arith.index_cast %add3A_895 : i32 to index
          %get3A_897 = arith.constant 16 : index
          %get3A_898 = tpu.vector_load %arg7[%get3A_896, %get3A_897] {strides = array<i32>} : memref<640x32xf32, #tpu.memory_space<vmem>>, vector<1x16xf32>,
          %get3A_899 = vector.shape_cast %get3A_898 : vector<1x16xf32> to vector<16xf32>
          %add3A_900 = arith.addf %add3A_886, %get3A_899 : vector<16xf32>
          %add3A_901 = arith.constant 544 : i32
          %add3A_902 = arith.addi %add3A_901, %scan3A_668 : i32
          %get3A_903 = arith.index_cast %add3A_902 : i32 to index
          %get3A_904 = arith.constant 0 : index
          %get3A_905 = tpu.vector_load %arg7[%get3A_903, %get3A_904] {strides = array<i32>} : memref<640x32xf32, #tpu.memory_space<vmem>>, vector<1x16xf32>,
          %get3A_906 = vector.shape_cast %get3A_905 : vector<1x16xf32> to vector<16xf32>
          %add3A_907 = arith.addf %add3A_893, %get3A_906 : vector<16xf32>
          %add3A_908 = arith.constant 544 : i32
          %add3A_909 = arith.addi %add3A_908, %scan3A_668 : i32
          %get3A_910 = arith.index_cast %add3A_909 : i32 to index
          %get3A_911 = arith.constant 16 : index
          %get3A_912 = tpu.vector_load %arg7[%get3A_910, %get3A_911] {strides = array<i32>} : memref<640x32xf32, #tpu.memory_space<vmem>>, vector<1x16xf32>,
          %get3A_913 = vector.shape_cast %get3A_912 : vector<1x16xf32> to vector<16xf32>
          %add3A_914 = arith.addf %add3A_900, %get3A_913 : vector<16xf32>
          %add3A_915 = arith.constant 576 : i32
          %add3A_916 = arith.addi %add3A_915, %scan3A_668 : i32
          %get3A_917 = arith.index_cast %add3A_916 : i32 to index
          %get3A_918 = arith.constant 0 : index
          %get3A_919 = tpu.vector_load %arg7[%get3A_917, %get3A_918] {strides = array<i32>} : memref<640x32xf32, #tpu.memory_space<vmem>>, vector<1x16xf32>,
          %get3A_920 = vector.shape_cast %get3A_919 : vector<1x16xf32> to vector<16xf32>
          %add3A_921 = arith.addf %add3A_907, %get3A_920 : vector<16xf32>
          %add3A_922 = arith.constant 576 : i32
          %add3A_923 = arith.addi %add3A_922, %scan3A_668 : i32
          %get3A_924 = arith.index_cast %add3A_923 : i32 to index
          %get3A_925 = arith.constant 16 : index
          %get3A_926 = tpu.vector_load %arg7[%get3A_924, %get3A_925] {strides = array<i32>} : memref<640x32xf32, #tpu.memory_space<vmem>>, vector<1x16xf32>,
          %get3A_927 = vector.shape_cast %get3A_926 : vector<1x16xf32> to vector<16xf32>
          %add3A_928 = arith.addf %add3A_914, %get3A_927 : vector<16xf32>
          %add3A_929 = arith.constant 608 : i32
          %add3A_930 = arith.addi %add3A_929, %scan3A_668 : i32
          %get3A_931 = arith.index_cast %add3A_930 : i32 to index
          %get3A_932 = arith.constant 0 : index
          %get3A_933 = tpu.vector_load %arg7[%get3A_931, %get3A_932] {strides = array<i32>} : memref<640x32xf32, #tpu.memory_space<vmem>>, vector<1x16xf32>,
          %get3A_934 = vector.shape_cast %get3A_933 : vector<1x16xf32> to vector<16xf32>
          %add3A_935 = arith.addf %add3A_921, %get3A_934 : vector<16xf32>
          %add3A_936 = arith.constant 608 : i32
          %add3A_937 = arith.addi %add3A_936, %scan3A_668 : i32
          %get3A_938 = arith.index_cast %add3A_937 : i32 to index
          %get3A_939 = arith.constant 16 : index
          %get3A_940 = tpu.vector_load %arg7[%get3A_938, %get3A_939] {strides = array<i32>} : memref<640x32xf32, #tpu.memory_space<vmem>>, vector<1x16xf32>,
          %get3A_941 = vector.shape_cast %get3A_940 : vector<1x16xf32> to vector<16xf32>
          %add3A_942 = arith.addf %add3A_928, %get3A_941 : vector<16xf32>
          %mul3A_943 = arith.constant 32 : i32
          %mul3A_944 = arith.muli %mul3A_364, %mul3A_943 : i32
          %swap3A = arith.index_cast %scan3A_668 : i32 to index
          %swap3A_945 = arith.index_cast %mul3A_944 : i32 to index
          %swap3A_946 = tpu.vector_load %arg9[%swap3A, %swap3A_945] {strides = array<i32>} : memref<32x832xf32, #tpu.memory_space<vmem>>, vector<1x16xf32>,
          %swap3A_947 = vector.shape_cast %swap3A_946 : vector<1x16xf32> to vector<16xf32>
          %swap3A_948 = vector.shape_cast %add3A_935 : vector<16xf32> to vector<1x16xf32>
          tpu.vector_store %arg9[%swap3A, %swap3A_945], %swap3A_948 {strides = array<i32>} : memref<32x832xf32, #tpu.memory_space<vmem>>, vector<1x16xf32>,
          %mul3A_949 = arith.constant 32 : i32
          %mul3A_950 = arith.muli %mul3A_364, %mul3A_949 : i32
          %add3A_951 = arith.constant 16 : i32
          %add3A_952 = arith.addi %mul3A_950, %add3A_951 : i32
          %swap3A_953 = arith.index_cast %scan3A_668 : i32 to index
          %swap3A_954 = arith.index_cast %add3A_952 : i32 to index
          %swap3A_955 = tpu.vector_load %arg9[%swap3A_953, %swap3A_954] {strides = array<i32>} : memref<32x832xf32, #tpu.memory_space<vmem>>, vector<1x16xf32>,
          %swap3A_956 = vector.shape_cast %swap3A_955 : vector<1x16xf32> to vector<16xf32>
          %swap3A_957 = vector.shape_cast %add3A_942 : vector<16xf32> to vector<1x16xf32>
          tpu.vector_store %arg9[%swap3A_953, %swap3A_954], %swap3A_957 {strides = array<i32>} : memref<32x832xf32, #tpu.memory_space<vmem>>, vector<1x16xf32>,
          %scan3A_958 = arith.constant 0 : i32
          scf.yield %scan3A_958 : i32
        }
        %scan3A_513 = arith.constant 32 : i32
        %add3A_514 = arith.constant 2 : i32
        %add3A_515 = arith.addi %mul3A_364, %add3A_514 : i32
        %dma_start3A_516 = arith.constant 0 : i32
        %dma_start3A_517 = arith.constant 0 : i32
        %dma_start3A_518 = arith.constant 0 : i32
        %dma_start3A_519 = tpu.memref_slice %arg7[%dma_start3A_517, %dma_start3A_518] : memref<640x32xf32, #tpu.memory_space<vmem>> -> memref<128x32xf32, #tpu.memory_space<vmem>>
        %dma_start3A_520 = arith.constant 0 : i32
        %dma_start3A_521 = tpu.memref_slice %arg6[%add3A_515, %dma_start3A_516, %dma_start3A_520] : memref<26x5x128xi32, #tpu.memory_space<vmem>> -> memref<1x1x128xi32, #tpu.memory_space<vmem>>
        %dma_start3A_522 = tpu.memref_squeeze %dma_start3A_521 : memref<1x1x128xi32, #tpu.memory_space<vmem>> -> memref<128xi32, #tpu.memory_space<vmem>>
        %dma_start3A_523 = arith.constant 0 : i32
        %dma_start3A_524 = arith.constant 0 : i32
        %dma_start3A_525 = tpu.memref_slice %arg3[%add3A_515, %dma_start3A_523, %dma_start3A_524] : memref<26x100000x32xf32, #tpu.memory_space<hbm>> -> memref<1x100000x32xf32, #tpu.memory_space<hbm>>
        %dma_start3A_526 = tpu.memref_squeeze %dma_start3A_525 : memref<1x100000x32xf32, #tpu.memory_space<hbm>> -> memref<100000x32xf32, #tpu.memory_space<hbm>>
        %dma_start3A_527 = arith.constant 0 : i32
        %dma_start3A_528 = arith.constant 0 : i32
        %dma_start3A_529 = tpu.memref_slice %dma_start3A_526[%dma_start3A_527, %dma_start3A_528] : memref<100000x32xf32, #tpu.memory_space<hbm>> -> memref<100000x32xf32, #tpu.memory_space<hbm>>
        tpu.enqueue_indirect_dma source(%dma_start3A_529 : memref<100000x32xf32, #tpu.memory_space<hbm>>) target(%dma_start3A_519 : memref<128x32xf32, #tpu.memory_space<vmem>>) offsets(%dma_start3A_522 : memref<128xi32, #tpu.memory_space<vmem>>) semaphore(%arg10 : memref<!tpu.dma_semaphore, #tpu.memory_space<semaphore_mem>>)
        %dma_start3A_530 = arith.constant 1 : i32
        %dma_start3A_531 = arith.constant 128 : i32
        %dma_start3A_532 = arith.constant 0 : i32
        %dma_start3A_533 = tpu.memref_slice %arg7[%dma_start3A_531, %dma_start3A_532] : memref<640x32xf32, #tpu.memory_space<vmem>> -> memref<128x32xf32, #tpu.memory_space<vmem>>
        %dma_start3A_534 = arith.constant 0 : i32
        %dma_start3A_535 = tpu.memref_slice %arg6[%add3A_515, %dma_start3A_530, %dma_start3A_534] : memref<26x5x128xi32, #tpu.memory_space<vmem>> -> memref<1x1x128xi32, #tpu.memory_space<vmem>>
        %dma_start3A_536 = tpu.memref_squeeze %dma_start3A_535 : memref<1x1x128xi32, #tpu.memory_space<vmem>> -> memref<128xi32, #tpu.memory_space<vmem>>
        %dma_start3A_537 = arith.constant 0 : i32
        %dma_start3A_538 = arith.constant 0 : i32
        %dma_start3A_539 = tpu.memref_slice %arg3[%add3A_515, %dma_start3A_537, %dma_start3A_538] : memref<26x100000x32xf32, #tpu.memory_space<hbm>> -> memref<1x100000x32xf32, #tpu.memory_space<hbm>>
        %dma_start3A_540 = tpu.memref_squeeze %dma_start3A_539 : memref<1x100000x32xf32, #tpu.memory_space<hbm>> -> memref<100000x32xf32, #tpu.memory_space<hbm>>
        %dma_start3A_541 = arith.constant 0 : i32
        %dma_start3A_542 = arith.constant 0 : i32
        %dma_start3A_543 = tpu.memref_slice %dma_start3A_540[%dma_start3A_541, %dma_start3A_542] : memref<100000x32xf32, #tpu.memory_space<hbm>> -> memref<100000x32xf32, #tpu.memory_space<hbm>>
        tpu.enqueue_indirect_dma source(%dma_start3A_543 : memref<100000x32xf32, #tpu.memory_space<hbm>>) target(%dma_start3A_533 : memref<128x32xf32, #tpu.memory_space<vmem>>) offsets(%dma_start3A_536 : memref<128xi32, #tpu.memory_space<vmem>>) semaphore(%arg10 : memref<!tpu.dma_semaphore, #tpu.memory_space<semaphore_mem>>)
        %dma_start3A_544 = arith.constant 2 : i32
        %dma_start3A_545 = arith.constant 256 : i32
        %dma_start3A_546 = arith.constant 0 : i32
        %dma_start3A_547 = tpu.memref_slice %arg7[%dma_start3A_545, %dma_start3A_546] : memref<640x32xf32, #tpu.memory_space<vmem>> -> memref<128x32xf32, #tpu.memory_space<vmem>>
        %dma_start3A_548 = arith.constant 0 : i32
        %dma_start3A_549 = tpu.memref_slice %arg6[%add3A_515, %dma_start3A_544, %dma_start3A_548] : memref<26x5x128xi32, #tpu.memory_space<vmem>> -> memref<1x1x128xi32, #tpu.memory_space<vmem>>
        %dma_start3A_550 = tpu.memref_squeeze %dma_start3A_549 : memref<1x1x128xi32, #tpu.memory_space<vmem>> -> memref<128xi32, #tpu.memory_space<vmem>>
        %dma_start3A_551 = arith.constant 0 : i32
        %dma_start3A_552 = arith.constant 0 : i32
        %dma_start3A_553 = tpu.memref_slice %arg3[%add3A_515, %dma_start3A_551, %dma_start3A_552] : memref<26x100000x32xf32, #tpu.memory_space<hbm>> -> memref<1x100000x32xf32, #tpu.memory_space<hbm>>
        %dma_start3A_554 = tpu.memref_squeeze %dma_start3A_553 : memref<1x100000x32xf32, #tpu.memory_space<hbm>> -> memref<100000x32xf32, #tpu.memory_space<hbm>>
        %dma_start3A_555 = arith.constant 0 : i32
        %dma_start3A_556 = arith.constant 0 : i32
        %dma_start3A_557 = tpu.memref_slice %dma_start3A_554[%dma_start3A_555, %dma_start3A_556] : memref<100000x32xf32, #tpu.memory_space<hbm>> -> memref<100000x32xf32, #tpu.memory_space<hbm>>
        tpu.enqueue_indirect_dma source(%dma_start3A_557 : memref<100000x32xf32, #tpu.memory_space<hbm>>) target(%dma_start3A_547 : memref<128x32xf32, #tpu.memory_space<vmem>>) offsets(%dma_start3A_550 : memref<128xi32, #tpu.memory_space<vmem>>) semaphore(%arg10 : memref<!tpu.dma_semaphore, #tpu.memory_space<semaphore_mem>>)
        %dma_start3A_558 = arith.constant 3 : i32
        %dma_start3A_559 = arith.constant 384 : i32
        %dma_start3A_560 = arith.constant 0 : i32
        %dma_start3A_561 = tpu.memref_slice %arg7[%dma_start3A_559, %dma_start3A_560] : memref<640x32xf32, #tpu.memory_space<vmem>> -> memref<128x32xf32, #tpu.memory_space<vmem>>
        %dma_start3A_562 = arith.constant 0 : i32
        %dma_start3A_563 = tpu.memref_slice %arg6[%add3A_515, %dma_start3A_558, %dma_start3A_562] : memref<26x5x128xi32, #tpu.memory_space<vmem>> -> memref<1x1x128xi32, #tpu.memory_space<vmem>>
        %dma_start3A_564 = tpu.memref_squeeze %dma_start3A_563 : memref<1x1x128xi32, #tpu.memory_space<vmem>> -> memref<128xi32, #tpu.memory_space<vmem>>
        %dma_start3A_565 = arith.constant 0 : i32
        %dma_start3A_566 = arith.constant 0 : i32
        %dma_start3A_567 = tpu.memref_slice %arg3[%add3A_515, %dma_start3A_565, %dma_start3A_566] : memref<26x100000x32xf32, #tpu.memory_space<hbm>> -> memref<1x100000x32xf32, #tpu.memory_space<hbm>>
        %dma_start3A_568 = tpu.memref_squeeze %dma_start3A_567 : memref<1x100000x32xf32, #tpu.memory_space<hbm>> -> memref<100000x32xf32, #tpu.memory_space<hbm>>
        %dma_start3A_569 = arith.constant 0 : i32
        %dma_start3A_570 = arith.constant 0 : i32
        %dma_start3A_571 = tpu.memref_slice %dma_start3A_568[%dma_start3A_569, %dma_start3A_570] : memref<100000x32xf32, #tpu.memory_space<hbm>> -> memref<100000x32xf32, #tpu.memory_space<hbm>>
        tpu.enqueue_indirect_dma source(%dma_start3A_571 : memref<100000x32xf32, #tpu.memory_space<hbm>>) target(%dma_start3A_561 : memref<128x32xf32, #tpu.memory_space<vmem>>) offsets(%dma_start3A_564 : memref<128xi32, #tpu.memory_space<vmem>>) semaphore(%arg10 : memref<!tpu.dma_semaphore, #tpu.memory_space<semaphore_mem>>)
        %dma_start3A_572 = arith.constant 4 : i32
        %dma_start3A_573 = arith.constant 512 : i32
        %dma_start3A_574 = arith.constant 0 : i32
        %dma_start3A_575 = tpu.memref_slice %arg7[%dma_start3A_573, %dma_start3A_574] : memref<640x32xf32, #tpu.memory_space<vmem>> -> memref<128x32xf32, #tpu.memory_space<vmem>>
        %dma_start3A_576 = arith.constant 0 : i32
        %dma_start3A_577 = tpu.memref_slice %arg6[%add3A_515, %dma_start3A_572, %dma_start3A_576] : memref<26x5x128xi32, #tpu.memory_space<vmem>> -> memref<1x1x128xi32, #tpu.memory_space<vmem>>
        %dma_start3A_578 = tpu.memref_squeeze %dma_start3A_577 : memref<1x1x128xi32, #tpu.memory_space<vmem>> -> memref<128xi32, #tpu.memory_space<vmem>>
        %dma_start3A_579 = arith.constant 0 : i32
        %dma_start3A_580 = arith.constant 0 : i32
        %dma_start3A_581 = tpu.memref_slice %arg3[%add3A_515, %dma_start3A_579, %dma_start3A_580] : memref<26x100000x32xf32, #tpu.memory_space<hbm>> -> memref<1x100000x32xf32, #tpu.memory_space<hbm>>
        %dma_start3A_582 = tpu.memref_squeeze %dma_start3A_581 : memref<1x100000x32xf32, #tpu.memory_space<hbm>> -> memref<100000x32xf32, #tpu.memory_space<hbm>>
        %dma_start3A_583 = arith.constant 0 : i32
        %dma_start3A_584 = arith.constant 0 : i32
        %dma_start3A_585 = tpu.memref_slice %dma_start3A_582[%dma_start3A_583, %dma_start3A_584] : memref<100000x32xf32, #tpu.memory_space<hbm>> -> memref<100000x32xf32, #tpu.memory_space<hbm>>
        tpu.enqueue_indirect_dma source(%dma_start3A_585 : memref<100000x32xf32, #tpu.memory_space<hbm>>) target(%dma_start3A_575 : memref<128x32xf32, #tpu.memory_space<vmem>>) offsets(%dma_start3A_578 : memref<128xi32, #tpu.memory_space<vmem>>) semaphore(%arg10 : memref<!tpu.dma_semaphore, #tpu.memory_space<semaphore_mem>>)
        %add3A_586 = arith.constant 1 : i32
        %add3A_587 = arith.addi %mul3A_364, %add3A_586 : i32
        %dma_wait3A_588 = arith.constant 0 : i32
        %dma_wait3A_589 = arith.constant 0 : i32
        %dma_wait3A_590 = arith.constant 0 : i32
        %dma_wait3A_591 = tpu.memref_slice %arg8[%dma_wait3A_589, %dma_wait3A_590] : memref<640x32xf32, #tpu.memory_space<vmem>> -> memref<128x32xf32, #tpu.memory_space<vmem>>
        %dma_wait3A_592 = arith.constant 0 : i32
        %dma_wait3A_593 = tpu.memref_slice %arg6[%add3A_587, %dma_wait3A_588, %dma_wait3A_592] : memref<26x5x128xi32, #tpu.memory_space<vmem>> -> memref<1x1x128xi32, #tpu.memory_space<vmem>>
        %dma_wait3A_594 = tpu.memref_squeeze %dma_wait3A_593 : memref<1x1x128xi32, #tpu.memory_space<vmem>> -> memref<128xi32, #tpu.memory_space<vmem>>
        %dma_wait3A_595 = arith.constant 0 : i32
        %dma_wait3A_596 = arith.constant 0 : i32
        %dma_wait3A_597 = tpu.memref_slice %arg3[%add3A_587, %dma_wait3A_595, %dma_wait3A_596] : memref<26x100000x32xf32, #tpu.memory_space<hbm>> -> memref<1x100000x32xf32, #tpu.memory_space<hbm>>
        %dma_wait3A_598 = tpu.memref_squeeze %dma_wait3A_597 : memref<1x100000x32xf32, #tpu.memory_space<hbm>> -> memref<100000x32xf32, #tpu.memory_space<hbm>>
        %dma_wait3A_599 = arith.constant 0 : i32
        %dma_wait3A_600 = arith.constant 0 : i32
        %dma_wait3A_601 = tpu.memref_slice %dma_wait3A_598[%dma_wait3A_599, %dma_wait3A_600] : memref<100000x32xf32, #tpu.memory_space<hbm>> -> memref<100000x32xf32, #tpu.memory_space<hbm>>
        tpu.wait_indirect_dma semaphore(%arg11 : memref<!tpu.dma_semaphore, #tpu.memory_space<semaphore_mem>>) src(%dma_wait3A_601 : memref<100000x32xf32, #tpu.memory_space<hbm>>) dst(%dma_wait3A_591 : memref<128x32xf32, #tpu.memory_space<vmem>>)
        %dma_wait3A_602 = arith.constant 1 : i32
        %dma_wait3A_603 = arith.constant 128 : i32
        %dma_wait3A_604 = arith.constant 0 : i32
        %dma_wait3A_605 = tpu.memref_slice %arg8[%dma_wait3A_603, %dma_wait3A_604] : memref<640x32xf32, #tpu.memory_space<vmem>> -> memref<128x32xf32, #tpu.memory_space<vmem>>
        %dma_wait3A_606 = arith.constant 0 : i32
        %dma_wait3A_607 = tpu.memref_slice %arg6[%add3A_587, %dma_wait3A_602, %dma_wait3A_606] : memref<26x5x128xi32, #tpu.memory_space<vmem>> -> memref<1x1x128xi32, #tpu.memory_space<vmem>>
        %dma_wait3A_608 = tpu.memref_squeeze %dma_wait3A_607 : memref<1x1x128xi32, #tpu.memory_space<vmem>> -> memref<128xi32, #tpu.memory_space<vmem>>
        %dma_wait3A_609 = arith.constant 0 : i32
        %dma_wait3A_610 = arith.constant 0 : i32
        %dma_wait3A_611 = tpu.memref_slice %arg3[%add3A_587, %dma_wait3A_609, %dma_wait3A_610] : memref<26x100000x32xf32, #tpu.memory_space<hbm>> -> memref<1x100000x32xf32, #tpu.memory_space<hbm>>
        %dma_wait3A_612 = tpu.memref_squeeze %dma_wait3A_611 : memref<1x100000x32xf32, #tpu.memory_space<hbm>> -> memref<100000x32xf32, #tpu.memory_space<hbm>>
        %dma_wait3A_613 = arith.constant 0 : i32
        %dma_wait3A_614 = arith.constant 0 : i32
        %dma_wait3A_615 = tpu.memref_slice %dma_wait3A_612[%dma_wait3A_613, %dma_wait3A_614] : memref<100000x32xf32, #tpu.memory_space<hbm>> -> memref<100000x32xf32, #tpu.memory_space<hbm>>
        tpu.wait_indirect_dma semaphore(%arg11 : memref<!tpu.dma_semaphore, #tpu.memory_space<semaphore_mem>>) src(%dma_wait3A_615 : memref<100000x32xf32, #tpu.memory_space<hbm>>) dst(%dma_wait3A_605 : memref<128x32xf32, #tpu.memory_space<vmem>>)
        %dma_wait3A_616 = arith.constant 2 : i32
        %dma_wait3A_617 = arith.constant 256 : i32
        %dma_wait3A_618 = arith.constant 0 : i32
        %dma_wait3A_619 = tpu.memref_slice %arg8[%dma_wait3A_617, %dma_wait3A_618] : memref<640x32xf32, #tpu.memory_space<vmem>> -> memref<128x32xf32, #tpu.memory_space<vmem>>
        %dma_wait3A_620 = arith.constant 0 : i32
        %dma_wait3A_621 = tpu.memref_slice %arg6[%add3A_587, %dma_wait3A_616, %dma_wait3A_620] : memref<26x5x128xi32, #tpu.memory_space<vmem>> -> memref<1x1x128xi32, #tpu.memory_space<vmem>>
        %dma_wait3A_622 = tpu.memref_squeeze %dma_wait3A_621 : memref<1x1x128xi32, #tpu.memory_space<vmem>> -> memref<128xi32, #tpu.memory_space<vmem>>
        %dma_wait3A_623 = arith.constant 0 : i32
        %dma_wait3A_624 = arith.constant 0 : i32
        %dma_wait3A_625 = tpu.memref_slice %arg3[%add3A_587, %dma_wait3A_623, %dma_wait3A_624] : memref<26x100000x32xf32, #tpu.memory_space<hbm>> -> memref<1x100000x32xf32, #tpu.memory_space<hbm>>
        %dma_wait3A_626 = tpu.memref_squeeze %dma_wait3A_625 : memref<1x100000x32xf32, #tpu.memory_space<hbm>> -> memref<100000x32xf32, #tpu.memory_space<hbm>>
        %dma_wait3A_627 = arith.constant 0 : i32
        %dma_wait3A_628 = arith.constant 0 : i32
        %dma_wait3A_629 = tpu.memref_slice %dma_wait3A_626[%dma_wait3A_627, %dma_wait3A_628] : memref<100000x32xf32, #tpu.memory_space<hbm>> -> memref<100000x32xf32, #tpu.memory_space<hbm>>
        tpu.wait_indirect_dma semaphore(%arg11 : memref<!tpu.dma_semaphore, #tpu.memory_space<semaphore_mem>>) src(%dma_wait3A_629 : memref<100000x32xf32, #tpu.memory_space<hbm>>) dst(%dma_wait3A_619 : memref<128x32xf32, #tpu.memory_space<vmem>>)
        %dma_wait3A_630 = arith.constant 3 : i32
        %dma_wait3A_631 = arith.constant 384 : i32
        %dma_wait3A_632 = arith.constant 0 : i32
        %dma_wait3A_633 = tpu.memref_slice %arg8[%dma_wait3A_631, %dma_wait3A_632] : memref<640x32xf32, #tpu.memory_space<vmem>> -> memref<128x32xf32, #tpu.memory_space<vmem>>
        %dma_wait3A_634 = arith.constant 0 : i32
        %dma_wait3A_635 = tpu.memref_slice %arg6[%add3A_587, %dma_wait3A_630, %dma_wait3A_634] : memref<26x5x128xi32, #tpu.memory_space<vmem>> -> memref<1x1x128xi32, #tpu.memory_space<vmem>>
        %dma_wait3A_636 = tpu.memref_squeeze %dma_wait3A_635 : memref<1x1x128xi32, #tpu.memory_space<vmem>> -> memref<128xi32, #tpu.memory_space<vmem>>
        %dma_wait3A_637 = arith.constant 0 : i32
        %dma_wait3A_638 = arith.constant 0 : i32
        %dma_wait3A_639 = tpu.memref_slice %arg3[%add3A_587, %dma_wait3A_637, %dma_wait3A_638] : memref<26x100000x32xf32, #tpu.memory_space<hbm>> -> memref<1x100000x32xf32, #tpu.memory_space<hbm>>
        %dma_wait3A_640 = tpu.memref_squeeze %dma_wait3A_639 : memref<1x100000x32xf32, #tpu.memory_space<hbm>> -> memref<100000x32xf32, #tpu.memory_space<hbm>>
        %dma_wait3A_641 = arith.constant 0 : i32
        %dma_wait3A_642 = arith.constant 0 : i32
        %dma_wait3A_643 = tpu.memref_slice %dma_wait3A_640[%dma_wait3A_641, %dma_wait3A_642] : memref<100000x32xf32, #tpu.memory_space<hbm>> -> memref<100000x32xf32, #tpu.memory_space<hbm>>
        tpu.wait_indirect_dma semaphore(%arg11 : memref<!tpu.dma_semaphore, #tpu.memory_space<semaphore_mem>>) src(%dma_wait3A_643 : memref<100000x32xf32, #tpu.memory_space<hbm>>) dst(%dma_wait3A_633 : memref<128x32xf32, #tpu.memory_space<vmem>>)
        %dma_wait3A_644 = arith.constant 4 : i32
        %dma_wait3A_645 = arith.constant 512 : i32
        %dma_wait3A_646 = arith.constant 0 : i32
        %dma_wait3A_647 = tpu.memref_slice %arg8[%dma_wait3A_645, %dma_wait3A_646] : memref<640x32xf32, #tpu.memory_space<vmem>> -> memref<128x32xf32, #tpu.memory_space<vmem>>
        %dma_wait3A_648 = arith.constant 0 : i32
        %dma_wait3A_649 = tpu.memref_slice %arg6[%add3A_587, %dma_wait3A_644, %dma_wait3A_648] : memref<26x5x128xi32, #tpu.memory_space<vmem>> -> memref<1x1x128xi32, #tpu.memory_space<vmem>>
        %dma_wait3A_650 = tpu.memref_squeeze %dma_wait3A_649 : memref<1x1x128xi32, #tpu.memory_space<vmem>> -> memref<128xi32, #tpu.memory_space<vmem>>
        %dma_wait3A_651 = arith.constant 0 : i32
        %dma_wait3A_652 = arith.constant 0 : i32
        %dma_wait3A_653 = tpu.memref_slice %arg3[%add3A_587, %dma_wait3A_651, %dma_wait3A_652] : memref<26x100000x32xf32, #tpu.memory_space<hbm>> -> memref<1x100000x32xf32, #tpu.memory_space<hbm>>
        %dma_wait3A_654 = tpu.memref_squeeze %dma_wait3A_653 : memref<1x100000x32xf32, #tpu.memory_space<hbm>> -> memref<100000x32xf32, #tpu.memory_space<hbm>>
        %dma_wait3A_655 = arith.constant 0 : i32
        %dma_wait3A_656 = arith.constant 0 : i32
        %dma_wait3A_657 = tpu.memref_slice %dma_wait3A_654[%dma_wait3A_655, %dma_wait3A_656] : memref<100000x32xf32, #tpu.memory_space<hbm>> -> memref<100000x32xf32, #tpu.memory_space<hbm>>
        tpu.wait_indirect_dma semaphore(%arg11 : memref<!tpu.dma_semaphore, #tpu.memory_space<semaphore_mem>>) src(%dma_wait3A_657 : memref<100000x32xf32, #tpu.memory_space<hbm>>) dst(%dma_wait3A_647 : memref<128x32xf32, #tpu.memory_space<vmem>>)
        %add3A_658 = arith.constant 1 : i32
        %add3A_659 = arith.addi %mul3A_364, %add3A_658 : i32
        %scan3A_660 = arith.constant 0 : i32
        %scan3A_661 = arith.constant 0 : i32
        %scan3A_662 = arith.constant 32 : i32
        %scan3A_663 = arith.addi %scan3A_661, %scan3A_662 : i32
        %scan3A_664 = arith.constant 1 : i32
        %scan3A_665 = scf.for %scan3A_668 = %scan3A_661 to %scan3A_663 step %scan3A_664 iter_args(%scan3A_669 = %scan3A_660) -> (i32)  : i32 {
          %get3A = arith.index_cast %scan3A_668 : i32 to index
          %get3A_670 = arith.constant 0 : index
          %get3A_671 = tpu.vector_load %arg8[%get3A, %get3A_670] {strides = array<i32>} : memref<640x32xf32, #tpu.memory_space<vmem>>, vector<1x16xf32>,
          %get3A_672 = vector.shape_cast %get3A_671 : vector<1x16xf32> to vector<16xf32>
          %get3A_673 = arith.index_cast %scan3A_668 : i32 to index
          %get3A_674 = arith.constant 16 : index
          %get3A_675 = tpu.vector_load %arg8[%get3A_673, %get3A_674] {strides = array<i32>} : memref<640x32xf32, #tpu.memory_space<vmem>>, vector<1x16xf32>,
          %get3A_676 = vector.shape_cast %get3A_675 : vector<1x16xf32> to vector<16xf32>
          %add3A_677 = arith.constant 32 : i32
          %add3A_678 = arith.addi %add3A_677, %scan3A_668 : i32
          %get3A_679 = arith.index_cast %add3A_678 : i32 to index
          %get3A_680 = arith.constant 0 : index
          %get3A_681 = tpu.vector_load %arg8[%get3A_679, %get3A_680] {strides = array<i32>} : memref<640x32xf32, #tpu.memory_space<vmem>>, vector<1x16xf32>,
          %get3A_682 = vector.shape_cast %get3A_681 : vector<1x16xf32> to vector<16xf32>
          %add3A_683 = arith.addf %get3A_672, %get3A_682 : vector<16xf32>
          %add3A_684 = arith.constant 32 : i32
          %add3A_685 = arith.addi %add3A_684, %scan3A_668 : i32
          %get3A_686 = arith.index_cast %add3A_685 : i32 to index
          %get3A_687 = arith.constant 16 : index
          %get3A_688 = tpu.vector_load %arg8[%get3A_686, %get3A_687] {strides = array<i32>} : memref<640x32xf32, #tpu.memory_space<vmem>>, vector<1x16xf32>,
          %get3A_689 = vector.shape_cast %get3A_688 : vector<1x16xf32> to vector<16xf32>
          %add3A_690 = arith.addf %get3A_676, %get3A_689 : vector<16xf32>
          %add3A_691 = arith.constant 64 : i32
          %add3A_692 = arith.addi %add3A_691, %scan3A_668 : i32
          %get3A_693 = arith.index_cast %add3A_692 : i32 to index
          %get3A_694 = arith.constant 0 : index
          %get3A_695 = tpu.vector_load %arg8[%get3A_693, %get3A_694] {strides = array<i32>} : memref<640x32xf32, #tpu.memory_space<vmem>>, vector<1x16xf32>,
          %get3A_696 = vector.shape_cast %get3A_695 : vector<1x16xf32> to vector<16xf32>
          %add3A_697 = arith.addf %add3A_683, %get3A_696 : vector<16xf32>
          %add3A_698 = arith.constant 64 : i32
          %add3A_699 = arith.addi %add3A_698, %scan3A_668 : i32
          %get3A_700 = arith.index_cast %add3A_699 : i32 to index
          %get3A_701 = arith.constant 16 : index
          %get3A_702 = tpu.vector_load %arg8[%get3A_700, %get3A_701] {strides = array<i32>} : memref<640x32xf32, #tpu.memory_space<vmem>>, vector<1x16xf32>,
          %get3A_703 = vector.shape_cast %get3A_702 : vector<1x16xf32> to vector<16xf32>
          %add3A_704 = arith.addf %add3A_690, %get3A_703 : vector<16xf32>
          %add3A_705 = arith.constant 96 : i32
          %add3A_706 = arith.addi %add3A_705, %scan3A_668 : i32
          %get3A_707 = arith.index_cast %add3A_706 : i32 to index
          %get3A_708 = arith.constant 0 : index
          %get3A_709 = tpu.vector_load %arg8[%get3A_707, %get3A_708] {strides = array<i32>} : memref<640x32xf32, #tpu.memory_space<vmem>>, vector<1x16xf32>,
          %get3A_710 = vector.shape_cast %get3A_709 : vector<1x16xf32> to vector<16xf32>
          %add3A_711 = arith.addf %add3A_697, %get3A_710 : vector<16xf32>
          %add3A_712 = arith.constant 96 : i32
          %add3A_713 = arith.addi %add3A_712, %scan3A_668 : i32
          %get3A_714 = arith.index_cast %add3A_713 : i32 to index
          %get3A_715 = arith.constant 16 : index
          %get3A_716 = tpu.vector_load %arg8[%get3A_714, %get3A_715] {strides = array<i32>} : memref<640x32xf32, #tpu.memory_space<vmem>>, vector<1x16xf32>,
          %get3A_717 = vector.shape_cast %get3A_716 : vector<1x16xf32> to vector<16xf32>
          %add3A_718 = arith.addf %add3A_704, %get3A_717 : vector<16xf32>
          %add3A_719 = arith.constant 128 : i32
          %add3A_720 = arith.addi %add3A_719, %scan3A_668 : i32
          %get3A_721 = arith.index_cast %add3A_720 : i32 to index
          %get3A_722 = arith.constant 0 : index
          %get3A_723 = tpu.vector_load %arg8[%get3A_721, %get3A_722] {strides = array<i32>} : memref<640x32xf32, #tpu.memory_space<vmem>>, vector<1x16xf32>,
          %get3A_724 = vector.shape_cast %get3A_723 : vector<1x16xf32> to vector<16xf32>
          %add3A_725 = arith.addf %add3A_711, %get3A_724 : vector<16xf32>
          %add3A_726 = arith.constant 128 : i32
          %add3A_727 = arith.addi %add3A_726, %scan3A_668 : i32
          %get3A_728 = arith.index_cast %add3A_727 : i32 to index
          %get3A_729 = arith.constant 16 : index
          %get3A_730 = tpu.vector_load %arg8[%get3A_728, %get3A_729] {strides = array<i32>} : memref<640x32xf32, #tpu.memory_space<vmem>>, vector<1x16xf32>,
          %get3A_731 = vector.shape_cast %get3A_730 : vector<1x16xf32> to vector<16xf32>
          %add3A_732 = arith.addf %add3A_718, %get3A_731 : vector<16xf32>
          %add3A_733 = arith.constant 160 : i32
          %add3A_734 = arith.addi %add3A_733, %scan3A_668 : i32
          %get3A_735 = arith.index_cast %add3A_734 : i32 to index
          %get3A_736 = arith.constant 0 : index
          %get3A_737 = tpu.vector_load %arg8[%get3A_735, %get3A_736] {strides = array<i32>} : memref<640x32xf32, #tpu.memory_space<vmem>>, vector<1x16xf32>,
          %get3A_738 = vector.shape_cast %get3A_737 : vector<1x16xf32> to vector<16xf32>
          %add3A_739 = arith.addf %add3A_725, %get3A_738 : vector<16xf32>
          %add3A_740 = arith.constant 160 : i32
          %add3A_741 = arith.addi %add3A_740, %scan3A_668 : i32
          %get3A_742 = arith.index_cast %add3A_741 : i32 to index
          %get3A_743 = arith.constant 16 : index
          %get3A_744 = tpu.vector_load %arg8[%get3A_742, %get3A_743] {strides = array<i32>} : memref<640x32xf32, #tpu.memory_space<vmem>>, vector<1x16xf32>,
          %get3A_745 = vector.shape_cast %get3A_744 : vector<1x16xf32> to vector<16xf32>
          %add3A_746 = arith.addf %add3A_732, %get3A_745 : vector<16xf32>
          %add3A_747 = arith.constant 192 : i32
          %add3A_748 = arith.addi %add3A_747, %scan3A_668 : i32
          %get3A_749 = arith.index_cast %add3A_748 : i32 to index
          %get3A_750 = arith.constant 0 : index
          %get3A_751 = tpu.vector_load %arg8[%get3A_749, %get3A_750] {strides = array<i32>} : memref<640x32xf32, #tpu.memory_space<vmem>>, vector<1x16xf32>,
          %get3A_752 = vector.shape_cast %get3A_751 : vector<1x16xf32> to vector<16xf32>
          %add3A_753 = arith.addf %add3A_739, %get3A_752 : vector<16xf32>
          %add3A_754 = arith.constant 192 : i32
          %add3A_755 = arith.addi %add3A_754, %scan3A_668 : i32
          %get3A_756 = arith.index_cast %add3A_755 : i32 to index
          %get3A_757 = arith.constant 16 : index
          %get3A_758 = tpu.vector_load %arg8[%get3A_756, %get3A_757] {strides = array<i32>} : memref<640x32xf32, #tpu.memory_space<vmem>>, vector<1x16xf32>,
          %get3A_759 = vector.shape_cast %get3A_758 : vector<1x16xf32> to vector<16xf32>
          %add3A_760 = arith.addf %add3A_746, %get3A_759 : vector<16xf32>
          %add3A_761 = arith.constant 224 : i32
          %add3A_762 = arith.addi %add3A_761, %scan3A_668 : i32
          %get3A_763 = arith.index_cast %add3A_762 : i32 to index
          %get3A_764 = arith.constant 0 : index
          %get3A_765 = tpu.vector_load %arg8[%get3A_763, %get3A_764] {strides = array<i32>} : memref<640x32xf32, #tpu.memory_space<vmem>>, vector<1x16xf32>,
          %get3A_766 = vector.shape_cast %get3A_765 : vector<1x16xf32> to vector<16xf32>
          %add3A_767 = arith.addf %add3A_753, %get3A_766 : vector<16xf32>
          %add3A_768 = arith.constant 224 : i32
          %add3A_769 = arith.addi %add3A_768, %scan3A_668 : i32
          %get3A_770 = arith.index_cast %add3A_769 : i32 to index
          %get3A_771 = arith.constant 16 : index
          %get3A_772 = tpu.vector_load %arg8[%get3A_770, %get3A_771] {strides = array<i32>} : memref<640x32xf32, #tpu.memory_space<vmem>>, vector<1x16xf32>,
          %get3A_773 = vector.shape_cast %get3A_772 : vector<1x16xf32> to vector<16xf32>
          %add3A_774 = arith.addf %add3A_760, %get3A_773 : vector<16xf32>
          %add3A_775 = arith.constant 256 : i32
          %add3A_776 = arith.addi %add3A_775, %scan3A_668 : i32
          %get3A_777 = arith.index_cast %add3A_776 : i32 to index
          %get3A_778 = arith.constant 0 : index
          %get3A_779 = tpu.vector_load %arg8[%get3A_777, %get3A_778] {strides = array<i32>} : memref<640x32xf32, #tpu.memory_space<vmem>>, vector<1x16xf32>,
          %get3A_780 = vector.shape_cast %get3A_779 : vector<1x16xf32> to vector<16xf32>
          %add3A_781 = arith.addf %add3A_767, %get3A_780 : vector<16xf32>
          %add3A_782 = arith.constant 256 : i32
          %add3A_783 = arith.addi %add3A_782, %scan3A_668 : i32
          %get3A_784 = arith.index_cast %add3A_783 : i32 to index
          %get3A_785 = arith.constant 16 : index
          %get3A_786 = tpu.vector_load %arg8[%get3A_784, %get3A_785] {strides = array<i32>} : memref<640x32xf32, #tpu.memory_space<vmem>>, vector<1x16xf32>,
          %get3A_787 = vector.shape_cast %get3A_786 : vector<1x16xf32> to vector<16xf32>
          %add3A_788 = arith.addf %add3A_774, %get3A_787 : vector<16xf32>
          %add3A_789 = arith.constant 288 : i32
          %add3A_790 = arith.addi %add3A_789, %scan3A_668 : i32
          %get3A_791 = arith.index_cast %add3A_790 : i32 to index
          %get3A_792 = arith.constant 0 : index
          %get3A_793 = tpu.vector_load %arg8[%get3A_791, %get3A_792] {strides = array<i32>} : memref<640x32xf32, #tpu.memory_space<vmem>>, vector<1x16xf32>,
          %get3A_794 = vector.shape_cast %get3A_793 : vector<1x16xf32> to vector<16xf32>
          %add3A_795 = arith.addf %add3A_781, %get3A_794 : vector<16xf32>
          %add3A_796 = arith.constant 288 : i32
          %add3A_797 = arith.addi %add3A_796, %scan3A_668 : i32
          %get3A_798 = arith.index_cast %add3A_797 : i32 to index
          %get3A_799 = arith.constant 16 : index
          %get3A_800 = tpu.vector_load %arg8[%get3A_798, %get3A_799] {strides = array<i32>} : memref<640x32xf32, #tpu.memory_space<vmem>>, vector<1x16xf32>,
          %get3A_801 = vector.shape_cast %get3A_800 : vector<1x16xf32> to vector<16xf32>
          %add3A_802 = arith.addf %add3A_788, %get3A_801 : vector<16xf32>
          %add3A_803 = arith.constant 320 : i32
          %add3A_804 = arith.addi %add3A_803, %scan3A_668 : i32
          %get3A_805 = arith.index_cast %add3A_804 : i32 to index
          %get3A_806 = arith.constant 0 : index
          %get3A_807 = tpu.vector_load %arg8[%get3A_805, %get3A_806] {strides = array<i32>} : memref<640x32xf32, #tpu.memory_space<vmem>>, vector<1x16xf32>,
          %get3A_808 = vector.shape_cast %get3A_807 : vector<1x16xf32> to vector<16xf32>
          %add3A_809 = arith.addf %add3A_795, %get3A_808 : vector<16xf32>
          %add3A_810 = arith.constant 320 : i32
          %add3A_811 = arith.addi %add3A_810, %scan3A_668 : i32
          %get3A_812 = arith.index_cast %add3A_811 : i32 to index
          %get3A_813 = arith.constant 16 : index
          %get3A_814 = tpu.vector_load %arg8[%get3A_812, %get3A_813] {strides = array<i32>} : memref<640x32xf32, #tpu.memory_space<vmem>>, vector<1x16xf32>,
          %get3A_815 = vector.shape_cast %get3A_814 : vector<1x16xf32> to vector<16xf32>
          %add3A_816 = arith.addf %add3A_802, %get3A_815 : vector<16xf32>
          %add3A_817 = arith.constant 352 : i32
          %add3A_818 = arith.addi %add3A_817, %scan3A_668 : i32
          %get3A_819 = arith.index_cast %add3A_818 : i32 to index
          %get3A_820 = arith.constant 0 : index
          %get3A_821 = tpu.vector_load %arg8[%get3A_819, %get3A_820] {strides = array<i32>} : memref<640x32xf32, #tpu.memory_space<vmem>>, vector<1x16xf32>,
          %get3A_822 = vector.shape_cast %get3A_821 : vector<1x16xf32> to vector<16xf32>
          %add3A_823 = arith.addf %add3A_809, %get3A_822 : vector<16xf32>
          %add3A_824 = arith.constant 352 : i32
          %add3A_825 = arith.addi %add3A_824, %scan3A_668 : i32
          %get3A_826 = arith.index_cast %add3A_825 : i32 to index
          %get3A_827 = arith.constant 16 : index
          %get3A_828 = tpu.vector_load %arg8[%get3A_826, %get3A_827] {strides = array<i32>} : memref<640x32xf32, #tpu.memory_space<vmem>>, vector<1x16xf32>,
          %get3A_829 = vector.shape_cast %get3A_828 : vector<1x16xf32> to vector<16xf32>
          %add3A_830 = arith.addf %add3A_816, %get3A_829 : vector<16xf32>
          %add3A_831 = arith.constant 384 : i32
          %add3A_832 = arith.addi %add3A_831, %scan3A_668 : i32
          %get3A_833 = arith.index_cast %add3A_832 : i32 to index
          %get3A_834 = arith.constant 0 : index
          %get3A_835 = tpu.vector_load %arg8[%get3A_833, %get3A_834] {strides = array<i32>} : memref<640x32xf32, #tpu.memory_space<vmem>>, vector<1x16xf32>,
          %get3A_836 = vector.shape_cast %get3A_835 : vector<1x16xf32> to vector<16xf32>
          %add3A_837 = arith.addf %add3A_823, %get3A_836 : vector<16xf32>
          %add3A_838 = arith.constant 384 : i32
          %add3A_839 = arith.addi %add3A_838, %scan3A_668 : i32
          %get3A_840 = arith.index_cast %add3A_839 : i32 to index
          %get3A_841 = arith.constant 16 : index
          %get3A_842 = tpu.vector_load %arg8[%get3A_840, %get3A_841] {strides = array<i32>} : memref<640x32xf32, #tpu.memory_space<vmem>>, vector<1x16xf32>,
          %get3A_843 = vector.shape_cast %get3A_842 : vector<1x16xf32> to vector<16xf32>
          %add3A_844 = arith.addf %add3A_830, %get3A_843 : vector<16xf32>
          %add3A_845 = arith.constant 416 : i32
          %add3A_846 = arith.addi %add3A_845, %scan3A_668 : i32
          %get3A_847 = arith.index_cast %add3A_846 : i32 to index
          %get3A_848 = arith.constant 0 : index
          %get3A_849 = tpu.vector_load %arg8[%get3A_847, %get3A_848] {strides = array<i32>} : memref<640x32xf32, #tpu.memory_space<vmem>>, vector<1x16xf32>,
          %get3A_850 = vector.shape_cast %get3A_849 : vector<1x16xf32> to vector<16xf32>
          %add3A_851 = arith.addf %add3A_837, %get3A_850 : vector<16xf32>
          %add3A_852 = arith.constant 416 : i32
          %add3A_853 = arith.addi %add3A_852, %scan3A_668 : i32
          %get3A_854 = arith.index_cast %add3A_853 : i32 to index
          %get3A_855 = arith.constant 16 : index
          %get3A_856 = tpu.vector_load %arg8[%get3A_854, %get3A_855] {strides = array<i32>} : memref<640x32xf32, #tpu.memory_space<vmem>>, vector<1x16xf32>,
          %get3A_857 = vector.shape_cast %get3A_856 : vector<1x16xf32> to vector<16xf32>
          %add3A_858 = arith.addf %add3A_844, %get3A_857 : vector<16xf32>
          %add3A_859 = arith.constant 448 : i32
          %add3A_860 = arith.addi %add3A_859, %scan3A_668 : i32
          %get3A_861 = arith.index_cast %add3A_860 : i32 to index
          %get3A_862 = arith.constant 0 : index
          %get3A_863 = tpu.vector_load %arg8[%get3A_861, %get3A_862] {strides = array<i32>} : memref<640x32xf32, #tpu.memory_space<vmem>>, vector<1x16xf32>,
          %get3A_864 = vector.shape_cast %get3A_863 : vector<1x16xf32> to vector<16xf32>
          %add3A_865 = arith.addf %add3A_851, %get3A_864 : vector<16xf32>
          %add3A_866 = arith.constant 448 : i32
          %add3A_867 = arith.addi %add3A_866, %scan3A_668 : i32
          %get3A_868 = arith.index_cast %add3A_867 : i32 to index
          %get3A_869 = arith.constant 16 : index
          %get3A_870 = tpu.vector_load %arg8[%get3A_868, %get3A_869] {strides = array<i32>} : memref<640x32xf32, #tpu.memory_space<vmem>>, vector<1x16xf32>,
          %get3A_871 = vector.shape_cast %get3A_870 : vector<1x16xf32> to vector<16xf32>
          %add3A_872 = arith.addf %add3A_858, %get3A_871 : vector<16xf32>
          %add3A_873 = arith.constant 480 : i32
          %add3A_874 = arith.addi %add3A_873, %scan3A_668 : i32
          %get3A_875 = arith.index_cast %add3A_874 : i32 to index
          %get3A_876 = arith.constant 0 : index
          %get3A_877 = tpu.vector_load %arg8[%get3A_875, %get3A_876] {strides = array<i32>} : memref<640x32xf32, #tpu.memory_space<vmem>>, vector<1x16xf32>,
          %get3A_878 = vector.shape_cast %get3A_877 : vector<1x16xf32> to vector<16xf32>
          %add3A_879 = arith.addf %add3A_865, %get3A_878 : vector<16xf32>
          %add3A_880 = arith.constant 480 : i32
          %add3A_881 = arith.addi %add3A_880, %scan3A_668 : i32
          %get3A_882 = arith.index_cast %add3A_881 : i32 to index
          %get3A_883 = arith.constant 16 : index
          %get3A_884 = tpu.vector_load %arg8[%get3A_882, %get3A_883] {strides = array<i32>} : memref<640x32xf32, #tpu.memory_space<vmem>>, vector<1x16xf32>,
          %get3A_885 = vector.shape_cast %get3A_884 : vector<1x16xf32> to vector<16xf32>
          %add3A_886 = arith.addf %add3A_872, %get3A_885 : vector<16xf32>
          %add3A_887 = arith.constant 512 : i32
          %add3A_888 = arith.addi %add3A_887, %scan3A_668 : i32
          %get3A_889 = arith.index_cast %add3A_888 : i32 to index
          %get3A_890 = arith.constant 0 : index
          %get3A_891 = tpu.vector_load %arg8[%get3A_889, %get3A_890] {strides = array<i32>} : memref<640x32xf32, #tpu.memory_space<vmem>>, vector<1x16xf32>,
          %get3A_892 = vector.shape_cast %get3A_891 : vector<1x16xf32> to vector<16xf32>
          %add3A_893 = arith.addf %add3A_879, %get3A_892 : vector<16xf32>
          %add3A_894 = arith.constant 512 : i32
          %add3A_895 = arith.addi %add3A_894, %scan3A_668 : i32
          %get3A_896 = arith.index_cast %add3A_895 : i32 to index
          %get3A_897 = arith.constant 16 : index
          %get3A_898 = tpu.vector_load %arg8[%get3A_896, %get3A_897] {strides = array<i32>} : memref<640x32xf32, #tpu.memory_space<vmem>>, vector<1x16xf32>,
          %get3A_899 = vector.shape_cast %get3A_898 : vector<1x16xf32> to vector<16xf32>
          %add3A_900 = arith.addf %add3A_886, %get3A_899 : vector<16xf32>
          %add3A_901 = arith.constant 544 : i32
          %add3A_902 = arith.addi %add3A_901, %scan3A_668 : i32
          %get3A_903 = arith.index_cast %add3A_902 : i32 to index
          %get3A_904 = arith.constant 0 : index
          %get3A_905 = tpu.vector_load %arg8[%get3A_903, %get3A_904] {strides = array<i32>} : memref<640x32xf32, #tpu.memory_space<vmem>>, vector<1x16xf32>,
          %get3A_906 = vector.shape_cast %get3A_905 : vector<1x16xf32> to vector<16xf32>
          %add3A_907 = arith.addf %add3A_893, %get3A_906 : vector<16xf32>
          %add3A_908 = arith.constant 544 : i32
          %add3A_909 = arith.addi %add3A_908, %scan3A_668 : i32
          %get3A_910 = arith.index_cast %add3A_909 : i32 to index
          %get3A_911 = arith.constant 16 : index
          %get3A_912 = tpu.vector_load %arg8[%get3A_910, %get3A_911] {strides = array<i32>} : memref<640x32xf32, #tpu.memory_space<vmem>>, vector<1x16xf32>,
          %get3A_913 = vector.shape_cast %get3A_912 : vector<1x16xf32> to vector<16xf32>
          %add3A_914 = arith.addf %add3A_900, %get3A_913 : vector<16xf32>
          %add3A_915 = arith.constant 576 : i32
          %add3A_916 = arith.addi %add3A_915, %scan3A_668 : i32
          %get3A_917 = arith.index_cast %add3A_916 : i32 to index
          %get3A_918 = arith.constant 0 : index
          %get3A_919 = tpu.vector_load %arg8[%get3A_917, %get3A_918] {strides = array<i32>} : memref<640x32xf32, #tpu.memory_space<vmem>>, vector<1x16xf32>,
          %get3A_920 = vector.shape_cast %get3A_919 : vector<1x16xf32> to vector<16xf32>
          %add3A_921 = arith.addf %add3A_907, %get3A_920 : vector<16xf32>
          %add3A_922 = arith.constant 576 : i32
          %add3A_923 = arith.addi %add3A_922, %scan3A_668 : i32
          %get3A_924 = arith.index_cast %add3A_923 : i32 to index
          %get3A_925 = arith.constant 16 : index
          %get3A_926 = tpu.vector_load %arg8[%get3A_924, %get3A_925] {strides = array<i32>} : memref<640x32xf32, #tpu.memory_space<vmem>>, vector<1x16xf32>,
          %get3A_927 = vector.shape_cast %get3A_926 : vector<1x16xf32> to vector<16xf32>
          %add3A_928 = arith.addf %add3A_914, %get3A_927 : vector<16xf32>
          %add3A_929 = arith.constant 608 : i32
          %add3A_930 = arith.addi %add3A_929, %scan3A_668 : i32
          %get3A_931 = arith.index_cast %add3A_930 : i32 to index
          %get3A_932 = arith.constant 0 : index
          %get3A_933 = tpu.vector_load %arg8[%get3A_931, %get3A_932] {strides = array<i32>} : memref<640x32xf32, #tpu.memory_space<vmem>>, vector<1x16xf32>,
          %get3A_934 = vector.shape_cast %get3A_933 : vector<1x16xf32> to vector<16xf32>
          %add3A_935 = arith.addf %add3A_921, %get3A_934 : vector<16xf32>
          %add3A_936 = arith.constant 608 : i32
          %add3A_937 = arith.addi %add3A_936, %scan3A_668 : i32
          %get3A_938 = arith.index_cast %add3A_937 : i32 to index
          %get3A_939 = arith.constant 16 : index
          %get3A_940 = tpu.vector_load %arg8[%get3A_938, %get3A_939] {strides = array<i32>} : memref<640x32xf32, #tpu.memory_space<vmem>>, vector<1x16xf32>,
          %get3A_941 = vector.shape_cast %get3A_940 : vector<1x16xf32> to vector<16xf32>
          %add3A_942 = arith.addf %add3A_928, %get3A_941 : vector<16xf32>
          %mul3A_943 = arith.constant 32 : i32
          %mul3A_944 = arith.muli %add3A_659, %mul3A_943 : i32
          %swap3A = arith.index_cast %scan3A_668 : i32 to index
          %swap3A_945 = arith.index_cast %mul3A_944 : i32 to index
          %swap3A_946 = tpu.vector_load %arg9[%swap3A, %swap3A_945] {strides = array<i32>} : memref<32x832xf32, #tpu.memory_space<vmem>>, vector<1x16xf32>,
          %swap3A_947 = vector.shape_cast %swap3A_946 : vector<1x16xf32> to vector<16xf32>
          %swap3A_948 = vector.shape_cast %add3A_935 : vector<16xf32> to vector<1x16xf32>
          tpu.vector_store %arg9[%swap3A, %swap3A_945], %swap3A_948 {strides = array<i32>} : memref<32x832xf32, #tpu.memory_space<vmem>>, vector<1x16xf32>,
          %mul3A_949 = arith.constant 32 : i32
          %mul3A_950 = arith.muli %add3A_659, %mul3A_949 : i32
          %add3A_951 = arith.constant 16 : i32
          %add3A_952 = arith.addi %mul3A_950, %add3A_951 : i32
          %swap3A_953 = arith.index_cast %scan3A_668 : i32 to index
          %swap3A_954 = arith.index_cast %add3A_952 : i32 to index
          %swap3A_955 = tpu.vector_load %arg9[%swap3A_953, %swap3A_954] {strides = array<i32>} : memref<32x832xf32, #tpu.memory_space<vmem>>, vector<1x16xf32>,
          %swap3A_956 = vector.shape_cast %swap3A_955 : vector<1x16xf32> to vector<16xf32>
          %swap3A_957 = vector.shape_cast %add3A_942 : vector<16xf32> to vector<1x16xf32>
          tpu.vector_store %arg9[%swap3A_953, %swap3A_954], %swap3A_957 {strides = array<i32>} : memref<32x832xf32, #tpu.memory_space<vmem>>, vector<1x16xf32>,
          %scan3A_958 = arith.constant 0 : i32
          scf.yield %scan3A_958 : i32
        }
        %scan3A_666 = arith.constant 32 : i32
        %scan3A_667 = arith.constant 0 : i32
        scf.yield %scan3A_667 : i32
      }
      %scan3A_106 = arith.constant 12 : i32
      %dma_start3A_107 = arith.constant 25 : i32
      %dma_start3A_108 = arith.constant 25 : i32
      %dma_start3A_109 = arith.constant 0 : i32
      %dma_start3A_110 = arith.constant 0 : i32
      %dma_start3A_111 = arith.constant 0 : i32
      %dma_start3A_112 = tpu.memref_slice %arg8[%dma_start3A_110, %dma_start3A_111] : memref<640x32xf32, #tpu.memory_space<vmem>> -> memref<128x32xf32, #tpu.memory_space<vmem>>
      %dma_start3A_113 = arith.constant 0 : i32
      %dma_start3A_114 = tpu.memref_slice %arg6[%dma_start3A_108, %dma_start3A_109, %dma_start3A_113] : memref<26x5x128xi32, #tpu.memory_space<vmem>> -> memref<1x1x128xi32, #tpu.memory_space<vmem>>
      %dma_start3A_115 = tpu.memref_squeeze %dma_start3A_114 : memref<1x1x128xi32, #tpu.memory_space<vmem>> -> memref<128xi32, #tpu.memory_space<vmem>>
      %dma_start3A_116 = arith.constant 0 : i32
      %dma_start3A_117 = arith.constant 0 : i32
      %dma_start3A_118 = tpu.memref_slice %arg3[%dma_start3A_107, %dma_start3A_116, %dma_start3A_117] : memref<26x100000x32xf32, #tpu.memory_space<hbm>> -> memref<1x100000x32xf32, #tpu.memory_space<hbm>>
      %dma_start3A_119 = tpu.memref_squeeze %dma_start3A_118 : memref<1x100000x32xf32, #tpu.memory_space<hbm>> -> memref<100000x32xf32, #tpu.memory_space<hbm>>
      %dma_start3A_120 = arith.constant 0 : i32
      %dma_start3A_121 = arith.constant 0 : i32
      %dma_start3A_122 = tpu.memref_slice %dma_start3A_119[%dma_start3A_120, %dma_start3A_121] : memref<100000x32xf32, #tpu.memory_space<hbm>> -> memref<100000x32xf32, #tpu.memory_space<hbm>>
      tpu.enqueue_indirect_dma source(%dma_start3A_122 : memref<100000x32xf32, #tpu.memory_space<hbm>>) target(%dma_start3A_112 : memref<128x32xf32, #tpu.memory_space<vmem>>) offsets(%dma_start3A_115 : memref<128xi32, #tpu.memory_space<vmem>>) semaphore(%arg11 : memref<!tpu.dma_semaphore, #tpu.memory_space<semaphore_mem>>)
      %dma_start3A_123 = arith.constant 25 : i32
      %dma_start3A_124 = arith.constant 25 : i32
      %dma_start3A_125 = arith.constant 1 : i32
      %dma_start3A_126 = arith.constant 128 : i32
      %dma_start3A_127 = arith.constant 0 : i32
      %dma_start3A_128 = tpu.memref_slice %arg8[%dma_start3A_126, %dma_start3A_127] : memref<640x32xf32, #tpu.memory_space<vmem>> -> memref<128x32xf32, #tpu.memory_space<vmem>>
      %dma_start3A_129 = arith.constant 0 : i32
      %dma_start3A_130 = tpu.memref_slice %arg6[%dma_start3A_124, %dma_start3A_125, %dma_start3A_129] : memref<26x5x128xi32, #tpu.memory_space<vmem>> -> memref<1x1x128xi32, #tpu.memory_space<vmem>>
      %dma_start3A_131 = tpu.memref_squeeze %dma_start3A_130 : memref<1x1x128xi32, #tpu.memory_space<vmem>> -> memref<128xi32, #tpu.memory_space<vmem>>
      %dma_start3A_132 = arith.constant 0 : i32
      %dma_start3A_133 = arith.constant 0 : i32
      %dma_start3A_134 = tpu.memref_slice %arg3[%dma_start3A_123, %dma_start3A_132, %dma_start3A_133] : memref<26x100000x32xf32, #tpu.memory_space<hbm>> -> memref<1x100000x32xf32, #tpu.memory_space<hbm>>
      %dma_start3A_135 = tpu.memref_squeeze %dma_start3A_134 : memref<1x100000x32xf32, #tpu.memory_space<hbm>> -> memref<100000x32xf32, #tpu.memory_space<hbm>>
      %dma_start3A_136 = arith.constant 0 : i32
      %dma_start3A_137 = arith.constant 0 : i32
      %dma_start3A_138 = tpu.memref_slice %dma_start3A_135[%dma_start3A_136, %dma_start3A_137] : memref<100000x32xf32, #tpu.memory_space<hbm>> -> memref<100000x32xf32, #tpu.memory_space<hbm>>
      tpu.enqueue_indirect_dma source(%dma_start3A_138 : memref<100000x32xf32, #tpu.memory_space<hbm>>) target(%dma_start3A_128 : memref<128x32xf32, #tpu.memory_space<vmem>>) offsets(%dma_start3A_131 : memref<128xi32, #tpu.memory_space<vmem>>) semaphore(%arg11 : memref<!tpu.dma_semaphore, #tpu.memory_space<semaphore_mem>>)
      %dma_start3A_139 = arith.constant 25 : i32
      %dma_start3A_140 = arith.constant 25 : i32
      %dma_start3A_141 = arith.constant 2 : i32
      %dma_start3A_142 = arith.constant 256 : i32
      %dma_start3A_143 = arith.constant 0 : i32
      %dma_start3A_144 = tpu.memref_slice %arg8[%dma_start3A_142, %dma_start3A_143] : memref<640x32xf32, #tpu.memory_space<vmem>> -> memref<128x32xf32, #tpu.memory_space<vmem>>
      %dma_start3A_145 = arith.constant 0 : i32
      %dma_start3A_146 = tpu.memref_slice %arg6[%dma_start3A_140, %dma_start3A_141, %dma_start3A_145] : memref<26x5x128xi32, #tpu.memory_space<vmem>> -> memref<1x1x128xi32, #tpu.memory_space<vmem>>
      %dma_start3A_147 = tpu.memref_squeeze %dma_start3A_146 : memref<1x1x128xi32, #tpu.memory_space<vmem>> -> memref<128xi32, #tpu.memory_space<vmem>>
      %dma_start3A_148 = arith.constant 0 : i32
      %dma_start3A_149 = arith.constant 0 : i32
      %dma_start3A_150 = tpu.memref_slice %arg3[%dma_start3A_139, %dma_start3A_148, %dma_start3A_149] : memref<26x100000x32xf32, #tpu.memory_space<hbm>> -> memref<1x100000x32xf32, #tpu.memory_space<hbm>>
      %dma_start3A_151 = tpu.memref_squeeze %dma_start3A_150 : memref<1x100000x32xf32, #tpu.memory_space<hbm>> -> memref<100000x32xf32, #tpu.memory_space<hbm>>
      %dma_start3A_152 = arith.constant 0 : i32
      %dma_start3A_153 = arith.constant 0 : i32
      %dma_start3A_154 = tpu.memref_slice %dma_start3A_151[%dma_start3A_152, %dma_start3A_153] : memref<100000x32xf32, #tpu.memory_space<hbm>> -> memref<100000x32xf32, #tpu.memory_space<hbm>>
      tpu.enqueue_indirect_dma source(%dma_start3A_154 : memref<100000x32xf32, #tpu.memory_space<hbm>>) target(%dma_start3A_144 : memref<128x32xf32, #tpu.memory_space<vmem>>) offsets(%dma_start3A_147 : memref<128xi32, #tpu.memory_space<vmem>>) semaphore(%arg11 : memref<!tpu.dma_semaphore, #tpu.memory_space<semaphore_mem>>)
      %dma_start3A_155 = arith.constant 25 : i32
      %dma_start3A_156 = arith.constant 25 : i32
      %dma_start3A_157 = arith.constant 3 : i32
      %dma_start3A_158 = arith.constant 384 : i32
      %dma_start3A_159 = arith.constant 0 : i32
      %dma_start3A_160 = tpu.memref_slice %arg8[%dma_start3A_158, %dma_start3A_159] : memref<640x32xf32, #tpu.memory_space<vmem>> -> memref<128x32xf32, #tpu.memory_space<vmem>>
      %dma_start3A_161 = arith.constant 0 : i32
      %dma_start3A_162 = tpu.memref_slice %arg6[%dma_start3A_156, %dma_start3A_157, %dma_start3A_161] : memref<26x5x128xi32, #tpu.memory_space<vmem>> -> memref<1x1x128xi32, #tpu.memory_space<vmem>>
      %dma_start3A_163 = tpu.memref_squeeze %dma_start3A_162 : memref<1x1x128xi32, #tpu.memory_space<vmem>> -> memref<128xi32, #tpu.memory_space<vmem>>
      %dma_start3A_164 = arith.constant 0 : i32
      %dma_start3A_165 = arith.constant 0 : i32
      %dma_start3A_166 = tpu.memref_slice %arg3[%dma_start3A_155, %dma_start3A_164, %dma_start3A_165] : memref<26x100000x32xf32, #tpu.memory_space<hbm>> -> memref<1x100000x32xf32, #tpu.memory_space<hbm>>
      %dma_start3A_167 = tpu.memref_squeeze %dma_start3A_166 : memref<1x100000x32xf32, #tpu.memory_space<hbm>> -> memref<100000x32xf32, #tpu.memory_space<hbm>>
      %dma_start3A_168 = arith.constant 0 : i32
      %dma_start3A_169 = arith.constant 0 : i32
      %dma_start3A_170 = tpu.memref_slice %dma_start3A_167[%dma_start3A_168, %dma_start3A_169] : memref<100000x32xf32, #tpu.memory_space<hbm>> -> memref<100000x32xf32, #tpu.memory_space<hbm>>
      tpu.enqueue_indirect_dma source(%dma_start3A_170 : memref<100000x32xf32, #tpu.memory_space<hbm>>) target(%dma_start3A_160 : memref<128x32xf32, #tpu.memory_space<vmem>>) offsets(%dma_start3A_163 : memref<128xi32, #tpu.memory_space<vmem>>) semaphore(%arg11 : memref<!tpu.dma_semaphore, #tpu.memory_space<semaphore_mem>>)
      %dma_start3A_171 = arith.constant 25 : i32
      %dma_start3A_172 = arith.constant 25 : i32
      %dma_start3A_173 = arith.constant 4 : i32
      %dma_start3A_174 = arith.constant 512 : i32
      %dma_start3A_175 = arith.constant 0 : i32
      %dma_start3A_176 = tpu.memref_slice %arg8[%dma_start3A_174, %dma_start3A_175] : memref<640x32xf32, #tpu.memory_space<vmem>> -> memref<128x32xf32, #tpu.memory_space<vmem>>
      %dma_start3A_177 = arith.constant 0 : i32
      %dma_start3A_178 = tpu.memref_slice %arg6[%dma_start3A_172, %dma_start3A_173, %dma_start3A_177] : memref<26x5x128xi32, #tpu.memory_space<vmem>> -> memref<1x1x128xi32, #tpu.memory_space<vmem>>
      %dma_start3A_179 = tpu.memref_squeeze %dma_start3A_178 : memref<1x1x128xi32, #tpu.memory_space<vmem>> -> memref<128xi32, #tpu.memory_space<vmem>>
      %dma_start3A_180 = arith.constant 0 : i32
      %dma_start3A_181 = arith.constant 0 : i32
      %dma_start3A_182 = tpu.memref_slice %arg3[%dma_start3A_171, %dma_start3A_180, %dma_start3A_181] : memref<26x100000x32xf32, #tpu.memory_space<hbm>> -> memref<1x100000x32xf32, #tpu.memory_space<hbm>>
      %dma_start3A_183 = tpu.memref_squeeze %dma_start3A_182 : memref<1x100000x32xf32, #tpu.memory_space<hbm>> -> memref<100000x32xf32, #tpu.memory_space<hbm>>
      %dma_start3A_184 = arith.constant 0 : i32
      %dma_start3A_185 = arith.constant 0 : i32
      %dma_start3A_186 = tpu.memref_slice %dma_start3A_183[%dma_start3A_184, %dma_start3A_185] : memref<100000x32xf32, #tpu.memory_space<hbm>> -> memref<100000x32xf32, #tpu.memory_space<hbm>>
      tpu.enqueue_indirect_dma source(%dma_start3A_186 : memref<100000x32xf32, #tpu.memory_space<hbm>>) target(%dma_start3A_176 : memref<128x32xf32, #tpu.memory_space<vmem>>) offsets(%dma_start3A_179 : memref<128xi32, #tpu.memory_space<vmem>>) semaphore(%arg11 : memref<!tpu.dma_semaphore, #tpu.memory_space<semaphore_mem>>)
      %dma_wait3A = arith.constant 24 : i32
      %dma_wait3A_187 = arith.constant 24 : i32
      %dma_wait3A_188 = arith.constant 0 : i32
      %dma_wait3A_189 = arith.constant 0 : i32
      %dma_wait3A_190 = arith.constant 0 : i32
      %dma_wait3A_191 = tpu.memref_slice %arg7[%dma_wait3A_189, %dma_wait3A_190] : memref<640x32xf32, #tpu.memory_space<vmem>> -> memref<128x32xf32, #tpu.memory_space<vmem>>
      %dma_wait3A_192 = arith.constant 0 : i32
      %dma_wait3A_193 = tpu.memref_slice %arg6[%dma_wait3A_187, %dma_wait3A_188, %dma_wait3A_192] : memref<26x5x128xi32, #tpu.memory_space<vmem>> -> memref<1x1x128xi32, #tpu.memory_space<vmem>>
      %dma_wait3A_194 = tpu.memref_squeeze %dma_wait3A_193 : memref<1x1x128xi32, #tpu.memory_space<vmem>> -> memref<128xi32, #tpu.memory_space<vmem>>
      %dma_wait3A_195 = arith.constant 0 : i32
      %dma_wait3A_196 = arith.constant 0 : i32
      %dma_wait3A_197 = tpu.memref_slice %arg3[%dma_wait3A, %dma_wait3A_195, %dma_wait3A_196] : memref<26x100000x32xf32, #tpu.memory_space<hbm>> -> memref<1x100000x32xf32, #tpu.memory_space<hbm>>
      %dma_wait3A_198 = tpu.memref_squeeze %dma_wait3A_197 : memref<1x100000x32xf32, #tpu.memory_space<hbm>> -> memref<100000x32xf32, #tpu.memory_space<hbm>>
      %dma_wait3A_199 = arith.constant 0 : i32
      %dma_wait3A_200 = arith.constant 0 : i32
      %dma_wait3A_201 = tpu.memref_slice %dma_wait3A_198[%dma_wait3A_199, %dma_wait3A_200] : memref<100000x32xf32, #tpu.memory_space<hbm>> -> memref<100000x32xf32, #tpu.memory_space<hbm>>
      tpu.wait_indirect_dma semaphore(%arg10 : memref<!tpu.dma_semaphore, #tpu.memory_space<semaphore_mem>>) src(%dma_wait3A_201 : memref<100000x32xf32, #tpu.memory_space<hbm>>) dst(%dma_wait3A_191 : memref<128x32xf32, #tpu.memory_space<vmem>>)
      %dma_wait3A_202 = arith.constant 24 : i32
      %dma_wait3A_203 = arith.constant 24 : i32
      %dma_wait3A_204 = arith.constant 1 : i32
      %dma_wait3A_205 = arith.constant 128 : i32
      %dma_wait3A_206 = arith.constant 0 : i32
      %dma_wait3A_207 = tpu.memref_slice %arg7[%dma_wait3A_205, %dma_wait3A_206] : memref<640x32xf32, #tpu.memory_space<vmem>> -> memref<128x32xf32, #tpu.memory_space<vmem>>
      %dma_wait3A_208 = arith.constant 0 : i32
      %dma_wait3A_209 = tpu.memref_slice %arg6[%dma_wait3A_203, %dma_wait3A_204, %dma_wait3A_208] : memref<26x5x128xi32, #tpu.memory_space<vmem>> -> memref<1x1x128xi32, #tpu.memory_space<vmem>>
      %dma_wait3A_210 = tpu.memref_squeeze %dma_wait3A_209 : memref<1x1x128xi32, #tpu.memory_space<vmem>> -> memref<128xi32, #tpu.memory_space<vmem>>
      %dma_wait3A_211 = arith.constant 0 : i32
      %dma_wait3A_212 = arith.constant 0 : i32
      %dma_wait3A_213 = tpu.memref_slice %arg3[%dma_wait3A_202, %dma_wait3A_211, %dma_wait3A_212] : memref<26x100000x32xf32, #tpu.memory_space<hbm>> -> memref<1x100000x32xf32, #tpu.memory_space<hbm>>
      %dma_wait3A_214 = tpu.memref_squeeze %dma_wait3A_213 : memref<1x100000x32xf32, #tpu.memory_space<hbm>> -> memref<100000x32xf32, #tpu.memory_space<hbm>>
      %dma_wait3A_215 = arith.constant 0 : i32
      %dma_wait3A_216 = arith.constant 0 : i32
      %dma_wait3A_217 = tpu.memref_slice %dma_wait3A_214[%dma_wait3A_215, %dma_wait3A_216] : memref<100000x32xf32, #tpu.memory_space<hbm>> -> memref<100000x32xf32, #tpu.memory_space<hbm>>
      tpu.wait_indirect_dma semaphore(%arg10 : memref<!tpu.dma_semaphore, #tpu.memory_space<semaphore_mem>>) src(%dma_wait3A_217 : memref<100000x32xf32, #tpu.memory_space<hbm>>) dst(%dma_wait3A_207 : memref<128x32xf32, #tpu.memory_space<vmem>>)
      %dma_wait3A_218 = arith.constant 24 : i32
      %dma_wait3A_219 = arith.constant 24 : i32
      %dma_wait3A_220 = arith.constant 2 : i32
      %dma_wait3A_221 = arith.constant 256 : i32
      %dma_wait3A_222 = arith.constant 0 : i32
      %dma_wait3A_223 = tpu.memref_slice %arg7[%dma_wait3A_221, %dma_wait3A_222] : memref<640x32xf32, #tpu.memory_space<vmem>> -> memref<128x32xf32, #tpu.memory_space<vmem>>
      %dma_wait3A_224 = arith.constant 0 : i32
      %dma_wait3A_225 = tpu.memref_slice %arg6[%dma_wait3A_219, %dma_wait3A_220, %dma_wait3A_224] : memref<26x5x128xi32, #tpu.memory_space<vmem>> -> memref<1x1x128xi32, #tpu.memory_space<vmem>>
      %dma_wait3A_226 = tpu.memref_squeeze %dma_wait3A_225 : memref<1x1x128xi32, #tpu.memory_space<vmem>> -> memref<128xi32, #tpu.memory_space<vmem>>
      %dma_wait3A_227 = arith.constant 0 : i32
      %dma_wait3A_228 = arith.constant 0 : i32
      %dma_wait3A_229 = tpu.memref_slice %arg3[%dma_wait3A_218, %dma_wait3A_227, %dma_wait3A_228] : memref<26x100000x32xf32, #tpu.memory_space<hbm>> -> memref<1x100000x32xf32, #tpu.memory_space<hbm>>
      %dma_wait3A_230 = tpu.memref_squeeze %dma_wait3A_229 : memref<1x100000x32xf32, #tpu.memory_space<hbm>> -> memref<100000x32xf32, #tpu.memory_space<hbm>>
      %dma_wait3A_231 = arith.constant 0 : i32
      %dma_wait3A_232 = arith.constant 0 : i32
      %dma_wait3A_233 = tpu.memref_slice %dma_wait3A_230[%dma_wait3A_231, %dma_wait3A_232] : memref<100000x32xf32, #tpu.memory_space<hbm>> -> memref<100000x32xf32, #tpu.memory_space<hbm>>
      tpu.wait_indirect_dma semaphore(%arg10 : memref<!tpu.dma_semaphore, #tpu.memory_space<semaphore_mem>>) src(%dma_wait3A_233 : memref<100000x32xf32, #tpu.memory_space<hbm>>) dst(%dma_wait3A_223 : memref<128x32xf32, #tpu.memory_space<vmem>>)
      %dma_wait3A_234 = arith.constant 24 : i32
      %dma_wait3A_235 = arith.constant 24 : i32
      %dma_wait3A_236 = arith.constant 3 : i32
      %dma_wait3A_237 = arith.constant 384 : i32
      %dma_wait3A_238 = arith.constant 0 : i32
      %dma_wait3A_239 = tpu.memref_slice %arg7[%dma_wait3A_237, %dma_wait3A_238] : memref<640x32xf32, #tpu.memory_space<vmem>> -> memref<128x32xf32, #tpu.memory_space<vmem>>
      %dma_wait3A_240 = arith.constant 0 : i32
      %dma_wait3A_241 = tpu.memref_slice %arg6[%dma_wait3A_235, %dma_wait3A_236, %dma_wait3A_240] : memref<26x5x128xi32, #tpu.memory_space<vmem>> -> memref<1x1x128xi32, #tpu.memory_space<vmem>>
      %dma_wait3A_242 = tpu.memref_squeeze %dma_wait3A_241 : memref<1x1x128xi32, #tpu.memory_space<vmem>> -> memref<128xi32, #tpu.memory_space<vmem>>
      %dma_wait3A_243 = arith.constant 0 : i32
      %dma_wait3A_244 = arith.constant 0 : i32
      %dma_wait3A_245 = tpu.memref_slice %arg3[%dma_wait3A_234, %dma_wait3A_243, %dma_wait3A_244] : memref<26x100000x32xf32, #tpu.memory_space<hbm>> -> memref<1x100000x32xf32, #tpu.memory_space<hbm>>
      %dma_wait3A_246 = tpu.memref_squeeze %dma_wait3A_245 : memref<1x100000x32xf32, #tpu.memory_space<hbm>> -> memref<100000x32xf32, #tpu.memory_space<hbm>>
      %dma_wait3A_247 = arith.constant 0 : i32
      %dma_wait3A_248 = arith.constant 0 : i32
      %dma_wait3A_249 = tpu.memref_slice %dma_wait3A_246[%dma_wait3A_247, %dma_wait3A_248] : memref<100000x32xf32, #tpu.memory_space<hbm>> -> memref<100000x32xf32, #tpu.memory_space<hbm>>
      tpu.wait_indirect_dma semaphore(%arg10 : memref<!tpu.dma_semaphore, #tpu.memory_space<semaphore_mem>>) src(%dma_wait3A_249 : memref<100000x32xf32, #tpu.memory_space<hbm>>) dst(%dma_wait3A_239 : memref<128x32xf32, #tpu.memory_space<vmem>>)
      %dma_wait3A_250 = arith.constant 24 : i32
      %dma_wait3A_251 = arith.constant 24 : i32
      %dma_wait3A_252 = arith.constant 4 : i32
      %dma_wait3A_253 = arith.constant 512 : i32
      %dma_wait3A_254 = arith.constant 0 : i32
      %dma_wait3A_255 = tpu.memref_slice %arg7[%dma_wait3A_253, %dma_wait3A_254] : memref<640x32xf32, #tpu.memory_space<vmem>> -> memref<128x32xf32, #tpu.memory_space<vmem>>
      %dma_wait3A_256 = arith.constant 0 : i32
      %dma_wait3A_257 = tpu.memref_slice %arg6[%dma_wait3A_251, %dma_wait3A_252, %dma_wait3A_256] : memref<26x5x128xi32, #tpu.memory_space<vmem>> -> memref<1x1x128xi32, #tpu.memory_space<vmem>>
      %dma_wait3A_258 = tpu.memref_squeeze %dma_wait3A_257 : memref<1x1x128xi32, #tpu.memory_space<vmem>> -> memref<128xi32, #tpu.memory_space<vmem>>
      %dma_wait3A_259 = arith.constant 0 : i32
      %dma_wait3A_260 = arith.constant 0 : i32
      %dma_wait3A_261 = tpu.memref_slice %arg3[%dma_wait3A_250, %dma_wait3A_259, %dma_wait3A_260] : memref<26x100000x32xf32, #tpu.memory_space<hbm>> -> memref<1x100000x32xf32, #tpu.memory_space<hbm>>
      %dma_wait3A_262 = tpu.memref_squeeze %dma_wait3A_261 : memref<1x100000x32xf32, #tpu.memory_space<hbm>> -> memref<100000x32xf32, #tpu.memory_space<hbm>>
      %dma_wait3A_263 = arith.constant 0 : i32
      %dma_wait3A_264 = arith.constant 0 : i32
      %dma_wait3A_265 = tpu.memref_slice %dma_wait3A_262[%dma_wait3A_263, %dma_wait3A_264] : memref<100000x32xf32, #tpu.memory_space<hbm>> -> memref<100000x32xf32, #tpu.memory_space<hbm>>
      tpu.wait_indirect_dma semaphore(%arg10 : memref<!tpu.dma_semaphore, #tpu.memory_space<semaphore_mem>>) src(%dma_wait3A_265 : memref<100000x32xf32, #tpu.memory_space<hbm>>) dst(%dma_wait3A_255 : memref<128x32xf32, #tpu.memory_space<vmem>>)
      %scan3A_266 = arith.constant 0 : i32
      %scan3A_267 = arith.constant 0 : i32
      %scan3A_268 = arith.constant 32 : i32
      %scan3A_269 = arith.addi %scan3A_267, %scan3A_268 : i32
      %scan3A_270 = arith.constant 1 : i32
      %scan3A_271 = scf.for %scan3A_361 = %scan3A_267 to %scan3A_269 step %scan3A_270 iter_args(%scan3A_362 = %scan3A_266) -> (i32)  : i32 {
        %get3A = arith.index_cast %scan3A_361 : i32 to index
        %get3A_363 = arith.constant 0 : index
        %get3A_364 = tpu.vector_load %arg7[%get3A, %get3A_363] {strides = array<i32>} : memref<640x32xf32, #tpu.memory_space<vmem>>, vector<1x16xf32>,
        %get3A_365 = vector.shape_cast %get3A_364 : vector<1x16xf32> to vector<16xf32>
        %get3A_366 = arith.index_cast %scan3A_361 : i32 to index
        %get3A_367 = arith.constant 16 : index
        %get3A_368 = tpu.vector_load %arg7[%get3A_366, %get3A_367] {strides = array<i32>} : memref<640x32xf32, #tpu.memory_space<vmem>>, vector<1x16xf32>,
        %get3A_369 = vector.shape_cast %get3A_368 : vector<1x16xf32> to vector<16xf32>
        %add3A_370 = arith.constant 32 : i32
        %add3A_371 = arith.addi %add3A_370, %scan3A_361 : i32
        %get3A_372 = arith.index_cast %add3A_371 : i32 to index
        %get3A_373 = arith.constant 0 : index
        %get3A_374 = tpu.vector_load %arg7[%get3A_372, %get3A_373] {strides = array<i32>} : memref<640x32xf32, #tpu.memory_space<vmem>>, vector<1x16xf32>,
        %get3A_375 = vector.shape_cast %get3A_374 : vector<1x16xf32> to vector<16xf32>
        %add3A_376 = arith.addf %get3A_365, %get3A_375 : vector<16xf32>
        %add3A_377 = arith.constant 32 : i32
        %add3A_378 = arith.addi %add3A_377, %scan3A_361 : i32
        %get3A_379 = arith.index_cast %add3A_378 : i32 to index
        %get3A_380 = arith.constant 16 : index
        %get3A_381 = tpu.vector_load %arg7[%get3A_379, %get3A_380] {strides = array<i32>} : memref<640x32xf32, #tpu.memory_space<vmem>>, vector<1x16xf32>,
        %get3A_382 = vector.shape_cast %get3A_381 : vector<1x16xf32> to vector<16xf32>
        %add3A_383 = arith.addf %get3A_369, %get3A_382 : vector<16xf32>
        %add3A_384 = arith.constant 64 : i32
        %add3A_385 = arith.addi %add3A_384, %scan3A_361 : i32
        %get3A_386 = arith.index_cast %add3A_385 : i32 to index
        %get3A_387 = arith.constant 0 : index
        %get3A_388 = tpu.vector_load %arg7[%get3A_386, %get3A_387] {strides = array<i32>} : memref<640x32xf32, #tpu.memory_space<vmem>>, vector<1x16xf32>,
        %get3A_389 = vector.shape_cast %get3A_388 : vector<1x16xf32> to vector<16xf32>
        %add3A_390 = arith.addf %add3A_376, %get3A_389 : vector<16xf32>
        %add3A_391 = arith.constant 64 : i32
        %add3A_392 = arith.addi %add3A_391, %scan3A_361 : i32
        %get3A_393 = arith.index_cast %add3A_392 : i32 to index
        %get3A_394 = arith.constant 16 : index
        %get3A_395 = tpu.vector_load %arg7[%get3A_393, %get3A_394] {strides = array<i32>} : memref<640x32xf32, #tpu.memory_space<vmem>>, vector<1x16xf32>,
        %get3A_396 = vector.shape_cast %get3A_395 : vector<1x16xf32> to vector<16xf32>
        %add3A_397 = arith.addf %add3A_383, %get3A_396 : vector<16xf32>
        %add3A_398 = arith.constant 96 : i32
        %add3A_399 = arith.addi %add3A_398, %scan3A_361 : i32
        %get3A_400 = arith.index_cast %add3A_399 : i32 to index
        %get3A_401 = arith.constant 0 : index
        %get3A_402 = tpu.vector_load %arg7[%get3A_400, %get3A_401] {strides = array<i32>} : memref<640x32xf32, #tpu.memory_space<vmem>>, vector<1x16xf32>,
        %get3A_403 = vector.shape_cast %get3A_402 : vector<1x16xf32> to vector<16xf32>
        %add3A_404 = arith.addf %add3A_390, %get3A_403 : vector<16xf32>
        %add3A_405 = arith.constant 96 : i32
        %add3A_406 = arith.addi %add3A_405, %scan3A_361 : i32
        %get3A_407 = arith.index_cast %add3A_406 : i32 to index
        %get3A_408 = arith.constant 16 : index
        %get3A_409 = tpu.vector_load %arg7[%get3A_407, %get3A_408] {strides = array<i32>} : memref<640x32xf32, #tpu.memory_space<vmem>>, vector<1x16xf32>,
        %get3A_410 = vector.shape_cast %get3A_409 : vector<1x16xf32> to vector<16xf32>
        %add3A_411 = arith.addf %add3A_397, %get3A_410 : vector<16xf32>
        %add3A_412 = arith.constant 128 : i32
        %add3A_413 = arith.addi %add3A_412, %scan3A_361 : i32
        %get3A_414 = arith.index_cast %add3A_413 : i32 to index
        %get3A_415 = arith.constant 0 : index
        %get3A_416 = tpu.vector_load %arg7[%get3A_414, %get3A_415] {strides = array<i32>} : memref<640x32xf32, #tpu.memory_space<vmem>>, vector<1x16xf32>,
        %get3A_417 = vector.shape_cast %get3A_416 : vector<1x16xf32> to vector<16xf32>
        %add3A_418 = arith.addf %add3A_404, %get3A_417 : vector<16xf32>
        %add3A_419 = arith.constant 128 : i32
        %add3A_420 = arith.addi %add3A_419, %scan3A_361 : i32
        %get3A_421 = arith.index_cast %add3A_420 : i32 to index
        %get3A_422 = arith.constant 16 : index
        %get3A_423 = tpu.vector_load %arg7[%get3A_421, %get3A_422] {strides = array<i32>} : memref<640x32xf32, #tpu.memory_space<vmem>>, vector<1x16xf32>,
        %get3A_424 = vector.shape_cast %get3A_423 : vector<1x16xf32> to vector<16xf32>
        %add3A_425 = arith.addf %add3A_411, %get3A_424 : vector<16xf32>
        %add3A_426 = arith.constant 160 : i32
        %add3A_427 = arith.addi %add3A_426, %scan3A_361 : i32
        %get3A_428 = arith.index_cast %add3A_427 : i32 to index
        %get3A_429 = arith.constant 0 : index
        %get3A_430 = tpu.vector_load %arg7[%get3A_428, %get3A_429] {strides = array<i32>} : memref<640x32xf32, #tpu.memory_space<vmem>>, vector<1x16xf32>,
        %get3A_431 = vector.shape_cast %get3A_430 : vector<1x16xf32> to vector<16xf32>
        %add3A_432 = arith.addf %add3A_418, %get3A_431 : vector<16xf32>
        %add3A_433 = arith.constant 160 : i32
        %add3A_434 = arith.addi %add3A_433, %scan3A_361 : i32
        %get3A_435 = arith.index_cast %add3A_434 : i32 to index
        %get3A_436 = arith.constant 16 : index
        %get3A_437 = tpu.vector_load %arg7[%get3A_435, %get3A_436] {strides = array<i32>} : memref<640x32xf32, #tpu.memory_space<vmem>>, vector<1x16xf32>,
        %get3A_438 = vector.shape_cast %get3A_437 : vector<1x16xf32> to vector<16xf32>
        %add3A_439 = arith.addf %add3A_425, %get3A_438 : vector<16xf32>
        %add3A_440 = arith.constant 192 : i32
        %add3A_441 = arith.addi %add3A_440, %scan3A_361 : i32
        %get3A_442 = arith.index_cast %add3A_441 : i32 to index
        %get3A_443 = arith.constant 0 : index
        %get3A_444 = tpu.vector_load %arg7[%get3A_442, %get3A_443] {strides = array<i32>} : memref<640x32xf32, #tpu.memory_space<vmem>>, vector<1x16xf32>,
        %get3A_445 = vector.shape_cast %get3A_444 : vector<1x16xf32> to vector<16xf32>
        %add3A_446 = arith.addf %add3A_432, %get3A_445 : vector<16xf32>
        %add3A_447 = arith.constant 192 : i32
        %add3A_448 = arith.addi %add3A_447, %scan3A_361 : i32
        %get3A_449 = arith.index_cast %add3A_448 : i32 to index
        %get3A_450 = arith.constant 16 : index
        %get3A_451 = tpu.vector_load %arg7[%get3A_449, %get3A_450] {strides = array<i32>} : memref<640x32xf32, #tpu.memory_space<vmem>>, vector<1x16xf32>,
        %get3A_452 = vector.shape_cast %get3A_451 : vector<1x16xf32> to vector<16xf32>
        %add3A_453 = arith.addf %add3A_439, %get3A_452 : vector<16xf32>
        %add3A_454 = arith.constant 224 : i32
        %add3A_455 = arith.addi %add3A_454, %scan3A_361 : i32
        %get3A_456 = arith.index_cast %add3A_455 : i32 to index
        %get3A_457 = arith.constant 0 : index
        %get3A_458 = tpu.vector_load %arg7[%get3A_456, %get3A_457] {strides = array<i32>} : memref<640x32xf32, #tpu.memory_space<vmem>>, vector<1x16xf32>,
        %get3A_459 = vector.shape_cast %get3A_458 : vector<1x16xf32> to vector<16xf32>
        %add3A_460 = arith.addf %add3A_446, %get3A_459 : vector<16xf32>
        %add3A_461 = arith.constant 224 : i32
        %add3A_462 = arith.addi %add3A_461, %scan3A_361 : i32
        %get3A_463 = arith.index_cast %add3A_462 : i32 to index
        %get3A_464 = arith.constant 16 : index
        %get3A_465 = tpu.vector_load %arg7[%get3A_463, %get3A_464] {strides = array<i32>} : memref<640x32xf32, #tpu.memory_space<vmem>>, vector<1x16xf32>,
        %get3A_466 = vector.shape_cast %get3A_465 : vector<1x16xf32> to vector<16xf32>
        %add3A_467 = arith.addf %add3A_453, %get3A_466 : vector<16xf32>
        %add3A_468 = arith.constant 256 : i32
        %add3A_469 = arith.addi %add3A_468, %scan3A_361 : i32
        %get3A_470 = arith.index_cast %add3A_469 : i32 to index
        %get3A_471 = arith.constant 0 : index
        %get3A_472 = tpu.vector_load %arg7[%get3A_470, %get3A_471] {strides = array<i32>} : memref<640x32xf32, #tpu.memory_space<vmem>>, vector<1x16xf32>,
        %get3A_473 = vector.shape_cast %get3A_472 : vector<1x16xf32> to vector<16xf32>
        %add3A_474 = arith.addf %add3A_460, %get3A_473 : vector<16xf32>
        %add3A_475 = arith.constant 256 : i32
        %add3A_476 = arith.addi %add3A_475, %scan3A_361 : i32
        %get3A_477 = arith.index_cast %add3A_476 : i32 to index
        %get3A_478 = arith.constant 16 : index
        %get3A_479 = tpu.vector_load %arg7[%get3A_477, %get3A_478] {strides = array<i32>} : memref<640x32xf32, #tpu.memory_space<vmem>>, vector<1x16xf32>,
        %get3A_480 = vector.shape_cast %get3A_479 : vector<1x16xf32> to vector<16xf32>
        %add3A_481 = arith.addf %add3A_467, %get3A_480 : vector<16xf32>
        %add3A_482 = arith.constant 288 : i32
        %add3A_483 = arith.addi %add3A_482, %scan3A_361 : i32
        %get3A_484 = arith.index_cast %add3A_483 : i32 to index
        %get3A_485 = arith.constant 0 : index
        %get3A_486 = tpu.vector_load %arg7[%get3A_484, %get3A_485] {strides = array<i32>} : memref<640x32xf32, #tpu.memory_space<vmem>>, vector<1x16xf32>,
        %get3A_487 = vector.shape_cast %get3A_486 : vector<1x16xf32> to vector<16xf32>
        %add3A_488 = arith.addf %add3A_474, %get3A_487 : vector<16xf32>
        %add3A_489 = arith.constant 288 : i32
        %add3A_490 = arith.addi %add3A_489, %scan3A_361 : i32
        %get3A_491 = arith.index_cast %add3A_490 : i32 to index
        %get3A_492 = arith.constant 16 : index
        %get3A_493 = tpu.vector_load %arg7[%get3A_491, %get3A_492] {strides = array<i32>} : memref<640x32xf32, #tpu.memory_space<vmem>>, vector<1x16xf32>,
        %get3A_494 = vector.shape_cast %get3A_493 : vector<1x16xf32> to vector<16xf32>
        %add3A_495 = arith.addf %add3A_481, %get3A_494 : vector<16xf32>
        %add3A_496 = arith.constant 320 : i32
        %add3A_497 = arith.addi %add3A_496, %scan3A_361 : i32
        %get3A_498 = arith.index_cast %add3A_497 : i32 to index
        %get3A_499 = arith.constant 0 : index
        %get3A_500 = tpu.vector_load %arg7[%get3A_498, %get3A_499] {strides = array<i32>} : memref<640x32xf32, #tpu.memory_space<vmem>>, vector<1x16xf32>,
        %get3A_501 = vector.shape_cast %get3A_500 : vector<1x16xf32> to vector<16xf32>
        %add3A_502 = arith.addf %add3A_488, %get3A_501 : vector<16xf32>
        %add3A_503 = arith.constant 320 : i32
        %add3A_504 = arith.addi %add3A_503, %scan3A_361 : i32
        %get3A_505 = arith.index_cast %add3A_504 : i32 to index
        %get3A_506 = arith.constant 16 : index
        %get3A_507 = tpu.vector_load %arg7[%get3A_505, %get3A_506] {strides = array<i32>} : memref<640x32xf32, #tpu.memory_space<vmem>>, vector<1x16xf32>,
        %get3A_508 = vector.shape_cast %get3A_507 : vector<1x16xf32> to vector<16xf32>
        %add3A_509 = arith.addf %add3A_495, %get3A_508 : vector<16xf32>
        %add3A_510 = arith.constant 352 : i32
        %add3A_511 = arith.addi %add3A_510, %scan3A_361 : i32
        %get3A_512 = arith.index_cast %add3A_511 : i32 to index
        %get3A_513 = arith.constant 0 : index
        %get3A_514 = tpu.vector_load %arg7[%get3A_512, %get3A_513] {strides = array<i32>} : memref<640x32xf32, #tpu.memory_space<vmem>>, vector<1x16xf32>,
        %get3A_515 = vector.shape_cast %get3A_514 : vector<1x16xf32> to vector<16xf32>
        %add3A_516 = arith.addf %add3A_502, %get3A_515 : vector<16xf32>
        %add3A_517 = arith.constant 352 : i32
        %add3A_518 = arith.addi %add3A_517, %scan3A_361 : i32
        %get3A_519 = arith.index_cast %add3A_518 : i32 to index
        %get3A_520 = arith.constant 16 : index
        %get3A_521 = tpu.vector_load %arg7[%get3A_519, %get3A_520] {strides = array<i32>} : memref<640x32xf32, #tpu.memory_space<vmem>>, vector<1x16xf32>,
        %get3A_522 = vector.shape_cast %get3A_521 : vector<1x16xf32> to vector<16xf32>
        %add3A_523 = arith.addf %add3A_509, %get3A_522 : vector<16xf32>
        %add3A_524 = arith.constant 384 : i32
        %add3A_525 = arith.addi %add3A_524, %scan3A_361 : i32
        %get3A_526 = arith.index_cast %add3A_525 : i32 to index
        %get3A_527 = arith.constant 0 : index
        %get3A_528 = tpu.vector_load %arg7[%get3A_526, %get3A_527] {strides = array<i32>} : memref<640x32xf32, #tpu.memory_space<vmem>>, vector<1x16xf32>,
        %get3A_529 = vector.shape_cast %get3A_528 : vector<1x16xf32> to vector<16xf32>
        %add3A_530 = arith.addf %add3A_516, %get3A_529 : vector<16xf32>
        %add3A_531 = arith.constant 384 : i32
        %add3A_532 = arith.addi %add3A_531, %scan3A_361 : i32
        %get3A_533 = arith.index_cast %add3A_532 : i32 to index
        %get3A_534 = arith.constant 16 : index
        %get3A_535 = tpu.vector_load %arg7[%get3A_533, %get3A_534] {strides = array<i32>} : memref<640x32xf32, #tpu.memory_space<vmem>>, vector<1x16xf32>,
        %get3A_536 = vector.shape_cast %get3A_535 : vector<1x16xf32> to vector<16xf32>
        %add3A_537 = arith.addf %add3A_523, %get3A_536 : vector<16xf32>
        %add3A_538 = arith.constant 416 : i32
        %add3A_539 = arith.addi %add3A_538, %scan3A_361 : i32
        %get3A_540 = arith.index_cast %add3A_539 : i32 to index
        %get3A_541 = arith.constant 0 : index
        %get3A_542 = tpu.vector_load %arg7[%get3A_540, %get3A_541] {strides = array<i32>} : memref<640x32xf32, #tpu.memory_space<vmem>>, vector<1x16xf32>,
        %get3A_543 = vector.shape_cast %get3A_542 : vector<1x16xf32> to vector<16xf32>
        %add3A_544 = arith.addf %add3A_530, %get3A_543 : vector<16xf32>
        %add3A_545 = arith.constant 416 : i32
        %add3A_546 = arith.addi %add3A_545, %scan3A_361 : i32
        %get3A_547 = arith.index_cast %add3A_546 : i32 to index
        %get3A_548 = arith.constant 16 : index
        %get3A_549 = tpu.vector_load %arg7[%get3A_547, %get3A_548] {strides = array<i32>} : memref<640x32xf32, #tpu.memory_space<vmem>>, vector<1x16xf32>,
        %get3A_550 = vector.shape_cast %get3A_549 : vector<1x16xf32> to vector<16xf32>
        %add3A_551 = arith.addf %add3A_537, %get3A_550 : vector<16xf32>
        %add3A_552 = arith.constant 448 : i32
        %add3A_553 = arith.addi %add3A_552, %scan3A_361 : i32
        %get3A_554 = arith.index_cast %add3A_553 : i32 to index
        %get3A_555 = arith.constant 0 : index
        %get3A_556 = tpu.vector_load %arg7[%get3A_554, %get3A_555] {strides = array<i32>} : memref<640x32xf32, #tpu.memory_space<vmem>>, vector<1x16xf32>,
        %get3A_557 = vector.shape_cast %get3A_556 : vector<1x16xf32> to vector<16xf32>
        %add3A_558 = arith.addf %add3A_544, %get3A_557 : vector<16xf32>
        %add3A_559 = arith.constant 448 : i32
        %add3A_560 = arith.addi %add3A_559, %scan3A_361 : i32
        %get3A_561 = arith.index_cast %add3A_560 : i32 to index
        %get3A_562 = arith.constant 16 : index
        %get3A_563 = tpu.vector_load %arg7[%get3A_561, %get3A_562] {strides = array<i32>} : memref<640x32xf32, #tpu.memory_space<vmem>>, vector<1x16xf32>,
        %get3A_564 = vector.shape_cast %get3A_563 : vector<1x16xf32> to vector<16xf32>
        %add3A_565 = arith.addf %add3A_551, %get3A_564 : vector<16xf32>
        %add3A_566 = arith.constant 480 : i32
        %add3A_567 = arith.addi %add3A_566, %scan3A_361 : i32
        %get3A_568 = arith.index_cast %add3A_567 : i32 to index
        %get3A_569 = arith.constant 0 : index
        %get3A_570 = tpu.vector_load %arg7[%get3A_568, %get3A_569] {strides = array<i32>} : memref<640x32xf32, #tpu.memory_space<vmem>>, vector<1x16xf32>,
        %get3A_571 = vector.shape_cast %get3A_570 : vector<1x16xf32> to vector<16xf32>
        %add3A_572 = arith.addf %add3A_558, %get3A_571 : vector<16xf32>
        %add3A_573 = arith.constant 480 : i32
        %add3A_574 = arith.addi %add3A_573, %scan3A_361 : i32
        %get3A_575 = arith.index_cast %add3A_574 : i32 to index
        %get3A_576 = arith.constant 16 : index
        %get3A_577 = tpu.vector_load %arg7[%get3A_575, %get3A_576] {strides = array<i32>} : memref<640x32xf32, #tpu.memory_space<vmem>>, vector<1x16xf32>,
        %get3A_578 = vector.shape_cast %get3A_577 : vector<1x16xf32> to vector<16xf32>
        %add3A_579 = arith.addf %add3A_565, %get3A_578 : vector<16xf32>
        %add3A_580 = arith.constant 512 : i32
        %add3A_581 = arith.addi %add3A_580, %scan3A_361 : i32
        %get3A_582 = arith.index_cast %add3A_581 : i32 to index
        %get3A_583 = arith.constant 0 : index
        %get3A_584 = tpu.vector_load %arg7[%get3A_582, %get3A_583] {strides = array<i32>} : memref<640x32xf32, #tpu.memory_space<vmem>>, vector<1x16xf32>,
        %get3A_585 = vector.shape_cast %get3A_584 : vector<1x16xf32> to vector<16xf32>
        %add3A_586 = arith.addf %add3A_572, %get3A_585 : vector<16xf32>
        %add3A_587 = arith.constant 512 : i32
        %add3A_588 = arith.addi %add3A_587, %scan3A_361 : i32
        %get3A_589 = arith.index_cast %add3A_588 : i32 to index
        %get3A_590 = arith.constant 16 : index
        %get3A_591 = tpu.vector_load %arg7[%get3A_589, %get3A_590] {strides = array<i32>} : memref<640x32xf32, #tpu.memory_space<vmem>>, vector<1x16xf32>,
        %get3A_592 = vector.shape_cast %get3A_591 : vector<1x16xf32> to vector<16xf32>
        %add3A_593 = arith.addf %add3A_579, %get3A_592 : vector<16xf32>
        %add3A_594 = arith.constant 544 : i32
        %add3A_595 = arith.addi %add3A_594, %scan3A_361 : i32
        %get3A_596 = arith.index_cast %add3A_595 : i32 to index
        %get3A_597 = arith.constant 0 : index
        %get3A_598 = tpu.vector_load %arg7[%get3A_596, %get3A_597] {strides = array<i32>} : memref<640x32xf32, #tpu.memory_space<vmem>>, vector<1x16xf32>,
        %get3A_599 = vector.shape_cast %get3A_598 : vector<1x16xf32> to vector<16xf32>
        %add3A_600 = arith.addf %add3A_586, %get3A_599 : vector<16xf32>
        %add3A_601 = arith.constant 544 : i32
        %add3A_602 = arith.addi %add3A_601, %scan3A_361 : i32
        %get3A_603 = arith.index_cast %add3A_602 : i32 to index
        %get3A_604 = arith.constant 16 : index
        %get3A_605 = tpu.vector_load %arg7[%get3A_603, %get3A_604] {strides = array<i32>} : memref<640x32xf32, #tpu.memory_space<vmem>>, vector<1x16xf32>,
        %get3A_606 = vector.shape_cast %get3A_605 : vector<1x16xf32> to vector<16xf32>
        %add3A_607 = arith.addf %add3A_593, %get3A_606 : vector<16xf32>
        %add3A_608 = arith.constant 576 : i32
        %add3A_609 = arith.addi %add3A_608, %scan3A_361 : i32
        %get3A_610 = arith.index_cast %add3A_609 : i32 to index
        %get3A_611 = arith.constant 0 : index
        %get3A_612 = tpu.vector_load %arg7[%get3A_610, %get3A_611] {strides = array<i32>} : memref<640x32xf32, #tpu.memory_space<vmem>>, vector<1x16xf32>,
        %get3A_613 = vector.shape_cast %get3A_612 : vector<1x16xf32> to vector<16xf32>
        %add3A_614 = arith.addf %add3A_600, %get3A_613 : vector<16xf32>
        %add3A_615 = arith.constant 576 : i32
        %add3A_616 = arith.addi %add3A_615, %scan3A_361 : i32
        %get3A_617 = arith.index_cast %add3A_616 : i32 to index
        %get3A_618 = arith.constant 16 : index
        %get3A_619 = tpu.vector_load %arg7[%get3A_617, %get3A_618] {strides = array<i32>} : memref<640x32xf32, #tpu.memory_space<vmem>>, vector<1x16xf32>,
        %get3A_620 = vector.shape_cast %get3A_619 : vector<1x16xf32> to vector<16xf32>
        %add3A_621 = arith.addf %add3A_607, %get3A_620 : vector<16xf32>
        %add3A_622 = arith.constant 608 : i32
        %add3A_623 = arith.addi %add3A_622, %scan3A_361 : i32
        %get3A_624 = arith.index_cast %add3A_623 : i32 to index
        %get3A_625 = arith.constant 0 : index
        %get3A_626 = tpu.vector_load %arg7[%get3A_624, %get3A_625] {strides = array<i32>} : memref<640x32xf32, #tpu.memory_space<vmem>>, vector<1x16xf32>,
        %get3A_627 = vector.shape_cast %get3A_626 : vector<1x16xf32> to vector<16xf32>
        %add3A_628 = arith.addf %add3A_614, %get3A_627 : vector<16xf32>
        %add3A_629 = arith.constant 608 : i32
        %add3A_630 = arith.addi %add3A_629, %scan3A_361 : i32
        %get3A_631 = arith.index_cast %add3A_630 : i32 to index
        %get3A_632 = arith.constant 16 : index
        %get3A_633 = tpu.vector_load %arg7[%get3A_631, %get3A_632] {strides = array<i32>} : memref<640x32xf32, #tpu.memory_space<vmem>>, vector<1x16xf32>,
        %get3A_634 = vector.shape_cast %get3A_633 : vector<1x16xf32> to vector<16xf32>
        %add3A_635 = arith.addf %add3A_621, %get3A_634 : vector<16xf32>
        %swap3A = arith.index_cast %scan3A_361 : i32 to index
        %swap3A_636 = arith.constant 768 : index
        %swap3A_637 = tpu.vector_load %arg9[%swap3A, %swap3A_636] {strides = array<i32>} : memref<32x832xf32, #tpu.memory_space<vmem>>, vector<1x16xf32>,
        %swap3A_638 = vector.shape_cast %swap3A_637 : vector<1x16xf32> to vector<16xf32>
        %swap3A_639 = vector.shape_cast %add3A_628 : vector<16xf32> to vector<1x16xf32>
        tpu.vector_store %arg9[%swap3A, %swap3A_636], %swap3A_639 {strides = array<i32>} : memref<32x832xf32, #tpu.memory_space<vmem>>, vector<1x16xf32>,
        %swap3A_640 = arith.index_cast %scan3A_361 : i32 to index
        %swap3A_641 = arith.constant 784 : index
        %swap3A_642 = tpu.vector_load %arg9[%swap3A_640, %swap3A_641] {strides = array<i32>} : memref<32x832xf32, #tpu.memory_space<vmem>>, vector<1x16xf32>,
        %swap3A_643 = vector.shape_cast %swap3A_642 : vector<1x16xf32> to vector<16xf32>
        %swap3A_644 = vector.shape_cast %add3A_635 : vector<16xf32> to vector<1x16xf32>
        tpu.vector_store %arg9[%swap3A_640, %swap3A_641], %swap3A_644 {strides = array<i32>} : memref<32x832xf32, #tpu.memory_space<vmem>>, vector<1x16xf32>,
        %scan3A_645 = arith.constant 0 : i32
        scf.yield %scan3A_645 : i32
      }
      %scan3A_272 = arith.constant 32 : i32
      %dma_wait3A_273 = arith.constant 25 : i32
      %dma_wait3A_274 = arith.constant 25 : i32
      %dma_wait3A_275 = arith.constant 0 : i32
      %dma_wait3A_276 = arith.constant 0 : i32
      %dma_wait3A_277 = arith.constant 0 : i32
      %dma_wait3A_278 = tpu.memref_slice %arg8[%dma_wait3A_276, %dma_wait3A_277] : memref<640x32xf32, #tpu.memory_space<vmem>> -> memref<128x32xf32, #tpu.memory_space<vmem>>
      %dma_wait3A_279 = arith.constant 0 : i32
      %dma_wait3A_280 = tpu.memref_slice %arg6[%dma_wait3A_274, %dma_wait3A_275, %dma_wait3A_279] : memref<26x5x128xi32, #tpu.memory_space<vmem>> -> memref<1x1x128xi32, #tpu.memory_space<vmem>>
      %dma_wait3A_281 = tpu.memref_squeeze %dma_wait3A_280 : memref<1x1x128xi32, #tpu.memory_space<vmem>> -> memref<128xi32, #tpu.memory_space<vmem>>
      %dma_wait3A_282 = arith.constant 0 : i32
      %dma_wait3A_283 = arith.constant 0 : i32
      %dma_wait3A_284 = tpu.memref_slice %arg3[%dma_wait3A_273, %dma_wait3A_282, %dma_wait3A_283] : memref<26x100000x32xf32, #tpu.memory_space<hbm>> -> memref<1x100000x32xf32, #tpu.memory_space<hbm>>
      %dma_wait3A_285 = tpu.memref_squeeze %dma_wait3A_284 : memref<1x100000x32xf32, #tpu.memory_space<hbm>> -> memref<100000x32xf32, #tpu.memory_space<hbm>>
      %dma_wait3A_286 = arith.constant 0 : i32
      %dma_wait3A_287 = arith.constant 0 : i32
      %dma_wait3A_288 = tpu.memref_slice %dma_wait3A_285[%dma_wait3A_286, %dma_wait3A_287] : memref<100000x32xf32, #tpu.memory_space<hbm>> -> memref<100000x32xf32, #tpu.memory_space<hbm>>
      tpu.wait_indirect_dma semaphore(%arg11 : memref<!tpu.dma_semaphore, #tpu.memory_space<semaphore_mem>>) src(%dma_wait3A_288 : memref<100000x32xf32, #tpu.memory_space<hbm>>) dst(%dma_wait3A_278 : memref<128x32xf32, #tpu.memory_space<vmem>>)
      %dma_wait3A_289 = arith.constant 25 : i32
      %dma_wait3A_290 = arith.constant 25 : i32
      %dma_wait3A_291 = arith.constant 1 : i32
      %dma_wait3A_292 = arith.constant 128 : i32
      %dma_wait3A_293 = arith.constant 0 : i32
      %dma_wait3A_294 = tpu.memref_slice %arg8[%dma_wait3A_292, %dma_wait3A_293] : memref<640x32xf32, #tpu.memory_space<vmem>> -> memref<128x32xf32, #tpu.memory_space<vmem>>
      %dma_wait3A_295 = arith.constant 0 : i32
      %dma_wait3A_296 = tpu.memref_slice %arg6[%dma_wait3A_290, %dma_wait3A_291, %dma_wait3A_295] : memref<26x5x128xi32, #tpu.memory_space<vmem>> -> memref<1x1x128xi32, #tpu.memory_space<vmem>>
      %dma_wait3A_297 = tpu.memref_squeeze %dma_wait3A_296 : memref<1x1x128xi32, #tpu.memory_space<vmem>> -> memref<128xi32, #tpu.memory_space<vmem>>
      %dma_wait3A_298 = arith.constant 0 : i32
      %dma_wait3A_299 = arith.constant 0 : i32
      %dma_wait3A_300 = tpu.memref_slice %arg3[%dma_wait3A_289, %dma_wait3A_298, %dma_wait3A_299] : memref<26x100000x32xf32, #tpu.memory_space<hbm>> -> memref<1x100000x32xf32, #tpu.memory_space<hbm>>
      %dma_wait3A_301 = tpu.memref_squeeze %dma_wait3A_300 : memref<1x100000x32xf32, #tpu.memory_space<hbm>> -> memref<100000x32xf32, #tpu.memory_space<hbm>>
      %dma_wait3A_302 = arith.constant 0 : i32
      %dma_wait3A_303 = arith.constant 0 : i32
      %dma_wait3A_304 = tpu.memref_slice %dma_wait3A_301[%dma_wait3A_302, %dma_wait3A_303] : memref<100000x32xf32, #tpu.memory_space<hbm>> -> memref<100000x32xf32, #tpu.memory_space<hbm>>
      tpu.wait_indirect_dma semaphore(%arg11 : memref<!tpu.dma_semaphore, #tpu.memory_space<semaphore_mem>>) src(%dma_wait3A_304 : memref<100000x32xf32, #tpu.memory_space<hbm>>) dst(%dma_wait3A_294 : memref<128x32xf32, #tpu.memory_space<vmem>>)
      %dma_wait3A_305 = arith.constant 25 : i32
      %dma_wait3A_306 = arith.constant 25 : i32
      %dma_wait3A_307 = arith.constant 2 : i32
      %dma_wait3A_308 = arith.constant 256 : i32
      %dma_wait3A_309 = arith.constant 0 : i32
      %dma_wait3A_310 = tpu.memref_slice %arg8[%dma_wait3A_308, %dma_wait3A_309] : memref<640x32xf32, #tpu.memory_space<vmem>> -> memref<128x32xf32, #tpu.memory_space<vmem>>
      %dma_wait3A_311 = arith.constant 0 : i32
      %dma_wait3A_312 = tpu.memref_slice %arg6[%dma_wait3A_306, %dma_wait3A_307, %dma_wait3A_311] : memref<26x5x128xi32, #tpu.memory_space<vmem>> -> memref<1x1x128xi32, #tpu.memory_space<vmem>>
      %dma_wait3A_313 = tpu.memref_squeeze %dma_wait3A_312 : memref<1x1x128xi32, #tpu.memory_space<vmem>> -> memref<128xi32, #tpu.memory_space<vmem>>
      %dma_wait3A_314 = arith.constant 0 : i32
      %dma_wait3A_315 = arith.constant 0 : i32
      %dma_wait3A_316 = tpu.memref_slice %arg3[%dma_wait3A_305, %dma_wait3A_314, %dma_wait3A_315] : memref<26x100000x32xf32, #tpu.memory_space<hbm>> -> memref<1x100000x32xf32, #tpu.memory_space<hbm>>
      %dma_wait3A_317 = tpu.memref_squeeze %dma_wait3A_316 : memref<1x100000x32xf32, #tpu.memory_space<hbm>> -> memref<100000x32xf32, #tpu.memory_space<hbm>>
      %dma_wait3A_318 = arith.constant 0 : i32
      %dma_wait3A_319 = arith.constant 0 : i32
      %dma_wait3A_320 = tpu.memref_slice %dma_wait3A_317[%dma_wait3A_318, %dma_wait3A_319] : memref<100000x32xf32, #tpu.memory_space<hbm>> -> memref<100000x32xf32, #tpu.memory_space<hbm>>
      tpu.wait_indirect_dma semaphore(%arg11 : memref<!tpu.dma_semaphore, #tpu.memory_space<semaphore_mem>>) src(%dma_wait3A_320 : memref<100000x32xf32, #tpu.memory_space<hbm>>) dst(%dma_wait3A_310 : memref<128x32xf32, #tpu.memory_space<vmem>>)
      %dma_wait3A_321 = arith.constant 25 : i32
      %dma_wait3A_322 = arith.constant 25 : i32
      %dma_wait3A_323 = arith.constant 3 : i32
      %dma_wait3A_324 = arith.constant 384 : i32
      %dma_wait3A_325 = arith.constant 0 : i32
      %dma_wait3A_326 = tpu.memref_slice %arg8[%dma_wait3A_324, %dma_wait3A_325] : memref<640x32xf32, #tpu.memory_space<vmem>> -> memref<128x32xf32, #tpu.memory_space<vmem>>
      %dma_wait3A_327 = arith.constant 0 : i32
      %dma_wait3A_328 = tpu.memref_slice %arg6[%dma_wait3A_322, %dma_wait3A_323, %dma_wait3A_327] : memref<26x5x128xi32, #tpu.memory_space<vmem>> -> memref<1x1x128xi32, #tpu.memory_space<vmem>>
      %dma_wait3A_329 = tpu.memref_squeeze %dma_wait3A_328 : memref<1x1x128xi32, #tpu.memory_space<vmem>> -> memref<128xi32, #tpu.memory_space<vmem>>
      %dma_wait3A_330 = arith.constant 0 : i32
      %dma_wait3A_331 = arith.constant 0 : i32
      %dma_wait3A_332 = tpu.memref_slice %arg3[%dma_wait3A_321, %dma_wait3A_330, %dma_wait3A_331] : memref<26x100000x32xf32, #tpu.memory_space<hbm>> -> memref<1x100000x32xf32, #tpu.memory_space<hbm>>
      %dma_wait3A_333 = tpu.memref_squeeze %dma_wait3A_332 : memref<1x100000x32xf32, #tpu.memory_space<hbm>> -> memref<100000x32xf32, #tpu.memory_space<hbm>>
      %dma_wait3A_334 = arith.constant 0 : i32
      %dma_wait3A_335 = arith.constant 0 : i32
      %dma_wait3A_336 = tpu.memref_slice %dma_wait3A_333[%dma_wait3A_334, %dma_wait3A_335] : memref<100000x32xf32, #tpu.memory_space<hbm>> -> memref<100000x32xf32, #tpu.memory_space<hbm>>
      tpu.wait_indirect_dma semaphore(%arg11 : memref<!tpu.dma_semaphore, #tpu.memory_space<semaphore_mem>>) src(%dma_wait3A_336 : memref<100000x32xf32, #tpu.memory_space<hbm>>) dst(%dma_wait3A_326 : memref<128x32xf32, #tpu.memory_space<vmem>>)
      %dma_wait3A_337 = arith.constant 25 : i32
      %dma_wait3A_338 = arith.constant 25 : i32
      %dma_wait3A_339 = arith.constant 4 : i32
      %dma_wait3A_340 = arith.constant 512 : i32
      %dma_wait3A_341 = arith.constant 0 : i32
      %dma_wait3A_342 = tpu.memref_slice %arg8[%dma_wait3A_340, %dma_wait3A_341] : memref<640x32xf32, #tpu.memory_space<vmem>> -> memref<128x32xf32, #tpu.memory_space<vmem>>
      %dma_wait3A_343 = arith.constant 0 : i32
      %dma_wait3A_344 = tpu.memref_slice %arg6[%dma_wait3A_338, %dma_wait3A_339, %dma_wait3A_343] : memref<26x5x128xi32, #tpu.memory_space<vmem>> -> memref<1x1x128xi32, #tpu.memory_space<vmem>>
      %dma_wait3A_345 = tpu.memref_squeeze %dma_wait3A_344 : memref<1x1x128xi32, #tpu.memory_space<vmem>> -> memref<128xi32, #tpu.memory_space<vmem>>
      %dma_wait3A_346 = arith.constant 0 : i32
      %dma_wait3A_347 = arith.constant 0 : i32
      %dma_wait3A_348 = tpu.memref_slice %arg3[%dma_wait3A_337, %dma_wait3A_346, %dma_wait3A_347] : memref<26x100000x32xf32, #tpu.memory_space<hbm>> -> memref<1x100000x32xf32, #tpu.memory_space<hbm>>
      %dma_wait3A_349 = tpu.memref_squeeze %dma_wait3A_348 : memref<1x100000x32xf32, #tpu.memory_space<hbm>> -> memref<100000x32xf32, #tpu.memory_space<hbm>>
      %dma_wait3A_350 = arith.constant 0 : i32
      %dma_wait3A_351 = arith.constant 0 : i32
      %dma_wait3A_352 = tpu.memref_slice %dma_wait3A_349[%dma_wait3A_350, %dma_wait3A_351] : memref<100000x32xf32, #tpu.memory_space<hbm>> -> memref<100000x32xf32, #tpu.memory_space<hbm>>
      tpu.wait_indirect_dma semaphore(%arg11 : memref<!tpu.dma_semaphore, #tpu.memory_space<semaphore_mem>>) src(%dma_wait3A_352 : memref<100000x32xf32, #tpu.memory_space<hbm>>) dst(%dma_wait3A_342 : memref<128x32xf32, #tpu.memory_space<vmem>>)
      %scan3A_353 = arith.constant 0 : i32
      %scan3A_354 = arith.constant 0 : i32
      %scan3A_355 = arith.constant 32 : i32
      %scan3A_356 = arith.addi %scan3A_354, %scan3A_355 : i32
      %scan3A_357 = arith.constant 1 : i32
      %scan3A_358 = scf.for %scan3A_361 = %scan3A_354 to %scan3A_356 step %scan3A_357 iter_args(%scan3A_362 = %scan3A_353) -> (i32)  : i32 {
        %get3A = arith.index_cast %scan3A_361 : i32 to index
        %get3A_363 = arith.constant 0 : index
        %get3A_364 = tpu.vector_load %arg8[%get3A, %get3A_363] {strides = array<i32>} : memref<640x32xf32, #tpu.memory_space<vmem>>, vector<1x16xf32>,
        %get3A_365 = vector.shape_cast %get3A_364 : vector<1x16xf32> to vector<16xf32>
        %get3A_366 = arith.index_cast %scan3A_361 : i32 to index
        %get3A_367 = arith.constant 16 : index
        %get3A_368 = tpu.vector_load %arg8[%get3A_366, %get3A_367] {strides = array<i32>} : memref<640x32xf32, #tpu.memory_space<vmem>>, vector<1x16xf32>,
        %get3A_369 = vector.shape_cast %get3A_368 : vector<1x16xf32> to vector<16xf32>
        %add3A_370 = arith.constant 32 : i32
        %add3A_371 = arith.addi %add3A_370, %scan3A_361 : i32
        %get3A_372 = arith.index_cast %add3A_371 : i32 to index
        %get3A_373 = arith.constant 0 : index
        %get3A_374 = tpu.vector_load %arg8[%get3A_372, %get3A_373] {strides = array<i32>} : memref<640x32xf32, #tpu.memory_space<vmem>>, vector<1x16xf32>,
        %get3A_375 = vector.shape_cast %get3A_374 : vector<1x16xf32> to vector<16xf32>
        %add3A_376 = arith.addf %get3A_365, %get3A_375 : vector<16xf32>
        %add3A_377 = arith.constant 32 : i32
        %add3A_378 = arith.addi %add3A_377, %scan3A_361 : i32
        %get3A_379 = arith.index_cast %add3A_378 : i32 to index
        %get3A_380 = arith.constant 16 : index
        %get3A_381 = tpu.vector_load %arg8[%get3A_379, %get3A_380] {strides = array<i32>} : memref<640x32xf32, #tpu.memory_space<vmem>>, vector<1x16xf32>,
        %get3A_382 = vector.shape_cast %get3A_381 : vector<1x16xf32> to vector<16xf32>
        %add3A_383 = arith.addf %get3A_369, %get3A_382 : vector<16xf32>
        %add3A_384 = arith.constant 64 : i32
        %add3A_385 = arith.addi %add3A_384, %scan3A_361 : i32
        %get3A_386 = arith.index_cast %add3A_385 : i32 to index
        %get3A_387 = arith.constant 0 : index
        %get3A_388 = tpu.vector_load %arg8[%get3A_386, %get3A_387] {strides = array<i32>} : memref<640x32xf32, #tpu.memory_space<vmem>>, vector<1x16xf32>,
        %get3A_389 = vector.shape_cast %get3A_388 : vector<1x16xf32> to vector<16xf32>
        %add3A_390 = arith.addf %add3A_376, %get3A_389 : vector<16xf32>
        %add3A_391 = arith.constant 64 : i32
        %add3A_392 = arith.addi %add3A_391, %scan3A_361 : i32
        %get3A_393 = arith.index_cast %add3A_392 : i32 to index
        %get3A_394 = arith.constant 16 : index
        %get3A_395 = tpu.vector_load %arg8[%get3A_393, %get3A_394] {strides = array<i32>} : memref<640x32xf32, #tpu.memory_space<vmem>>, vector<1x16xf32>,
        %get3A_396 = vector.shape_cast %get3A_395 : vector<1x16xf32> to vector<16xf32>
        %add3A_397 = arith.addf %add3A_383, %get3A_396 : vector<16xf32>
        %add3A_398 = arith.constant 96 : i32
        %add3A_399 = arith.addi %add3A_398, %scan3A_361 : i32
        %get3A_400 = arith.index_cast %add3A_399 : i32 to index
        %get3A_401 = arith.constant 0 : index
        %get3A_402 = tpu.vector_load %arg8[%get3A_400, %get3A_401] {strides = array<i32>} : memref<640x32xf32, #tpu.memory_space<vmem>>, vector<1x16xf32>,
        %get3A_403 = vector.shape_cast %get3A_402 : vector<1x16xf32> to vector<16xf32>
        %add3A_404 = arith.addf %add3A_390, %get3A_403 : vector<16xf32>
        %add3A_405 = arith.constant 96 : i32
        %add3A_406 = arith.addi %add3A_405, %scan3A_361 : i32
        %get3A_407 = arith.index_cast %add3A_406 : i32 to index
        %get3A_408 = arith.constant 16 : index
        %get3A_409 = tpu.vector_load %arg8[%get3A_407, %get3A_408] {strides = array<i32>} : memref<640x32xf32, #tpu.memory_space<vmem>>, vector<1x16xf32>,
        %get3A_410 = vector.shape_cast %get3A_409 : vector<1x16xf32> to vector<16xf32>
        %add3A_411 = arith.addf %add3A_397, %get3A_410 : vector<16xf32>
        %add3A_412 = arith.constant 128 : i32
        %add3A_413 = arith.addi %add3A_412, %scan3A_361 : i32
        %get3A_414 = arith.index_cast %add3A_413 : i32 to index
        %get3A_415 = arith.constant 0 : index
        %get3A_416 = tpu.vector_load %arg8[%get3A_414, %get3A_415] {strides = array<i32>} : memref<640x32xf32, #tpu.memory_space<vmem>>, vector<1x16xf32>,
        %get3A_417 = vector.shape_cast %get3A_416 : vector<1x16xf32> to vector<16xf32>
        %add3A_418 = arith.addf %add3A_404, %get3A_417 : vector<16xf32>
        %add3A_419 = arith.constant 128 : i32
        %add3A_420 = arith.addi %add3A_419, %scan3A_361 : i32
        %get3A_421 = arith.index_cast %add3A_420 : i32 to index
        %get3A_422 = arith.constant 16 : index
        %get3A_423 = tpu.vector_load %arg8[%get3A_421, %get3A_422] {strides = array<i32>} : memref<640x32xf32, #tpu.memory_space<vmem>>, vector<1x16xf32>,
        %get3A_424 = vector.shape_cast %get3A_423 : vector<1x16xf32> to vector<16xf32>
        %add3A_425 = arith.addf %add3A_411, %get3A_424 : vector<16xf32>
        %add3A_426 = arith.constant 160 : i32
        %add3A_427 = arith.addi %add3A_426, %scan3A_361 : i32
        %get3A_428 = arith.index_cast %add3A_427 : i32 to index
        %get3A_429 = arith.constant 0 : index
        %get3A_430 = tpu.vector_load %arg8[%get3A_428, %get3A_429] {strides = array<i32>} : memref<640x32xf32, #tpu.memory_space<vmem>>, vector<1x16xf32>,
        %get3A_431 = vector.shape_cast %get3A_430 : vector<1x16xf32> to vector<16xf32>
        %add3A_432 = arith.addf %add3A_418, %get3A_431 : vector<16xf32>
        %add3A_433 = arith.constant 160 : i32
        %add3A_434 = arith.addi %add3A_433, %scan3A_361 : i32
        %get3A_435 = arith.index_cast %add3A_434 : i32 to index
        %get3A_436 = arith.constant 16 : index
        %get3A_437 = tpu.vector_load %arg8[%get3A_435, %get3A_436] {strides = array<i32>} : memref<640x32xf32, #tpu.memory_space<vmem>>, vector<1x16xf32>,
        %get3A_438 = vector.shape_cast %get3A_437 : vector<1x16xf32> to vector<16xf32>
        %add3A_439 = arith.addf %add3A_425, %get3A_438 : vector<16xf32>
        %add3A_440 = arith.constant 192 : i32
        %add3A_441 = arith.addi %add3A_440, %scan3A_361 : i32
        %get3A_442 = arith.index_cast %add3A_441 : i32 to index
        %get3A_443 = arith.constant 0 : index
        %get3A_444 = tpu.vector_load %arg8[%get3A_442, %get3A_443] {strides = array<i32>} : memref<640x32xf32, #tpu.memory_space<vmem>>, vector<1x16xf32>,
        %get3A_445 = vector.shape_cast %get3A_444 : vector<1x16xf32> to vector<16xf32>
        %add3A_446 = arith.addf %add3A_432, %get3A_445 : vector<16xf32>
        %add3A_447 = arith.constant 192 : i32
        %add3A_448 = arith.addi %add3A_447, %scan3A_361 : i32
        %get3A_449 = arith.index_cast %add3A_448 : i32 to index
        %get3A_450 = arith.constant 16 : index
        %get3A_451 = tpu.vector_load %arg8[%get3A_449, %get3A_450] {strides = array<i32>} : memref<640x32xf32, #tpu.memory_space<vmem>>, vector<1x16xf32>,
        %get3A_452 = vector.shape_cast %get3A_451 : vector<1x16xf32> to vector<16xf32>
        %add3A_453 = arith.addf %add3A_439, %get3A_452 : vector<16xf32>
        %add3A_454 = arith.constant 224 : i32
        %add3A_455 = arith.addi %add3A_454, %scan3A_361 : i32
        %get3A_456 = arith.index_cast %add3A_455 : i32 to index
        %get3A_457 = arith.constant 0 : index
        %get3A_458 = tpu.vector_load %arg8[%get3A_456, %get3A_457] {strides = array<i32>} : memref<640x32xf32, #tpu.memory_space<vmem>>, vector<1x16xf32>,
        %get3A_459 = vector.shape_cast %get3A_458 : vector<1x16xf32> to vector<16xf32>
        %add3A_460 = arith.addf %add3A_446, %get3A_459 : vector<16xf32>
        %add3A_461 = arith.constant 224 : i32
        %add3A_462 = arith.addi %add3A_461, %scan3A_361 : i32
        %get3A_463 = arith.index_cast %add3A_462 : i32 to index
        %get3A_464 = arith.constant 16 : index
        %get3A_465 = tpu.vector_load %arg8[%get3A_463, %get3A_464] {strides = array<i32>} : memref<640x32xf32, #tpu.memory_space<vmem>>, vector<1x16xf32>,
        %get3A_466 = vector.shape_cast %get3A_465 : vector<1x16xf32> to vector<16xf32>
        %add3A_467 = arith.addf %add3A_453, %get3A_466 : vector<16xf32>
        %add3A_468 = arith.constant 256 : i32
        %add3A_469 = arith.addi %add3A_468, %scan3A_361 : i32
        %get3A_470 = arith.index_cast %add3A_469 : i32 to index
        %get3A_471 = arith.constant 0 : index
        %get3A_472 = tpu.vector_load %arg8[%get3A_470, %get3A_471] {strides = array<i32>} : memref<640x32xf32, #tpu.memory_space<vmem>>, vector<1x16xf32>,
        %get3A_473 = vector.shape_cast %get3A_472 : vector<1x16xf32> to vector<16xf32>
        %add3A_474 = arith.addf %add3A_460, %get3A_473 : vector<16xf32>
        %add3A_475 = arith.constant 256 : i32
        %add3A_476 = arith.addi %add3A_475, %scan3A_361 : i32
        %get3A_477 = arith.index_cast %add3A_476 : i32 to index
        %get3A_478 = arith.constant 16 : index
        %get3A_479 = tpu.vector_load %arg8[%get3A_477, %get3A_478] {strides = array<i32>} : memref<640x32xf32, #tpu.memory_space<vmem>>, vector<1x16xf32>,
        %get3A_480 = vector.shape_cast %get3A_479 : vector<1x16xf32> to vector<16xf32>
        %add3A_481 = arith.addf %add3A_467, %get3A_480 : vector<16xf32>
        %add3A_482 = arith.constant 288 : i32
        %add3A_483 = arith.addi %add3A_482, %scan3A_361 : i32
        %get3A_484 = arith.index_cast %add3A_483 : i32 to index
        %get3A_485 = arith.constant 0 : index
        %get3A_486 = tpu.vector_load %arg8[%get3A_484, %get3A_485] {strides = array<i32>} : memref<640x32xf32, #tpu.memory_space<vmem>>, vector<1x16xf32>,
        %get3A_487 = vector.shape_cast %get3A_486 : vector<1x16xf32> to vector<16xf32>
        %add3A_488 = arith.addf %add3A_474, %get3A_487 : vector<16xf32>
        %add3A_489 = arith.constant 288 : i32
        %add3A_490 = arith.addi %add3A_489, %scan3A_361 : i32
        %get3A_491 = arith.index_cast %add3A_490 : i32 to index
        %get3A_492 = arith.constant 16 : index
        %get3A_493 = tpu.vector_load %arg8[%get3A_491, %get3A_492] {strides = array<i32>} : memref<640x32xf32, #tpu.memory_space<vmem>>, vector<1x16xf32>,
        %get3A_494 = vector.shape_cast %get3A_493 : vector<1x16xf32> to vector<16xf32>
        %add3A_495 = arith.addf %add3A_481, %get3A_494 : vector<16xf32>
        %add3A_496 = arith.constant 320 : i32
        %add3A_497 = arith.addi %add3A_496, %scan3A_361 : i32
        %get3A_498 = arith.index_cast %add3A_497 : i32 to index
        %get3A_499 = arith.constant 0 : index
        %get3A_500 = tpu.vector_load %arg8[%get3A_498, %get3A_499] {strides = array<i32>} : memref<640x32xf32, #tpu.memory_space<vmem>>, vector<1x16xf32>,
        %get3A_501 = vector.shape_cast %get3A_500 : vector<1x16xf32> to vector<16xf32>
        %add3A_502 = arith.addf %add3A_488, %get3A_501 : vector<16xf32>
        %add3A_503 = arith.constant 320 : i32
        %add3A_504 = arith.addi %add3A_503, %scan3A_361 : i32
        %get3A_505 = arith.index_cast %add3A_504 : i32 to index
        %get3A_506 = arith.constant 16 : index
        %get3A_507 = tpu.vector_load %arg8[%get3A_505, %get3A_506] {strides = array<i32>} : memref<640x32xf32, #tpu.memory_space<vmem>>, vector<1x16xf32>,
        %get3A_508 = vector.shape_cast %get3A_507 : vector<1x16xf32> to vector<16xf32>
        %add3A_509 = arith.addf %add3A_495, %get3A_508 : vector<16xf32>
        %add3A_510 = arith.constant 352 : i32
        %add3A_511 = arith.addi %add3A_510, %scan3A_361 : i32
        %get3A_512 = arith.index_cast %add3A_511 : i32 to index
        %get3A_513 = arith.constant 0 : index
        %get3A_514 = tpu.vector_load %arg8[%get3A_512, %get3A_513] {strides = array<i32>} : memref<640x32xf32, #tpu.memory_space<vmem>>, vector<1x16xf32>,
        %get3A_515 = vector.shape_cast %get3A_514 : vector<1x16xf32> to vector<16xf32>
        %add3A_516 = arith.addf %add3A_502, %get3A_515 : vector<16xf32>
        %add3A_517 = arith.constant 352 : i32
        %add3A_518 = arith.addi %add3A_517, %scan3A_361 : i32
        %get3A_519 = arith.index_cast %add3A_518 : i32 to index
        %get3A_520 = arith.constant 16 : index
        %get3A_521 = tpu.vector_load %arg8[%get3A_519, %get3A_520] {strides = array<i32>} : memref<640x32xf32, #tpu.memory_space<vmem>>, vector<1x16xf32>,
        %get3A_522 = vector.shape_cast %get3A_521 : vector<1x16xf32> to vector<16xf32>
        %add3A_523 = arith.addf %add3A_509, %get3A_522 : vector<16xf32>
        %add3A_524 = arith.constant 384 : i32
        %add3A_525 = arith.addi %add3A_524, %scan3A_361 : i32
        %get3A_526 = arith.index_cast %add3A_525 : i32 to index
        %get3A_527 = arith.constant 0 : index
        %get3A_528 = tpu.vector_load %arg8[%get3A_526, %get3A_527] {strides = array<i32>} : memref<640x32xf32, #tpu.memory_space<vmem>>, vector<1x16xf32>,
        %get3A_529 = vector.shape_cast %get3A_528 : vector<1x16xf32> to vector<16xf32>
        %add3A_530 = arith.addf %add3A_516, %get3A_529 : vector<16xf32>
        %add3A_531 = arith.constant 384 : i32
        %add3A_532 = arith.addi %add3A_531, %scan3A_361 : i32
        %get3A_533 = arith.index_cast %add3A_532 : i32 to index
        %get3A_534 = arith.constant 16 : index
        %get3A_535 = tpu.vector_load %arg8[%get3A_533, %get3A_534] {strides = array<i32>} : memref<640x32xf32, #tpu.memory_space<vmem>>, vector<1x16xf32>,
        %get3A_536 = vector.shape_cast %get3A_535 : vector<1x16xf32> to vector<16xf32>
        %add3A_537 = arith.addf %add3A_523, %get3A_536 : vector<16xf32>
        %add3A_538 = arith.constant 416 : i32
        %add3A_539 = arith.addi %add3A_538, %scan3A_361 : i32
        %get3A_540 = arith.index_cast %add3A_539 : i32 to index
        %get3A_541 = arith.constant 0 : index
        %get3A_542 = tpu.vector_load %arg8[%get3A_540, %get3A_541] {strides = array<i32>} : memref<640x32xf32, #tpu.memory_space<vmem>>, vector<1x16xf32>,
        %get3A_543 = vector.shape_cast %get3A_542 : vector<1x16xf32> to vector<16xf32>
        %add3A_544 = arith.addf %add3A_530, %get3A_543 : vector<16xf32>
        %add3A_545 = arith.constant 416 : i32
        %add3A_546 = arith.addi %add3A_545, %scan3A_361 : i32
        %get3A_547 = arith.index_cast %add3A_546 : i32 to index
        %get3A_548 = arith.constant 16 : index
        %get3A_549 = tpu.vector_load %arg8[%get3A_547, %get3A_548] {strides = array<i32>} : memref<640x32xf32, #tpu.memory_space<vmem>>, vector<1x16xf32>,
        %get3A_550 = vector.shape_cast %get3A_549 : vector<1x16xf32> to vector<16xf32>
        %add3A_551 = arith.addf %add3A_537, %get3A_550 : vector<16xf32>
        %add3A_552 = arith.constant 448 : i32
        %add3A_553 = arith.addi %add3A_552, %scan3A_361 : i32
        %get3A_554 = arith.index_cast %add3A_553 : i32 to index
        %get3A_555 = arith.constant 0 : index
        %get3A_556 = tpu.vector_load %arg8[%get3A_554, %get3A_555] {strides = array<i32>} : memref<640x32xf32, #tpu.memory_space<vmem>>, vector<1x16xf32>,
        %get3A_557 = vector.shape_cast %get3A_556 : vector<1x16xf32> to vector<16xf32>
        %add3A_558 = arith.addf %add3A_544, %get3A_557 : vector<16xf32>
        %add3A_559 = arith.constant 448 : i32
        %add3A_560 = arith.addi %add3A_559, %scan3A_361 : i32
        %get3A_561 = arith.index_cast %add3A_560 : i32 to index
        %get3A_562 = arith.constant 16 : index
        %get3A_563 = tpu.vector_load %arg8[%get3A_561, %get3A_562] {strides = array<i32>} : memref<640x32xf32, #tpu.memory_space<vmem>>, vector<1x16xf32>,
        %get3A_564 = vector.shape_cast %get3A_563 : vector<1x16xf32> to vector<16xf32>
        %add3A_565 = arith.addf %add3A_551, %get3A_564 : vector<16xf32>
        %add3A_566 = arith.constant 480 : i32
        %add3A_567 = arith.addi %add3A_566, %scan3A_361 : i32
        %get3A_568 = arith.index_cast %add3A_567 : i32 to index
        %get3A_569 = arith.constant 0 : index
        %get3A_570 = tpu.vector_load %arg8[%get3A_568, %get3A_569] {strides = array<i32>} : memref<640x32xf32, #tpu.memory_space<vmem>>, vector<1x16xf32>,
        %get3A_571 = vector.shape_cast %get3A_570 : vector<1x16xf32> to vector<16xf32>
        %add3A_572 = arith.addf %add3A_558, %get3A_571 : vector<16xf32>
        %add3A_573 = arith.constant 480 : i32
        %add3A_574 = arith.addi %add3A_573, %scan3A_361 : i32
        %get3A_575 = arith.index_cast %add3A_574 : i32 to index
        %get3A_576 = arith.constant 16 : index
        %get3A_577 = tpu.vector_load %arg8[%get3A_575, %get3A_576] {strides = array<i32>} : memref<640x32xf32, #tpu.memory_space<vmem>>, vector<1x16xf32>,
        %get3A_578 = vector.shape_cast %get3A_577 : vector<1x16xf32> to vector<16xf32>
        %add3A_579 = arith.addf %add3A_565, %get3A_578 : vector<16xf32>
        %add3A_580 = arith.constant 512 : i32
        %add3A_581 = arith.addi %add3A_580, %scan3A_361 : i32
        %get3A_582 = arith.index_cast %add3A_581 : i32 to index
        %get3A_583 = arith.constant 0 : index
        %get3A_584 = tpu.vector_load %arg8[%get3A_582, %get3A_583] {strides = array<i32>} : memref<640x32xf32, #tpu.memory_space<vmem>>, vector<1x16xf32>,
        %get3A_585 = vector.shape_cast %get3A_584 : vector<1x16xf32> to vector<16xf32>
        %add3A_586 = arith.addf %add3A_572, %get3A_585 : vector<16xf32>
        %add3A_587 = arith.constant 512 : i32
        %add3A_588 = arith.addi %add3A_587, %scan3A_361 : i32
        %get3A_589 = arith.index_cast %add3A_588 : i32 to index
        %get3A_590 = arith.constant 16 : index
        %get3A_591 = tpu.vector_load %arg8[%get3A_589, %get3A_590] {strides = array<i32>} : memref<640x32xf32, #tpu.memory_space<vmem>>, vector<1x16xf32>,
        %get3A_592 = vector.shape_cast %get3A_591 : vector<1x16xf32> to vector<16xf32>
        %add3A_593 = arith.addf %add3A_579, %get3A_592 : vector<16xf32>
        %add3A_594 = arith.constant 544 : i32
        %add3A_595 = arith.addi %add3A_594, %scan3A_361 : i32
        %get3A_596 = arith.index_cast %add3A_595 : i32 to index
        %get3A_597 = arith.constant 0 : index
        %get3A_598 = tpu.vector_load %arg8[%get3A_596, %get3A_597] {strides = array<i32>} : memref<640x32xf32, #tpu.memory_space<vmem>>, vector<1x16xf32>,
        %get3A_599 = vector.shape_cast %get3A_598 : vector<1x16xf32> to vector<16xf32>
        %add3A_600 = arith.addf %add3A_586, %get3A_599 : vector<16xf32>
        %add3A_601 = arith.constant 544 : i32
        %add3A_602 = arith.addi %add3A_601, %scan3A_361 : i32
        %get3A_603 = arith.index_cast %add3A_602 : i32 to index
        %get3A_604 = arith.constant 16 : index
        %get3A_605 = tpu.vector_load %arg8[%get3A_603, %get3A_604] {strides = array<i32>} : memref<640x32xf32, #tpu.memory_space<vmem>>, vector<1x16xf32>,
        %get3A_606 = vector.shape_cast %get3A_605 : vector<1x16xf32> to vector<16xf32>
        %add3A_607 = arith.addf %add3A_593, %get3A_606 : vector<16xf32>
        %add3A_608 = arith.constant 576 : i32
        %add3A_609 = arith.addi %add3A_608, %scan3A_361 : i32
        %get3A_610 = arith.index_cast %add3A_609 : i32 to index
        %get3A_611 = arith.constant 0 : index
        %get3A_612 = tpu.vector_load %arg8[%get3A_610, %get3A_611] {strides = array<i32>} : memref<640x32xf32, #tpu.memory_space<vmem>>, vector<1x16xf32>,
        %get3A_613 = vector.shape_cast %get3A_612 : vector<1x16xf32> to vector<16xf32>
        %add3A_614 = arith.addf %add3A_600, %get3A_613 : vector<16xf32>
        %add3A_615 = arith.constant 576 : i32
        %add3A_616 = arith.addi %add3A_615, %scan3A_361 : i32
        %get3A_617 = arith.index_cast %add3A_616 : i32 to index
        %get3A_618 = arith.constant 16 : index
        %get3A_619 = tpu.vector_load %arg8[%get3A_617, %get3A_618] {strides = array<i32>} : memref<640x32xf32, #tpu.memory_space<vmem>>, vector<1x16xf32>,
        %get3A_620 = vector.shape_cast %get3A_619 : vector<1x16xf32> to vector<16xf32>
        %add3A_621 = arith.addf %add3A_607, %get3A_620 : vector<16xf32>
        %add3A_622 = arith.constant 608 : i32
        %add3A_623 = arith.addi %add3A_622, %scan3A_361 : i32
        %get3A_624 = arith.index_cast %add3A_623 : i32 to index
        %get3A_625 = arith.constant 0 : index
        %get3A_626 = tpu.vector_load %arg8[%get3A_624, %get3A_625] {strides = array<i32>} : memref<640x32xf32, #tpu.memory_space<vmem>>, vector<1x16xf32>,
        %get3A_627 = vector.shape_cast %get3A_626 : vector<1x16xf32> to vector<16xf32>
        %add3A_628 = arith.addf %add3A_614, %get3A_627 : vector<16xf32>
        %add3A_629 = arith.constant 608 : i32
        %add3A_630 = arith.addi %add3A_629, %scan3A_361 : i32
        %get3A_631 = arith.index_cast %add3A_630 : i32 to index
        %get3A_632 = arith.constant 16 : index
        %get3A_633 = tpu.vector_load %arg8[%get3A_631, %get3A_632] {strides = array<i32>} : memref<640x32xf32, #tpu.memory_space<vmem>>, vector<1x16xf32>,
        %get3A_634 = vector.shape_cast %get3A_633 : vector<1x16xf32> to vector<16xf32>
        %add3A_635 = arith.addf %add3A_621, %get3A_634 : vector<16xf32>
        %swap3A = arith.index_cast %scan3A_361 : i32 to index
        %swap3A_636 = arith.constant 800 : index
        %swap3A_637 = tpu.vector_load %arg9[%swap3A, %swap3A_636] {strides = array<i32>} : memref<32x832xf32, #tpu.memory_space<vmem>>, vector<1x16xf32>,
        %swap3A_638 = vector.shape_cast %swap3A_637 : vector<1x16xf32> to vector<16xf32>
        %swap3A_639 = vector.shape_cast %add3A_628 : vector<16xf32> to vector<1x16xf32>
        tpu.vector_store %arg9[%swap3A, %swap3A_636], %swap3A_639 {strides = array<i32>} : memref<32x832xf32, #tpu.memory_space<vmem>>, vector<1x16xf32>,
        %swap3A_640 = arith.index_cast %scan3A_361 : i32 to index
        %swap3A_641 = arith.constant 816 : index
        %swap3A_642 = tpu.vector_load %arg9[%swap3A_640, %swap3A_641] {strides = array<i32>} : memref<32x832xf32, #tpu.memory_space<vmem>>, vector<1x16xf32>,
        %swap3A_643 = vector.shape_cast %swap3A_642 : vector<1x16xf32> to vector<16xf32>
        %swap3A_644 = vector.shape_cast %add3A_635 : vector<16xf32> to vector<1x16xf32>
        tpu.vector_store %arg9[%swap3A_640, %swap3A_641], %swap3A_644 {strides = array<i32>} : memref<32x832xf32, #tpu.memory_space<vmem>>, vector<1x16xf32>,
        %scan3A_645 = arith.constant 0 : i32
        scf.yield %scan3A_645 : i32
      }
      %scan3A_359 = arith.constant 32 : i32
      "tpu.region"() ({
        %run_scoped3A = tpu.sem_alloc : memref<!tpu.dma_semaphore, #tpu.memory_space<semaphore_mem>>
        %dma_start3A_361 = arith.constant 0 : i32
        %dma_start3A_362 = tpu.memref_slice %arg4[%add3A_13, %dma_start3A_361] : memref<4096x832xf32, #tpu.memory_space<hbm>> -> memref<32x832xf32, #tpu.memory_space<hbm>>
        %dma_start3A_363 = arith.constant 0 : i32
        %dma_start3A_364 = tpu.memref_slice %arg4[%add3A_13, %dma_start3A_363] : memref<4096x832xf32, #tpu.memory_space<hbm>> -> memref<32x832xf32, #tpu.memory_space<hbm>>
        tpu.enqueue_dma source(%arg9 : memref<32x832xf32, #tpu.memory_space<vmem>>) target(%dma_start3A_364 : memref<32x832xf32, #tpu.memory_space<hbm>>) target_semaphore(%run_scoped3A : memref<!tpu.dma_semaphore, #tpu.memory_space<semaphore_mem>>)
        %dma_wait3A_365 = arith.constant 0 : i32
        %dma_wait3A_366 = tpu.memref_slice %arg4[%add3A_13, %dma_wait3A_365] : memref<4096x832xf32, #tpu.memory_space<hbm>> -> memref<32x832xf32, #tpu.memory_space<hbm>>
        %dma_wait3A_367 = arith.constant 0 : i32
        %dma_wait3A_368 = tpu.memref_slice %arg4[%add3A_13, %dma_wait3A_367] : memref<4096x832xf32, #tpu.memory_space<hbm>> -> memref<32x832xf32, #tpu.memory_space<hbm>>
        tpu.wait_dma2 semaphore(%run_scoped3A : memref<!tpu.dma_semaphore, #tpu.memory_space<semaphore_mem>>) src(%arg9 : memref<32x832xf32, #tpu.memory_space<vmem>>) dst(%dma_wait3A_368 : memref<32x832xf32, #tpu.memory_space<hbm>>)
        tpu.yield
      }) : () -> ()
      %scan3A_360 = arith.constant 0 : i32
      scf.yield %scan3A_360 : i32
    }
    %scan3A_6 = arith.constant 4 : i32
    return
  }
}

</mosaic_0001>

<sc_bundles>
// kernel: kernel.3.cloned.1.call-start
scs
__scs_entry_jumppad:
0x0: {  	(pc) =	sbr.rel $0x88, $3  }
0x1: {  	(tag) =	ssettag $0x0;
	lr =	simm.s32 $0x1  }
0x2: {  	[smem:$0x3F9F] =	sst lr;
	_ =	strace $0xD0000000  }
0x3: {  	_ = 	snop  }
0x4: {  	_ = 	snop  }
0x5: {  	_ = 	snop  }
0x6: {  	_ = 	snop  }
0x7: {  	_ = 	snop  }
__scs_overlays_trampoline_lowered:
0x8: {  	[smem:$0x3FAE] =	sst s0  }
0x9: {  	[smem:$0x3FAF] =	sst s1  }
0xa: {  	[smem:$0x3FB0] =	sst s2  }
0xb: {  	[smem:$0x3FB1] =	sst s3  }
0xc: {  	[smem:$0x3FB2] =	sst s4  }
0xd: {  	[smem:$0x3FB3] =	sst s5  }
0xe: {  	[smem:$0x3FB4] =	sst s6  }
0xf: {  	[smem:$0x3FB5] =	sst s7  }
0x10: {  	[smem:$0x3FB6] =	sst s8  }
0x11: {  	[smem:$0x3FB7] =	sst s9;
	s0 =	simm.s32 @!p0 $0x0  }
0x12: {  	s1 =	sld [smem:$0x3F9D];
	s0 =	simm.s32 @p0 $0x1  }
0x13: {  	[smem:$0x3FB8] =	sst s0;
	s0 =	simm.s32 @!p1 $0x0  }
0x14: {  	s2 =	sld [smem:$0x3F9C];
	s0 =	simm.s32 @p1 $0x1  }
0x15: {  	[smem:$0x3FB9] =	sst s0;
	s0 =	simm.s32 @!p2 $0x0  }
0x16: {  	s3 =	sld [smem:$0x3FDB];
	s0 =	simm.s32 @p2 $0x1  }
0x17: {  	s4 =	simm.s32 $0x1BF5;
	[smem:$0x3FBB] =	sst s0  }
0x18: {  	s0 =	sld [smem:$0x3F9E];
	_ =	swait.ge [sflag:s4], $0x0  }
0x19: {  	s7 =	sld [smem:$0x3F9F]  }
0x1a: {  	s8 =	sadd.s32 $0xFFFFE003, lr  }
0x1b: {  	s9 =	sadd.s32 $0xFFFFFEF7, lr;
	s5 =	simm.s32 $0xFFFFFFFF;
	p2 =	slt.u32 s8, $0xFFFFF086  }
0x1c: {  	p1 =	slt.u32 s9, $0xF7A;
	s5 =	simm.s32 @!p2 $0x0  }
0x1d: {  	s5 =	simm.s32 @p1 $0x1;
	p0 =	seq.s32 s7, s2  }
0x1e: {  	s7 =	smul.u32 @!p0 $0xF7A, s2;
	p2 =	seq.s32 @!p0 s5, $0x0  }
0x1f: {  	s9 =	smul.u32 $0xF7A, s1;
	s8 =	simm.s32 @!p0 $0x1BF5;
	p2 =	por !p2, p0  }
0x20: {  	[sflag:s8] =	ssyncset.s32 @!p0 $0xFFFFF086;
	s6 =	sadd.s32 @!p0 s3, s7;
	s7 =	simm.s32 @!p0 $0x108  }
0x21: {  	s3 =	sadd.s32 s3, s9;
	s6 =	sadd.s32 @!p0 $0x88, s6;
	s7 =	simm.s32 @p2 $0x1082  }
0x22: {  	[simem:s7], [sflag:s8] =	dma.local @!p0 [hbm:s6], $0xF7A  }
0x23: {  	s9 =	sor.u32 $0xD0000000, s2;
	s6 =	simm.s32 $0x108;
	_ =	swait.ge @!p0 [sflag:s8], $0x0  }
0x24: {  	s3 =	sadd.s32 $0x88, s3;
	s6 =	simm.s32 @!p1 $0x1082;
	[sflag:s4] =	ssyncset.s32 $0xFFFFF086  }
0x25: {  	[simem:s6], [sflag:s4] =	dma.local [hbm:s3], $0xF7A  }
0x26: {  	[smem:$0x3F9F] =	sst s1;
	(tag) =	ssettag s2;
	_ =	strace s9  }
0x27: {  	s1 =	sld [smem:$0x3FAF]  }
0x28: {  	s2 =	sld [smem:$0x3FB0]  }
0x29: {  	s4 =	sld [smem:$0x3FB2]  }
0x2a: {  	p0 =	seq.s32 s5, $0x0;
	s5 =	sld [smem:$0x3FB3]  }
0x2b: {  	s6 =	sld [smem:$0x3FB4]  }
0x2c: {  	s7 =	sld [smem:$0x3FB5]  }
0x2d: {  	s3 =	simm.s32 $0x108;
	s8 =	sld [smem:$0x3FB6]  }
0x2e: {  	s3 =	simm.s32 @!p0 $0x1082;
	s9 =	sld [smem:$0x3FB7]  }
0x2f: {  	lr =	sadd.s32 s0, s3;
	s0 =	sld [smem:$0x3FAE]  }
0x30: {  	s3 =	sld [smem:$0x3FB1]  }
0x31: {  	[smem:$0x3FBA] =	sst s10  }
0x32: {  	s10 =	sld [smem:$0x3FB8];
	_ =	sdelay $0x3  }
0x33: {  	p0 =	seq.s32 s10, $0x1;
	s10 =	sld [smem:$0x3FBA];
	_ =	sdelay $0x3  }
0x34: {  	[smem:$0x3FBA] =	sst s10  }
0x35: {  	s10 =	sld [smem:$0x3FB9];
	_ =	sdelay $0x3  }
0x36: {  	p1 =	seq.s32 s10, $0x1;
	s10 =	sld [smem:$0x3FBA];
	_ =	sdelay $0x3  }
0x37: {  	[smem:$0x3FBA] =	sst s10  }
0x38: {  	s10 =	sld [smem:$0x3FBB]  }
0x39: {  	_ = 	snop;
	(pc) =	sbr.ind lr, $3  }
0x3a: {  	_ = 	snop  }
0x3b: {  	_ = 	snop  }
0x3c: {  	p2 =	seq.s32 s10, $0x1;
	s10 =	sld [smem:$0x3FBA]  }
0x3d: {  	_ =	shalt  }
0x3e: {  	_ =	shalt  }
0x3f: {  	_ =	shalt  }
0x40: {  	_ =	shalt  }
0x41: {  	_ =	shalt  }
0x42: {  	_ =	shalt  }
0x43: {  	_ =	shalt  }
0x44: {  	_ =	shalt  }
0x45: {  	_ =	shalt  }
0x46: {  	_ =	shalt  }
0x47: {  	_ =	shalt  }
0x48: {  	_ =	shalt  }
0x49: {  	_ =	shalt  }
0x4a: {  	_ =	shalt  }
0x4b: {  	_ =	shalt  }
0x4c: {  	_ =	shalt  }
0x4d: {  	_ =	shalt  }
0x4e: {  	_ =	shalt  }
0x4f: {  	_ =	shalt  }
0x50: {  	_ =	shalt  }
0x51: {  	_ =	shalt  }
0x52: {  	_ =	shalt  }
0x53: {  	_ =	shalt  }
0x54: {  	_ =	shalt  }
0x55: {  	_ =	shalt  }
0x56: {  	_ =	shalt  }
0x57: {  	_ =	shalt  }
0x58: {  	_ =	shalt  }
0x59: {  	_ =	shalt  }
0x5a: {  	_ =	shalt  }
0x5b: {  	_ =	shalt  }
0x5c: {  	_ =	shalt  }
0x5d: {  	_ =	shalt  }
0x5e: {  	_ =	shalt  }
0x5f: {  	_ =	shalt  }
0x60: {  	_ =	shalt  }
0x61: {  	_ =	shalt  }
0x62: {  	_ =	shalt  }
0x63: {  	_ =	shalt  }
0x64: {  	_ =	shalt  }
0x65: {  	_ =	shalt  }
0x66: {  	_ =	shalt  }
0x67: {  	_ =	shalt  }
0x68: {  	_ =	shalt  }
0x69: {  	_ =	shalt  }
0x6a: {  	_ =	shalt  }
0x6b: {  	_ =	shalt  }
0x6c: {  	_ =	shalt  }
0x6d: {  	_ =	shalt  }
0x6e: {  	_ =	shalt  }
0x6f: {  	_ =	shalt  }
0x70: {  	_ =	shalt  }
0x71: {  	_ =	shalt  }
0x72: {  	_ =	shalt  }
0x73: {  	_ =	shalt  }
0x74: {  	_ =	shalt  }
0x75: {  	_ =	shalt  }
0x76: {  	_ =	shalt  }
0x77: {  	_ =	shalt  }
0x78: {  	_ =	shalt  }
0x79: {  	_ =	shalt  }
0x7a: {  	_ =	shalt  }
0x7b: {  	_ =	shalt  }
0x7c: {  	_ =	shalt  }
0x7d: {  	_ =	shalt  }
0x7e: {  	_ =	shalt  }
0x7f: {  	_ =	shalt  }
0x80: {  	_ =	shalt  }
0x81: {  	_ =	shalt  }
0x82: {  	_ =	shalt  }
0x83: {  	_ =	shalt  }
0x84: {  	_ =	shalt  }
0x85: {  	_ =	shalt  }
0x86: {  	_ =	shalt  }
0x87: {  	_ =	shalt  }
.Lfunc_end0:
.L_simem_size_0:
called_computation_lowered:
.L_overlay_start_0:
0x88: {  	s2 =	sld [smem:$0x3FD9]  }
0x89: {  	s3 =	sld [smem:$0x3FFE];
	_ =	sdelay $0x1  }
0x8a: {  	s1 =	srdreg.scid  }
0x8b: {  	s0 =	sand.u32 $0x1, s1  }
0x8c: {  	s17 =	sshll.u32 s0, $0xA;
	s2 =	sadd.s32 s3, s2  }
0x8d: {  	s2 =	sadd.s32 s2, s17  }
0x8e: {  	[smem:$0x3FC6] =	sst s2  }
0x8f: {  	_ = 	snop  }
0x90: {  	s2 =	sld [smem:$0x3FD0];
	(tm) =	ssettm $0x1  }
0x91: {  	s18 =	sld [smem:$0x3FFB];
	_ =	sdelay $0x3  }
0x92: {  	_ =	strace s18  }
0x93: {  	s3 =	sld [smem:$0x3FFC];
	_ =	sdelay $0x3  }
0x94: {  	_ =	strace s3  }
0x95: {  	s3 =	sld [smem:$0x3FFD];
	_ =	sdelay $0x3  }
0x96: {  	_ =	strace s3  }
0x97: {  	_ =	strace $0x8FFFFFFF  }
0x98: {  	s19 =	sld [smem:$0x3FDB];
	_ =	sdelay $0x1  }
0x99: {  	s4 =	simm.s32 $_scs_section_size  }
0x9a: {  	s5 =	simm.s32 $_size__tile_overlayer_lowered;
	s6 =	simm.s32 $_tile_overlayer_lowered  }
0x9b: {  	s22 =	simm.s32 $0x1BFF;
	s21 =	sshll.u32 s6, $0x1;
	s3 =	sadd.s32 s4, s19  }
0x9c: {  	s7 =	simm.s32 $0x0;
	s20 =	sshll.u32 s5, $0x1;
	s5 =	sadd.s32 s21, s3  }
0x9d: {  	[timem:s7], [sflag:s22] =	dma.local [hbm:s5], s20  }
0x9e: {  	_ =	swait.ge [sflag:s22], s20  }
0x9f: {  	s4 =	ssub.s32 $0x0, s20;
	[sflag:s22] =	ssyncset.done $0x0  }
0xa0: {  	[sflag:s22] =	ssyncadd.s32 s4;
	_ =	sdelay $0x1  }
0xa1: {  	s23 =	simm.s32 $0x1B8B  }
0xa2: {  	_ =	swait.ge [sflag:s23], $0x1  }
0xa3: {  	[sflag:s23] =	ssyncset.done $0x0  }
0xa4: {  	s25 =	simm.s32 $0x1B8E;
	s24 =	sld [smem:$0x3FFE];
	[sflag:s23] =	ssyncadd.s32 $0xFFFFFFFF  }
0xa5: {  	s26 =	simm.s32 $execute0_lowered;
	[smem:$0x3FD2] =	sst s25  }
0xa6: {  	s5 =	sshll.u32 s26, $0x1;
	_ =	strace $0x80000046;
	[dreg:$0x1] =	wrdreg $0xFFFFFFFF  }
0xa7: {  	s28 =	simm.s32 $_size_execute0_lowered;
	s3 =	sadd.s32 s3, s5;
	[dreg:$0x0] =	wrdreg $0x0  }
0xa8: {  	s5 =	sshll.u32 s28, $0x1;
	[dreg:$0x2] =	wrdreg s3  }
0xa9: {  	[dreg:$0x3] =	wrdreg s5  }
0xaa: {  	[dreg:$0x4] =	wrdreg $0xC0  }
0xab: {  	_ =	task [dreg:s7], $0x5FFFF  }
0xac: {  	[dreg:$0x1] =	wrdreg $0xFFFFFFFF  }
0xad: {  	[dreg:$0x0] =	wrdreg $0x60  }
0xae: {  	[dreg:$0x2] =	wrdreg s24  }
0xaf: {  	[dreg:$0x3] =	wrdreg s2  }
0xb0: {  	[dreg:$0x4] =	wrdreg $0x9  }
0xb1: {  	_ =	task.clear_ibuf [dreg:s7], $0x5FFFF;
	_ =	strace $0x90000046  }
0xb2: {  	s29 =	simm.s32 $0x9;
	_ =	strace $0x80000048  }
0xb3: {  	_ =	swait.ge [sflag:s29], $0x1  }
0xb4: {  	[sflag:s29] =	ssyncadd.s32 $0xFFFFFFFF  }
0xb5: {  	_ =	strace $0x90000048  }
0xb6: {  	_ =	sfence  }
0xb7: {  	s30 =	sld [smem:$0x0];
	_ =	sdelay $0x2  }
0xb8: {  	s31 =	sshll.u32 s1, $0xD;
	s1 =	sshrl.u32 s1, $0x2  }
0xb9: {  	s3 =	sand.u32 $0x4000, s31;
	s1 =	sadd.s32 s1, s30  }
0xba: {  	s0 =	sor.u32 s3, s0;
	s1 =	sshll.u32 s1, $0x11  }
0xbb: {  	s0 =	sor.u32 s1, s0  }
0xbc: {  	s0 =	sadd.s32 $0x8F2B, s0  }
0xbd: {  	[sflag:s0] =	ssyncadd.remote.s32 $0x1  }
0xbe: {  	_ =	sfence.sel $0xFFFF  }
0xbf: {  	[dreg:$0x0] =	wrdreg $0xFFFFFFFF;
	(pc) =	sbr.abs _section_cstart, $3  }
0xc0: {  	[dreg:$0x1] =	wrdreg $0xFFFFFFFF  }
0xc1: {  	_ =	task.clear_ibuf [dreg:s7], $0x2FFFF;
	_ =	strace $0x9FFFFFFF  }
0xc2: {  	(tm) =	ssettm $0x7FFFFFFF  }
0xc3: {  	_ =	shalt  }
tec
execute0_lowered:
.L_overlay_start_1:
0x0: {  	(tag) =	ssettag $0x1  }
0x1: {  	s0 =	rddreg [dreg:$0x0]  }
0x2: {  	s2 =	simm.s32 $0x0;
	s1 =	srdreg.scid;
	s5 =	stileid.u32  }
0x3: {  	s11 =	simm.s32 $0x3;
	s12 =	simm.s32 $0x80;
	s14 =	simm.s32 $0x8200  }
0x4: {  	s16 =	simm.s32 $0x9200;
	s18 =	simm.s32 $0xA200;
	s20 =	simm.s32 $0xB200  }
0x5: {  	s22 =	simm.s32 $0xC200;
	s23 =	simm.s32 $0xD200;
	s24 =	simm.s32 $0xE200  }
0x6: {  	s25 =	simm.s32 $0xF200;
	s26 =	simm.s32 $0x10200;
	s28 =	simm.s32 $0x11200  }
0x7: {  	s29 =	simm.s32 $0x1;
	s30 =	simm.s32 $0x2;
	s1 =	sand.u32 $0x1, s1  }
0x8: {  	s9 =	simm.s32 $0x12200;
	[smem:$0x7FF] =	sst s2;
	s3 =	ssub.s32 $0x2, s1  }
0x9: {  	s4 =	sadd.s32 $0x600, s0;
	s7 =	sshll.u32 s5, $0x8;
	s6 =	sshrl.u32 s3, $0x1  }
0xa: {  	s5 =	sadd.s32 $0x27ACA00, s0;
	s1 =	sshll.u32 s1, $0x7;
	s3 =	ssub.s32 s3, s6  }
0xb: {  	_ =	strace $0x80000047;
	s6 =	sor.u32 s1, s7;
	s31 =	smax.u32 s3, $0x1  }
0xc: {  	s7 =	sadd.s32 $0x3136080, s0;
	s1 =	simm.s32 $0x0;
	[dreg:$0x3] =	wrdreg s31  }
.LBB2_1:
0xd: {  	[dreg:$0x4] =	wrdreg s1;
	s10 =	simm.s32 $0x0  }
.LBB2_2:
0xe: {  	s0 =	sshll.u32 s10, $0x5  }
0xf: {  	s13 =	sadd.s32 s6, s0  }
0x10: {  	s0 =	sshrl.u32 s13, $0x3  }
0x11: {  	s1 =	simm.s32 $0x20;
	s3 =	simm.s32 $0x1000;
	s0 =	sadd.s32 s4, s0  }
0x12: {  	[tilespmem:s2], [sflag:$0x3] =	stream.strided.gather [hbm4b:s0+s1], $0x4100, s3, s1, $0x38;
	[tilespmem:$0x18A00] =	vst v63  }
0x13: {  	_ =	swait.ge [sflag:s11], $0x4100  }
0x14: {  	[sflag:s11] =	ssyncset.done $0x0  }
0x15: {  	s15 =	simm.s32 $0x270;
	[sflag:s11] =	ssyncadd.s32 $0xFFFFBF00  }
0x16: {  	v0 =	vld [tilespmem:s15+$0x0]  }
0x17: {  	v1 =	vld [tilespmem:s15+$0xFFFFFD90]  }
0x18: {  	v2 =	vld [tilespmem:s15+$0xFFFFFDA0]  }
0x19: {  	v3 =	vld [tilespmem:s15+$0xFFFFFDB0]  }
0x1a: {  	v4 =	vld [tilespmem:s15+$0xFFFFFDC0]  }
0x1b: {  	v5 =	vld [tilespmem:s15+$0xFFFFFDD0];
	[tilespmem:s15+$0x4100] =	vst v0  }
0x1c: {  	v6 =	vld [tilespmem:s15+$0xFFFFFF80];
	[tilespmem:s15+$0x3E90] =	vst v1  }
0x1d: {  	v7 =	vld [tilespmem:s15+$0xFFFFFF90];
	[tilespmem:s15+$0x3EA0] =	vst v2  }
0x1e: {  	v8 =	vld [tilespmem:s15+$0xFFFFFFA0];
	[tilespmem:s15+$0x3EB0] =	vst v3  }
0x1f: {  	v0 =	vld [tilespmem:s15+$0xFFFFFDE0];
	[tilespmem:s15+$0x3EC0] =	vst v4  }
0x20: {  	v1 =	vld [tilespmem:s15+$0xFFFFFDF0];
	[tilespmem:s15+$0x3ED0] =	vst v5  }
0x21: {  	v2 =	vld [tilespmem:s15+$0xFFFFFE00];
	[tilespmem:s15+$0x4080] =	vst v6  }
0x22: {  	v3 =	vld [tilespmem:s15+$0xFFFFFE10];
	[tilespmem:s15+$0x4090] =	vst v7  }
0x23: {  	v4 =	vld [tilespmem:s15+$0xFFFFFE20];
	[tilespmem:s15+$0x40A0] =	vst v8  }
0x24: {  	v5 =	vld [tilespmem:s15+$0xFFFFFF70];
	[tilespmem:s15+$0x3EE0] =	vst v0  }
0x25: {  	v0 =	vld [tilespmem:s15+$0xFFFFFE30];
	[tilespmem:s15+$0x3EF0] =	vst v1  }
0x26: {  	v1 =	vld [tilespmem:s15+$0xFFFFFE40];
	[tilespmem:s15+$0x3F00] =	vst v2  }
0x27: {  	v2 =	vld [tilespmem:s15+$0xFFFFFE50];
	[tilespmem:s15+$0x3F10] =	vst v3  }
0x28: {  	v3 =	vld [tilespmem:s15+$0xFFFFFE60];
	[tilespmem:s15+$0x3F20] =	vst v4  }
0x29: {  	v4 =	vld [tilespmem:s15+$0xFFFFFE70];
	[tilespmem:s15+$0x4070] =	vst v5  }
0x2a: {  	[tilespmem:s15+$0x3F30] =	vst v0;
	v0 =	vld [tilespmem:s15+$0xFFFFFE80]  }
0x2b: {  	[tilespmem:s15+$0x3F40] =	vst v1;
	v1 =	vld [tilespmem:s15+$0xFFFFFE90]  }
0x2c: {  	[tilespmem:s15+$0x3F50] =	vst v2;
	v2 =	vld [tilespmem:s15+$0xFFFFFEA0]  }
0x2d: {  	[tilespmem:s15+$0x3F60] =	vst v3;
	v3 =	vld [tilespmem:s15+$0xFFFFFEB0]  }
0x2e: {  	[tilespmem:s15+$0x3F70] =	vst v4;
	v4 =	vld [tilespmem:s15+$0xFFFFFEC0]  }
0x2f: {  	[tilespmem:s15+$0x3F80] =	vst v0;
	v0 =	vld [tilespmem:s15+$0xFFFFFED0]  }
0x30: {  	[tilespmem:s15+$0x3F90] =	vst v1;
	v1 =	vld [tilespmem:s15+$0xFFFFFEE0]  }
0x31: {  	[tilespmem:s15+$0x3FA0] =	vst v2;
	v2 =	vld [tilespmem:s15+$0xFFFFFEF0]  }
0x32: {  	[tilespmem:s15+$0x3FB0] =	vst v3;
	v3 =	vld [tilespmem:s15+$0xFFFFFF00]  }
0x33: {  	[tilespmem:s15+$0x3FC0] =	vst v4;
	v4 =	vld [tilespmem:s15+$0xFFFFFF10]  }
0x34: {  	[tilespmem:s15+$0x3FD0] =	vst v0;
	v0 =	vld [tilespmem:s15+$0xFFFFFF20]  }
0x35: {  	[tilespmem:s15+$0x3FE0] =	vst v1;
	v1 =	vld [tilespmem:s15+$0xFFFFFF30]  }
0x36: {  	[tilespmem:s15+$0x3FF0] =	vst v2;
	v2 =	vld [tilespmem:s15+$0xFFFFFF40]  }
0x37: {  	[tilespmem:s15+$0x4000] =	vst v3;
	v3 =	vld [tilespmem:s15+$0xFFFFFF50]  }
0x38: {  	[tilespmem:s15+$0x4010] =	vst v4;
	v4 =	vld [tilespmem:s15+$0xFFFFFF60]  }
0x39: {  	[tilespmem:s15+$0x4020] =	vst v0;
	v0 =	vld [tilespmem:s15+$0xFFFFFFB0]  }
0x3a: {  	[tilespmem:s15+$0x4030] =	vst v1;
	v1 =	vld [tilespmem:s15+$0xFFFFFFC0]  }
0x3b: {  	[tilespmem:s15+$0x4040] =	vst v2;
	v2 =	vld [tilespmem:s15+$0xFFFFFFD0]  }
0x3c: {  	[tilespmem:s15+$0x4050] =	vst v3;
	v3 =	vld [tilespmem:s15+$0xFFFFFFE0]  }
0x3d: {  	s3 =	simm.s32 $0x4F0;
	s0 =	simm.s32 $0x1DC0;
	[tilespmem:s15+$0x4060] =	vst v4;
	v4 =	vld [tilespmem:s15+$0xFFFFFFF0]  }
.LBB2_3:
0x3e: {  	p0 =	sne.s32 s0, $0x103C0;
	v5 =	vld [tilespmem:s3+$0x0];
	[tilespmem:s15+$0x40B0] =	vst v0  }
0x3f: {  	v0 =	vld [tilespmem:s3+$0xFFFFFD90];
	[tilespmem:s15+$0x40C0] =	vst v1  }
0x40: {  	v1 =	vld [tilespmem:s3+$0xFFFFFDA0];
	[tilespmem:s15+$0x40D0] =	vst v2  }
0x41: {  	v2 =	vld [tilespmem:s3+$0xFFFFFDB0];
	[tilespmem:s15+$0x40E0] =	vst v3  }
0x42: {  	v3 =	vld [tilespmem:s3+$0xFFFFFDC0];
	[tilespmem:s15+$0x40F0] =	vst v4;
	s15 =	smov.u32 s3  }
0x43: {  	v4 =	vld [tilespmem:s15+$0xFFFFFDD0];
	[tilespmem:s15+$0x4100] =	vst v5  }
0x44: {  	[tilespmem:s15+$0x3E90] =	vst v0;
	v0 =	vld [tilespmem:s15+$0xFFFFFDE0]  }
0x45: {  	[tilespmem:s15+$0x3EA0] =	vst v1;
	v1 =	vld [tilespmem:s15+$0xFFFFFDF0]  }
0x46: {  	[tilespmem:s15+$0x3EB0] =	vst v2;
	v2 =	vld [tilespmem:s15+$0xFFFFFE00]  }
0x47: {  	[tilespmem:s15+$0x3EC0] =	vst v3;
	v3 =	vld [tilespmem:s15+$0xFFFFFE10]  }
0x48: {  	[tilespmem:s15+$0x3ED0] =	vst v4;
	v4 =	vld [tilespmem:s15+$0xFFFFFE20]  }
0x49: {  	[tilespmem:s15+$0x3EE0] =	vst v0;
	v0 =	vld [tilespmem:s15+$0xFFFFFE30]  }
0x4a: {  	[tilespmem:s15+$0x3EF0] =	vst v1;
	v1 =	vld [tilespmem:s15+$0xFFFFFE40]  }
0x4b: {  	[tilespmem:s15+$0x3F00] =	vst v2;
	v2 =	vld [tilespmem:s15+$0xFFFFFE50]  }
0x4c: {  	[tilespmem:s15+$0x3F10] =	vst v3;
	v3 =	vld [tilespmem:s15+$0xFFFFFE60]  }
0x4d: {  	[tilespmem:s15+$0x3F20] =	vst v4;
	v4 =	vld [tilespmem:s15+$0xFFFFFE70]  }
0x4e: {  	[tilespmem:s15+$0x3F30] =	vst v0;
	v0 =	vld [tilespmem:s15+$0xFFFFFE80]  }
0x4f: {  	[tilespmem:s15+$0x3F40] =	vst v1;
	v1 =	vld [tilespmem:s15+$0xFFFFFE90]  }
0x50: {  	[tilespmem:s15+$0x3F50] =	vst v2;
	v2 =	vld [tilespmem:s15+$0xFFFFFEA0]  }
0x51: {  	[tilespmem:s15+$0x3F60] =	vst v3;
	v3 =	vld [tilespmem:s15+$0xFFFFFEB0]  }
0x52: {  	[tilespmem:s15+$0x3F70] =	vst v4;
	v4 =	vld [tilespmem:s15+$0xFFFFFEC0]  }
0x53: {  	[tilespmem:s15+$0x3F80] =	vst v0;
	v0 =	vld [tilespmem:s15+$0xFFFFFED0]  }
0x54: {  	[tilespmem:s15+$0x3F90] =	vst v1;
	v1 =	vld [tilespmem:s15+$0xFFFFFEE0]  }
0x55: {  	[tilespmem:s15+$0x3FA0] =	vst v2;
	v2 =	vld [tilespmem:s15+$0xFFFFFEF0]  }
0x56: {  	[tilespmem:s15+$0x3FB0] =	vst v3;
	v3 =	vld [tilespmem:s15+$0xFFFFFF00]  }
0x57: {  	[tilespmem:s15+$0x3FC0] =	vst v4;
	v4 =	vld [tilespmem:s15+$0xFFFFFF10]  }
0x58: {  	[tilespmem:s15+$0x3FD0] =	vst v0;
	v0 =	vld [tilespmem:s15+$0xFFFFFF20]  }
0x59: {  	[tilespmem:s15+$0x3FE0] =	vst v1;
	v1 =	vld [tilespmem:s15+$0xFFFFFF30]  }
0x5a: {  	[tilespmem:s15+$0x3FF0] =	vst v2;
	v2 =	vld [tilespmem:s15+$0xFFFFFF40]  }
0x5b: {  	[tilespmem:s15+$0x4000] =	vst v3;
	v3 =	vld [tilespmem:s15+$0xFFFFFF50]  }
0x5c: {  	[tilespmem:s15+$0x4010] =	vst v4;
	v4 =	vld [tilespmem:s15+$0xFFFFFF60]  }
0x5d: {  	[tilespmem:s15+$0x4020] =	vst v0;
	v5 =	vld [tilespmem:s15+$0xFFFFFF70]  }
0x5e: {  	[tilespmem:s15+$0x4030] =	vst v1;
	v6 =	vld [tilespmem:s15+$0xFFFFFF80]  }
0x5f: {  	[tilespmem:s15+$0x4040] =	vst v2;
	v7 =	vld [tilespmem:s15+$0xFFFFFF90]  }
0x60: {  	[tilespmem:s15+$0x4050] =	vst v3;
	v8 =	vld [tilespmem:s15+$0xFFFFFFA0]  }
.Ltmp0:
0x61: {  	[tilespmem:s15+$0x4060] =	vst v4;
	v0 =	vld [tilespmem:s15+$0xFFFFFFB0];
	(pc) =	sbr.rel @p0 .LBB2_3-.Ltmp0, $4  }
0x62: {  	[tilespmem:s15+$0x4070] =	vst v5;
	v1 =	vld [tilespmem:s15+$0xFFFFFFC0]  }
0x63: {  	[tilespmem:s15+$0x4080] =	vst v6;
	v2 =	vld [tilespmem:s15+$0xFFFFFFD0]  }
0x64: {  	[tilespmem:s15+$0x4090] =	vst v7;
	v3 =	vld [tilespmem:s15+$0xFFFFFFE0]  }
0x65: {  	s3 =	sshra.s32 s0, $0x2;
	s0 =	sadd.s32 $0xA00, s0;
	[tilespmem:s15+$0x40A0] =	vst v8;
	v4 =	vld [tilespmem:s15+$0xFFFFFFF0]  }
0x66: {  	v5 =	vld [tilespmem:s3+$0x0];
	[tilespmem:s15+$0x40B0] =	vst v0  }
0x67: {  	v0 =	vld [tilespmem:s3+$0xFFFFFD90];
	[tilespmem:s15+$0x40C0] =	vst v1  }
0x68: {  	v1 =	vld [tilespmem:s3+$0xFFFFFDA0];
	[tilespmem:s15+$0x40D0] =	vst v2  }
0x69: {  	v2 =	vld [tilespmem:s3+$0xFFFFFDB0];
	[tilespmem:s15+$0x40E0] =	vst v3  }
0x6a: {  	v3 =	vld [tilespmem:s3+$0xFFFFFDC0];
	[tilespmem:s15+$0x40F0] =	vst v4  }
0x6b: {  	v4 =	vld [tilespmem:s3+$0xFFFFFDD0];
	[tilespmem:s3+$0x4100] =	vst v5  }
0x6c: {  	v30 =	vld [tilespmem:s3+$0xFFFFFDE0];
	[tilespmem:s3+$0x3E90] =	vst v0  }
0x6d: {  	v31 =	vld [tilespmem:s3+$0xFFFFFDF0];
	[tilespmem:s3+$0x3EA0] =	vst v1  }
0x6e: {  	v32 =	vld [tilespmem:s3+$0xFFFFFE00];
	[tilespmem:s3+$0x3EB0] =	vst v2  }
0x6f: {  	v33 =	vld [tilespmem:s3+$0xFFFFFE10];
	[tilespmem:s3+$0x3EC0] =	vst v3  }
0x70: {  	v34 =	vld [tilespmem:s3+$0xFFFFFE20];
	[tilespmem:s3+$0x3ED0] =	vst v4  }
0x71: {  	v35 =	vld [tilespmem:s3+$0xFFFFFE30];
	[tilespmem:s3+$0x3EE0] =	vst v30  }
0x72: {  	v36 =	vld [tilespmem:s3+$0xFFFFFE40];
	[tilespmem:s3+$0x3EF0] =	vst v31  }
0x73: {  	v37 =	vld [tilespmem:s3+$0xFFFFFE50];
	[tilespmem:s3+$0x3F00] =	vst v32  }
0x74: {  	v38 =	vld [tilespmem:s3+$0xFFFFFE60];
	[tilespmem:s3+$0x3F10] =	vst v33  }
0x75: {  	v39 =	vld [tilespmem:s3+$0xFFFFFE70];
	[tilespmem:s3+$0x3F20] =	vst v34  }
0x76: {  	v40 =	vld [tilespmem:s3+$0xFFFFFE80];
	[tilespmem:s3+$0x3F30] =	vst v35  }
0x77: {  	v41 =	vld [tilespmem:s3+$0xFFFFFE90];
	[tilespmem:s3+$0x3F40] =	vst v36  }
0x78: {  	v42 =	vld [tilespmem:s3+$0xFFFFFEA0];
	[tilespmem:s3+$0x3F50] =	vst v37  }
0x79: {  	v43 =	vld [tilespmem:s3+$0xFFFFFEB0];
	[tilespmem:s3+$0x3F60] =	vst v38  }
0x7a: {  	v44 =	vld [tilespmem:s3+$0xFFFFFEC0];
	[tilespmem:s3+$0x3F70] =	vst v39  }
0x7b: {  	v45 =	vld [tilespmem:s3+$0xFFFFFED0];
	[tilespmem:s3+$0x3F80] =	vst v40  }
0x7c: {  	v46 =	vld [tilespmem:s3+$0xFFFFFEE0];
	[tilespmem:s3+$0x3F90] =	vst v41  }
0x7d: {  	v47 =	vld [tilespmem:s3+$0xFFFFFEF0];
	[tilespmem:s3+$0x3FA0] =	vst v42  }
0x7e: {  	v48 =	vld [tilespmem:s3+$0xFFFFFF00];
	[tilespmem:s3+$0x3FB0] =	vst v43  }
0x7f: {  	v49 =	vld [tilespmem:s3+$0xFFFFFF10];
	[tilespmem:s3+$0x3FC0] =	vst v44  }
0x80: {  	v50 =	vld [tilespmem:s3+$0xFFFFFF20];
	[tilespmem:s3+$0x3FD0] =	vst v45  }
0x81: {  	v51 =	vld [tilespmem:s3+$0xFFFFFF30];
	[tilespmem:s3+$0x3FE0] =	vst v46  }
0x82: {  	v52 =	vld [tilespmem:s3+$0xFFFFFF40];
	[tilespmem:s3+$0x3FF0] =	vst v47  }
0x83: {  	v53 =	vld [tilespmem:s3+$0xFFFFFF50];
	[tilespmem:s3+$0x4000] =	vst v48  }
0x84: {  	v54 =	vld [tilespmem:s3+$0xFFFFFF60];
	[tilespmem:s3+$0x4010] =	vst v49  }
0x85: {  	v55 =	vld [tilespmem:s3+$0xFFFFFF70];
	[tilespmem:s3+$0x4020] =	vst v50  }
0x86: {  	v56 =	vld [tilespmem:s3+$0xFFFFFF80];
	[tilespmem:s3+$0x4030] =	vst v51  }
0x87: {  	v57 =	vld [tilespmem:s3+$0xFFFFFF90];
	[tilespmem:s3+$0x4040] =	vst v52  }
0x88: {  	v58 =	vld [tilespmem:s3+$0xFFFFFFA0];
	[tilespmem:s3+$0x4050] =	vst v53  }
0x89: {  	v59 =	vld [tilespmem:s3+$0xFFFFFFB0];
	[tilespmem:s3+$0x4060] =	vst v54  }
0x8a: {  	v60 =	vld [tilespmem:s3+$0xFFFFFFC0];
	[tilespmem:s3+$0x4070] =	vst v55  }
0x8b: {  	v61 =	vld [tilespmem:s3+$0xFFFFFFD0];
	[tilespmem:s3+$0x4080] =	vst v56  }
0x8c: {  	v62 =	vld [tilespmem:s3+$0xFFFFFFE0];
	[tilespmem:s3+$0x4090] =	vst v57  }
0x8d: {  	v63 =	vld [tilespmem:s3+$0xFFFFFFF0];
	[tilespmem:s3+$0x40A0] =	vst v58  }
0x8e: {  	[tilespmem:s3+$0x40B0] =	vst v59  }
0x8f: {  	[tilespmem:s3+$0x40C0] =	vst v60  }
0x90: {  	[tilespmem:s3+$0x40D0] =	vst v61  }
0x91: {  	[tilespmem:s3+$0x40E0] =	vst v62  }
0x92: {  	s0 =	simm.s32 $0x4100;
	[tilespmem:s3+$0x40F0] =	vst v63  }
0x93: {  	[tilespmem:s14], [sflag:$0x1] =	stream.indirect.gather [hbm4b:s5+s12], $0x20, s0, s12, $0xb8;
	[tilespmem:$0x18A00] =	vst v63  }
0x94: {  	s17 =	simm.s32 $0x4180  }
0x95: {  	[tilespmem:s16], [sflag:$0x1] =	stream.indirect.gather [hbm4b:s5+s12], $0x20, s17, s12, $0xb8;
	[tilespmem:$0x18A00] =	vst v63  }
0x96: {  	s19 =	simm.s32 $0x4200  }
0x97: {  	[tilespmem:s18], [sflag:$0x1] =	stream.indirect.gather [hbm4b:s5+s12], $0x20, s19, s12, $0xb8;
	[tilespmem:$0x18A00] =	vst v63  }
0x98: {  	s21 =	simm.s32 $0x4280;
	s31 =	simm.s32 $0x4300  }
0x99: {  	[tilespmem:s20], [sflag:$0x1] =	stream.indirect.gather [hbm4b:s5+s12], $0x20, s21, s12, $0xb8;
	[tilespmem:$0x18A00] =	vst v63  }
0x9a: {  	s8 =	simm.s32 $0x12210;
	s15 =	simm.s32 $0x0;
	s19 =	simm.s32 $0x12230  }
0x9b: {  	[tilespmem:s22], [sflag:$0x1] =	stream.indirect.gather [hbm4b:s5+s12], $0x20, s31, s12, $0xb8;
	[tilespmem:$0x18A00] =	vst v63  }
.LBB2_5:
0x9c: {  	s0 =	sshllo.u32 s15, $0x1  }
0x9d: {  	s1 =	smul.u32 $0xA00, s0  }
0x9e: {  	s0 =	smul.u32 $0x61A80, s0  }
0x9f: {  	s1 =	sshra.s32 s1, $0x2  }
0xa0: {  	s0 =	sadd.s32 s5, s0;
	s3 =	sadd.s32 $0x4100, s1  }
0xa1: {  	[tilespmem:s23], [sflag:$0x2] =	stream.indirect.gather [hbm4b:s0+s12], $0x20, s3, s12, $0xb8;
	[tilespmem:$0x18A00] =	vst v63  }
0xa2: {  	s21 =	sadd.s32 $0x4180, s1  }
0xa3: {  	[tilespmem:s24], [sflag:$0x2] =	stream.indirect.gather [hbm4b:s0+s12], $0x20, s21, s12, $0xb8;
	[tilespmem:$0x18A00] =	vst v63  }
0xa4: {  	s17 =	sadd.s32 $0x4200, s1  }
0xa5: {  	[tilespmem:s25], [sflag:$0x2] =	stream.indirect.gather [hbm4b:s0+s12], $0x20, s17, s12, $0xb8;
	[tilespmem:$0x18A00] =	vst v63  }
0xa6: {  	s21 =	sadd.s32 $0x4280, s1  }
0xa7: {  	[tilespmem:s26], [sflag:$0x2] =	stream.indirect.gather [hbm4b:s0+s12], $0x20, s21, s12, $0xb8;
	[tilespmem:$0x18A00] =	vst v63  }
0xa8: {  	s1 =	sadd.s32 $0x4300, s1  }
0xa9: {  	[tilespmem:s28], [sflag:$0x2] =	stream.indirect.gather [hbm4b:s0+s12], $0x20, s1, s12, $0xb8;
	[tilespmem:$0x18A00] =	vst v63  }
0xaa: {  	_ =	swait.ge [sflag:s29], $0x1000  }
0xab: {  	[sflag:s29] =	ssyncset.done $0x0  }
0xac: {  	[sflag:s29] =	ssyncadd.s32 $0xFFFFF000  }
0xad: {  	_ =	swait.ge [sflag:s29], $0x1000  }
0xae: {  	[sflag:s29] =	ssyncset.done $0x0  }
0xaf: {  	[sflag:s29] =	ssyncadd.s32 $0xFFFFF000  }
0xb0: {  	_ =	swait.ge [sflag:s29], $0x1000  }
0xb1: {  	[sflag:s29] =	ssyncset.done $0x0  }
0xb2: {  	[sflag:s29] =	ssyncadd.s32 $0xFFFFF000  }
0xb3: {  	_ =	swait.ge [sflag:s29], $0x1000  }
0xb4: {  	[sflag:s29] =	ssyncset.done $0x0  }
0xb5: {  	[sflag:s29] =	ssyncadd.s32 $0xFFFFF000  }
0xb6: {  	_ =	swait.ge [sflag:s29], $0x1000  }
0xb7: {  	[sflag:s29] =	ssyncset.done $0x0  }
0xb8: {  	s31 =	simm.s32 $0x0;
	[sflag:s29] =	ssyncadd.s32 $0xFFFFF000  }
0xb9: {  	v0 =	vld [tilespmem:s31+$0x8610]  }
0xba: {  	v3 =	vld [tilespmem:s31+$0x8600]  }
0xbb: {  	v5 =	vld [tilespmem:s31+$0x8200]  }
0xbc: {  	v4 =	vld [tilespmem:s31+$0x8210]  }
0xbd: {  	s3 =	simm.s32 $0x80;
	v1 =	vld [tilespmem:s31+$0x8A00]  }
0xbe: {  	s17 =	smov.u32 s8;
	s21 =	smov.u32 s8;
	s0 =	sshll.u32 s15, $0x1;
	v2 =	vld [tilespmem:s31+$0x8A10]  }
.LBB2_6:
0xbf: {  	p0 =	sne.s32 s3, $0xF80  }
0xc0: {  	v6 =	vld [tilespmem:s31+$0x8E00];
	s21 =	sadd.s32 $0x340, s21;
	s1 =	smov.u32 s3;
	s3 =	sadd.s32 $0x80, s3  }
0xc1: {  	v3 =	vadd.f32 v3, v5;
	v5 =	vld [tilespmem:s31+$0x8E10]  }
0xc2: {  	v0 =	vadd.f32 v0, v4;
	v4 =	vld [tilespmem:s31+$0x9200]  }
0xc3: {  	s1 =	sshra.s32 s1, $0x2;
	v1 =	vadd.f32 v1, v3;
	v3 =	vld [tilespmem:s31+$0x9210]  }
0xc4: {  	v0 =	vadd.f32 v2, v0;
	v2 =	vld [tilespmem:s31+$0x9600]  }
0xc5: {  	v1 =	vadd.f32 v6, v1;
	v6 =	vld [tilespmem:s31+$0x9610]  }
0xc6: {  	v0 =	vadd.f32 v5, v0;
	v5 =	vld [tilespmem:s31+$0x9A00]  }
0xc7: {  	v1 =	vadd.f32 v4, v1;
	v4 =	vld [tilespmem:s31+$0x9A10]  }
0xc8: {  	v0 =	vadd.f32 v3, v0;
	v3 =	vld [tilespmem:s31+$0x9E00]  }
0xc9: {  	v1 =	vadd.f32 v2, v1;
	v2 =	vld [tilespmem:s31+$0x9E10]  }
0xca: {  	v0 =	vadd.f32 v6, v0;
	v6 =	vld [tilespmem:s31+$0xA200]  }
0xcb: {  	v1 =	vadd.f32 v5, v1;
	v5 =	vld [tilespmem:s31+$0xA210]  }
0xcc: {  	v0 =	vadd.f32 v4, v0;
	v4 =	vld [tilespmem:s31+$0xA600]  }
0xcd: {  	v1 =	vadd.f32 v3, v1;
	v3 =	vld [tilespmem:s31+$0xA610]  }
0xce: {  	v0 =	vadd.f32 v2, v0;
	v2 =	vld [tilespmem:s31+$0xAA00]  }
0xcf: {  	v1 =	vadd.f32 v6, v1;
	v6 =	vld [tilespmem:s31+$0xAA10]  }
0xd0: {  	v0 =	vadd.f32 v5, v0;
	v5 =	vld [tilespmem:s31+$0xAE00]  }
0xd1: {  	v1 =	vadd.f32 v4, v1;
	v4 =	vld [tilespmem:s31+$0xAE10]  }
0xd2: {  	v0 =	vadd.f32 v3, v0;
	v3 =	vld [tilespmem:s31+$0xB200]  }
0xd3: {  	v1 =	vadd.f32 v2, v1;
	v2 =	vld [tilespmem:s31+$0xB210]  }
0xd4: {  	v0 =	vadd.f32 v6, v0;
	v6 =	vld [tilespmem:s31+$0xB600]  }
0xd5: {  	v1 =	vadd.f32 v5, v1;
	v5 =	vld [tilespmem:s31+$0xB610]  }
0xd6: {  	v0 =	vadd.f32 v4, v0;
	v4 =	vld [tilespmem:s31+$0xBA00]  }
0xd7: {  	v1 =	vadd.f32 v3, v1;
	v3 =	vld [tilespmem:s31+$0xBA10]  }
0xd8: {  	v0 =	vadd.f32 v2, v0;
	v2 =	vld [tilespmem:s31+$0xBE00]  }
0xd9: {  	v1 =	vadd.f32 v6, v1;
	v6 =	vld [tilespmem:s31+$0xBE10]  }
0xda: {  	v0 =	vadd.f32 v5, v0;
	v5 =	vld [tilespmem:s31+$0xC200]  }
0xdb: {  	v1 =	vadd.f32 v4, v1;
	v4 =	vld [tilespmem:s31+$0xC210]  }
0xdc: {  	v0 =	vadd.f32 v3, v0;
	v3 =	vld [tilespmem:s31+$0xC600]  }
0xdd: {  	v1 =	vadd.f32 v2, v1;
	v2 =	vld [tilespmem:s31+$0xC610]  }
0xde: {  	v0 =	vadd.f32 v6, v0;
	v6 =	vld [tilespmem:s31+$0xCA00]  }
0xdf: {  	v1 =	vadd.f32 v5, v1;
	v5 =	vld [tilespmem:s31+$0xCA10]  }
0xe0: {  	v0 =	vadd.f32 v4, v0;
	v4 =	vld [tilespmem:s31+$0xCE00]  }
0xe1: {  	v1 =	vadd.f32 v3, v1;
	v3 =	vld [tilespmem:s31+$0xCE10];
	s31 =	smov.u32 s1  }
0xe2: {  	v0 =	vadd.f32 v2, v0  }
0xe3: {  	v1 =	vadd.f32 v6, v1  }
0xe4: {  	v0 =	vadd.f32 v5, v0  }
0xe5: {  	v1 =	vadd.f32 v4, v1  }
0xe6: {  	v0 =	vadd.f32 v3, v0  }
0xe7: {  	[tilespmem:s17+$0xFFFFFFF0] =	vst v1  }
0xe8: {  	[tilespmem:s17+$0x0] =	vst v0;
	s17 =	smov.u32 s21  }
0xe9: {  	v0 =	vld [tilespmem:s31+$0x8610]  }
.Ltmp1:
0xea: {  	v3 =	vld [tilespmem:s31+$0x8600];
	(pc) =	sbr.rel @p0 .LBB2_6-.Ltmp1, $4  }
0xeb: {  	v5 =	vld [tilespmem:s31+$0x8200]  }
0xec: {  	v4 =	vld [tilespmem:s31+$0x8210]  }
0xed: {  	v1 =	vld [tilespmem:s31+$0x8A00]  }
0xee: {  	v2 =	vld [tilespmem:s31+$0x8A10]  }
0xef: {  	v6 =	vld [tilespmem:s31+$0x8E00]  }
0xf0: {  	v3 =	vadd.f32 v3, v5;
	v5 =	vld [tilespmem:s31+$0x8E10]  }
0xf1: {  	v0 =	vadd.f32 v0, v4;
	v4 =	vld [tilespmem:s31+$0x9200]  }
0xf2: {  	v1 =	vadd.f32 v1, v3;
	v3 =	vld [tilespmem:s31+$0x9210]  }
0xf3: {  	v0 =	vadd.f32 v2, v0;
	v2 =	vld [tilespmem:s31+$0x9600]  }
0xf4: {  	v1 =	vadd.f32 v6, v1;
	v6 =	vld [tilespmem:s31+$0x9610]  }
0xf5: {  	v0 =	vadd.f32 v5, v0;
	v5 =	vld [tilespmem:s31+$0x9A00]  }
0xf6: {  	v1 =	vadd.f32 v4, v1;
	v4 =	vld [tilespmem:s31+$0x9A10]  }
0xf7: {  	v0 =	vadd.f32 v3, v0;
	v3 =	vld [tilespmem:s31+$0x9E00]  }
0xf8: {  	v1 =	vadd.f32 v2, v1;
	v2 =	vld [tilespmem:s31+$0x9E10]  }
0xf9: {  	v0 =	vadd.f32 v6, v0;
	v6 =	vld [tilespmem:s31+$0xA200]  }
0xfa: {  	v1 =	vadd.f32 v5, v1;
	v5 =	vld [tilespmem:s31+$0xA210]  }
0xfb: {  	v0 =	vadd.f32 v4, v0;
	v4 =	vld [tilespmem:s31+$0xA600]  }
0xfc: {  	v1 =	vadd.f32 v3, v1;
	v3 =	vld [tilespmem:s31+$0xA610]  }
0xfd: {  	v0 =	vadd.f32 v2, v0;
	v2 =	vld [tilespmem:s31+$0xAA00]  }
0xfe: {  	v1 =	vadd.f32 v6, v1;
	v6 =	vld [tilespmem:s31+$0xAA10]  }
0xff: {  	v0 =	vadd.f32 v5, v0;
	v5 =	vld [tilespmem:s31+$0xAE00]  }
0x100: {  	v1 =	vadd.f32 v4, v1;
	v4 =	vld [tilespmem:s31+$0xAE10]  }
0x101: {  	v0 =	vadd.f32 v3, v0;
	v3 =	vld [tilespmem:s31+$0xB200]  }
0x102: {  	v1 =	vadd.f32 v2, v1;
	v2 =	vld [tilespmem:s31+$0xB210]  }
0x103: {  	v0 =	vadd.f32 v6, v0;
	v6 =	vld [tilespmem:s31+$0xB600]  }
0x104: {  	v1 =	vadd.f32 v5, v1;
	v5 =	vld [tilespmem:s31+$0xB610]  }
0x105: {  	v0 =	vadd.f32 v4, v0;
	v4 =	vld [tilespmem:s31+$0xBA00]  }
0x106: {  	v1 =	vadd.f32 v3, v1;
	v3 =	vld [tilespmem:s31+$0xBA10]  }
0x107: {  	v0 =	vadd.f32 v2, v0;
	v2 =	vld [tilespmem:s31+$0xBE00]  }
0x108: {  	v1 =	vadd.f32 v6, v1;
	v6 =	vld [tilespmem:s31+$0xBE10]  }
0x109: {  	v0 =	vadd.f32 v5, v0;
	v5 =	vld [tilespmem:s31+$0xC200]  }
0x10a: {  	v1 =	vadd.f32 v4, v1;
	v4 =	vld [tilespmem:s31+$0xC210]  }
0x10b: {  	v0 =	vadd.f32 v3, v0;
	v3 =	vld [tilespmem:s31+$0xC600]  }
0x10c: {  	v1 =	vadd.f32 v2, v1;
	v2 =	vld [tilespmem:s31+$0xC610]  }
0x10d: {  	v0 =	vadd.f32 v6, v0;
	v6 =	vld [tilespmem:s31+$0xCA00]  }
0x10e: {  	v1 =	vadd.f32 v5, v1;
	v5 =	vld [tilespmem:s31+$0xCA10]  }
0x10f: {  	v0 =	vadd.f32 v4, v0;
	v4 =	vld [tilespmem:s31+$0xCE00]  }
0x110: {  	v1 =	vadd.f32 v3, v1;
	v3 =	vld [tilespmem:s31+$0xCE10]  }
0x111: {  	v0 =	vadd.f32 v2, v0  }
0x112: {  	v1 =	vadd.f32 v6, v1  }
0x113: {  	s0 =	sadd.s32 $0x2, s0;
	v0 =	vadd.f32 v5, v0  }
0x114: {  	s1 =	smul.u32 $0xA00, s0;
	v1 =	vadd.f32 v4, v1  }
0x115: {  	s0 =	smul.u32 $0x61A80, s0;
	v0 =	vadd.f32 v3, v0  }
0x116: {  	s1 =	sshra.s32 s1, $0x2;
	[tilespmem:s17+$0xFFFFFFF0] =	vst v1  }
0x117: {  	s0 =	sadd.s32 s5, s0;
	s3 =	sadd.s32 $0x4100, s1;
	[tilespmem:s17+$0x0] =	vst v0  }
0x118: {  	[tilespmem:s14], [sflag:$0x1] =	stream.indirect.gather [hbm4b:s0+s12], $0x20, s3, s12, $0xb8;
	[tilespmem:$0x18A00] =	vst v63  }
0x119: {  	s21 =	sadd.s32 $0x4180, s1  }
0x11a: {  	[tilespmem:s16], [sflag:$0x1] =	stream.indirect.gather [hbm4b:s0+s12], $0x20, s21, s12, $0xb8;
	[tilespmem:$0x18A00] =	vst v63  }
0x11b: {  	s17 =	sadd.s32 $0x4200, s1  }
0x11c: {  	[tilespmem:s18], [sflag:$0x1] =	stream.indirect.gather [hbm4b:s0+s12], $0x20, s17, s12, $0xb8;
	[tilespmem:$0x18A00] =	vst v63  }
0x11d: {  	s21 =	sadd.s32 $0x4280, s1  }
0x11e: {  	[tilespmem:s20], [sflag:$0x1] =	stream.indirect.gather [hbm4b:s0+s12], $0x20, s21, s12, $0xb8;
	[tilespmem:$0x18A00] =	vst v63  }
0x11f: {  	s1 =	sadd.s32 $0x4300, s1  }
0x120: {  	[tilespmem:s22], [sflag:$0x1] =	stream.indirect.gather [hbm4b:s0+s12], $0x20, s1, s12, $0xb8;
	[tilespmem:$0x18A00] =	vst v63  }
0x121: {  	_ =	swait.ge [sflag:s30], $0x1000  }
0x122: {  	[sflag:s30] =	ssyncset.done $0x0  }
0x123: {  	[sflag:s30] =	ssyncadd.s32 $0xFFFFF000  }
0x124: {  	_ =	swait.ge [sflag:s30], $0x1000  }
0x125: {  	[sflag:s30] =	ssyncset.done $0x0  }
0x126: {  	[sflag:s30] =	ssyncadd.s32 $0xFFFFF000  }
0x127: {  	_ =	swait.ge [sflag:s30], $0x1000  }
0x128: {  	[sflag:s30] =	ssyncset.done $0x0  }
0x129: {  	[sflag:s30] =	ssyncadd.s32 $0xFFFFF000  }
0x12a: {  	_ =	swait.ge [sflag:s30], $0x1000  }
0x12b: {  	[sflag:s30] =	ssyncset.done $0x0  }
0x12c: {  	[sflag:s30] =	ssyncadd.s32 $0xFFFFF000  }
0x12d: {  	_ =	swait.ge [sflag:s30], $0x1000  }
0x12e: {  	[sflag:s30] =	ssyncset.done $0x0  }
0x12f: {  	s17 =	simm.s32 $0x0;
	[sflag:s30] =	ssyncadd.s32 $0xFFFFF000  }
0x130: {  	v0 =	vld [tilespmem:s17+$0xD610]  }
0x131: {  	v3 =	vld [tilespmem:s17+$0xD600]  }
0x132: {  	v5 =	vld [tilespmem:s17+$0xD200]  }
0x133: {  	v4 =	vld [tilespmem:s17+$0xD210]  }
0x134: {  	v2 =	vld [tilespmem:s17+$0xDA00]  }
0x135: {  	s31 =	smov.u32 s19;
	s3 =	smov.u32 s19;
	s0 =	simm.s32 $0x80;
	v1 =	vld [tilespmem:s17+$0xDA10]  }
.LBB2_8:
0x136: {  	p0 =	sne.s32 s0, $0xF80  }
0x137: {  	v6 =	vld [tilespmem:s17+$0xDE00];
	s3 =	sadd.s32 $0x340, s3;
	s1 =	smov.u32 s0;
	s0 =	sadd.s32 $0x80, s0  }
0x138: {  	v3 =	vadd.f32 v3, v5;
	v5 =	vld [tilespmem:s17+$0xDE10]  }
0x139: {  	v0 =	vadd.f32 v0, v4;
	v4 =	vld [tilespmem:s17+$0xE200]  }
0x13a: {  	s1 =	sshra.s32 s1, $0x2;
	v2 =	vadd.f32 v2, v3;
	v3 =	vld [tilespmem:s17+$0xE210]  }
0x13b: {  	v0 =	vadd.f32 v1, v0;
	v1 =	vld [tilespmem:s17+$0xE600]  }
0x13c: {  	v2 =	vadd.f32 v6, v2;
	v6 =	vld [tilespmem:s17+$0xE610]  }
0x13d: {  	v0 =	vadd.f32 v5, v0;
	v5 =	vld [tilespmem:s17+$0xEA00]  }
0x13e: {  	v2 =	vadd.f32 v4, v2;
	v4 =	vld [tilespmem:s17+$0xEA10]  }
0x13f: {  	v0 =	vadd.f32 v3, v0;
	v3 =	vld [tilespmem:s17+$0xEE00]  }
0x140: {  	v1 =	vadd.f32 v1, v2;
	v2 =	vld [tilespmem:s17+$0xEE10]  }
0x141: {  	v0 =	vadd.f32 v6, v0;
	v6 =	vld [tilespmem:s17+$0xF200]  }
0x142: {  	v1 =	vadd.f32 v5, v1;
	v5 =	vld [tilespmem:s17+$0xF210]  }
0x143: {  	v0 =	vadd.f32 v4, v0;
	v4 =	vld [tilespmem:s17+$0xF600]  }
0x144: {  	v1 =	vadd.f32 v3, v1;
	v3 =	vld [tilespmem:s17+$0xF610]  }
0x145: {  	v0 =	vadd.f32 v2, v0;
	v2 =	vld [tilespmem:s17+$0xFA00]  }
0x146: {  	v1 =	vadd.f32 v6, v1;
	v6 =	vld [tilespmem:s17+$0xFA10]  }
0x147: {  	v0 =	vadd.f32 v5, v0;
	v5 =	vld [tilespmem:s17+$0xFE00]  }
0x148: {  	v1 =	vadd.f32 v4, v1;
	v4 =	vld [tilespmem:s17+$0xFE10]  }
0x149: {  	v0 =	vadd.f32 v3, v0;
	v3 =	vld [tilespmem:s17+$0x10200]  }
0x14a: {  	v1 =	vadd.f32 v2, v1;
	v2 =	vld [tilespmem:s17+$0x10210]  }
0x14b: {  	v0 =	vadd.f32 v6, v0;
	v6 =	vld [tilespmem:s17+$0x10600]  }
0x14c: {  	v1 =	vadd.f32 v5, v1;
	v5 =	vld [tilespmem:s17+$0x10610]  }
0x14d: {  	v0 =	vadd.f32 v4, v0;
	v4 =	vld [tilespmem:s17+$0x10A00]  }
0x14e: {  	v1 =	vadd.f32 v3, v1;
	v3 =	vld [tilespmem:s17+$0x10A10]  }
0x14f: {  	v0 =	vadd.f32 v2, v0;
	v2 =	vld [tilespmem:s17+$0x10E00]  }
0x150: {  	v1 =	vadd.f32 v6, v1;
	v6 =	vld [tilespmem:s17+$0x10E10]  }
0x151: {  	v0 =	vadd.f32 v5, v0;
	v5 =	vld [tilespmem:s17+$0x11200]  }
0x152: {  	v1 =	vadd.f32 v4, v1;
	v4 =	vld [tilespmem:s17+$0x11210]  }
0x153: {  	v0 =	vadd.f32 v3, v0;
	v3 =	vld [tilespmem:s17+$0x11600]  }
0x154: {  	v1 =	vadd.f32 v2, v1;
	v2 =	vld [tilespmem:s17+$0x11610]  }
0x155: {  	v0 =	vadd.f32 v6, v0;
	v6 =	vld [tilespmem:s17+$0x11A00]  }
0x156: {  	v1 =	vadd.f32 v5, v1;
	v5 =	vld [tilespmem:s17+$0x11A10]  }
0x157: {  	v0 =	vadd.f32 v4, v0;
	v4 =	vld [tilespmem:s17+$0x11E00]  }
0x158: {  	v1 =	vadd.f32 v3, v1;
	v3 =	vld [tilespmem:s17+$0x11E10];
	s17 =	smov.u32 s1  }
0x159: {  	v0 =	vadd.f32 v2, v0  }
0x15a: {  	v1 =	vadd.f32 v6, v1  }
0x15b: {  	v0 =	vadd.f32 v5, v0  }
0x15c: {  	v1 =	vadd.f32 v4, v1  }
0x15d: {  	v0 =	vadd.f32 v3, v0  }
0x15e: {  	[tilespmem:s31+$0xFFFFFFF0] =	vst v1  }
0x15f: {  	[tilespmem:s31+$0x0] =	vst v0;
	s31 =	smov.u32 s3  }
0x160: {  	v0 =	vld [tilespmem:s17+$0xD610]  }
.Ltmp2:
0x161: {  	v3 =	vld [tilespmem:s17+$0xD600];
	(pc) =	sbr.rel @p0 .LBB2_8-.Ltmp2, $4  }
0x162: {  	v5 =	vld [tilespmem:s17+$0xD200]  }
0x163: {  	v4 =	vld [tilespmem:s17+$0xD210]  }
0x164: {  	v2 =	vld [tilespmem:s17+$0xDA00]  }
0x165: {  	v1 =	vld [tilespmem:s17+$0xDA10]  }
0x166: {  	v6 =	vld [tilespmem:s17+$0xDE00]  }
0x167: {  	v31 =	vld [tilespmem:s17+$0xDE10];
	v3 =	vadd.f32 v3, v5  }
0x168: {  	v32 =	vld [tilespmem:s17+$0xE200];
	v0 =	vadd.f32 v0, v4  }
0x169: {  	v33 =	vld [tilespmem:s17+$0xE210];
	v2 =	vadd.f32 v2, v3  }
0x16a: {  	v34 =	vld [tilespmem:s17+$0xE600];
	v0 =	vadd.f32 v1, v0  }
0x16b: {  	v35 =	vld [tilespmem:s17+$0xE610];
	v2 =	vadd.f32 v6, v2  }
0x16c: {  	v36 =	vld [tilespmem:s17+$0xEA00];
	v0 =	vadd.f32 v31, v0  }
0x16d: {  	v37 =	vld [tilespmem:s17+$0xEA10];
	v2 =	vadd.f32 v32, v2  }
0x16e: {  	v38 =	vld [tilespmem:s17+$0xEE00];
	v0 =	vadd.f32 v33, v0  }
0x16f: {  	v39 =	vld [tilespmem:s17+$0xEE10];
	v1 =	vadd.f32 v34, v2  }
0x170: {  	v40 =	vld [tilespmem:s17+$0xF200];
	v0 =	vadd.f32 v35, v0  }
0x171: {  	v41 =	vld [tilespmem:s17+$0xF210];
	v1 =	vadd.f32 v36, v1  }
0x172: {  	v42 =	vld [tilespmem:s17+$0xF600];
	v0 =	vadd.f32 v37, v0  }
0x173: {  	v43 =	vld [tilespmem:s17+$0xF610];
	v1 =	vadd.f32 v38, v1  }
0x174: {  	v44 =	vld [tilespmem:s17+$0xFA00];
	v0 =	vadd.f32 v39, v0  }
0x175: {  	v45 =	vld [tilespmem:s17+$0xFA10];
	v1 =	vadd.f32 v40, v1  }
0x176: {  	v46 =	vld [tilespmem:s17+$0xFE00];
	v0 =	vadd.f32 v41, v0  }
0x177: {  	v47 =	vld [tilespmem:s17+$0xFE10];
	v1 =	vadd.f32 v42, v1  }
0x178: {  	v48 =	vld [tilespmem:s17+$0x10200];
	v0 =	vadd.f32 v43, v0  }
0x179: {  	v49 =	vld [tilespmem:s17+$0x10210];
	v1 =	vadd.f32 v44, v1  }
0x17a: {  	v50 =	vld [tilespmem:s17+$0x10600];
	v0 =	vadd.f32 v45, v0  }
0x17b: {  	v51 =	vld [tilespmem:s17+$0x10610];
	v1 =	vadd.f32 v46, v1  }
0x17c: {  	v52 =	vld [tilespmem:s17+$0x10A00];
	v0 =	vadd.f32 v47, v0  }
0x17d: {  	v53 =	vld [tilespmem:s17+$0x10A10];
	v1 =	vadd.f32 v48, v1  }
0x17e: {  	v54 =	vld [tilespmem:s17+$0x10E00];
	v0 =	vadd.f32 v49, v0  }
0x17f: {  	v55 =	vld [tilespmem:s17+$0x10E10];
	v1 =	vadd.f32 v50, v1  }
0x180: {  	v56 =	vld [tilespmem:s17+$0x11200];
	v0 =	vadd.f32 v51, v0  }
0x181: {  	v57 =	vld [tilespmem:s17+$0x11210];
	v1 =	vadd.f32 v52, v1  }
0x182: {  	v58 =	vld [tilespmem:s17+$0x11600];
	v0 =	vadd.f32 v53, v0  }
0x183: {  	v59 =	vld [tilespmem:s17+$0x11610];
	v1 =	vadd.f32 v54, v1  }
0x184: {  	v60 =	vld [tilespmem:s17+$0x11A00];
	v0 =	vadd.f32 v55, v0  }
0x185: {  	v61 =	vld [tilespmem:s17+$0x11A10];
	v1 =	vadd.f32 v56, v1  }
0x186: {  	v62 =	vld [tilespmem:s17+$0x11E00];
	v0 =	vadd.f32 v57, v0  }
0x187: {  	v63 =	vld [tilespmem:s17+$0x11E10];
	v1 =	vadd.f32 v58, v1  }
0x188: {  	s15 =	sadd.s32 $0x1, s15;
	v0 =	vadd.f32 v59, v0  }
0x189: {  	p0 =	sne.s32 s15, $0xC;
	v1 =	vadd.f32 v60, v1  }
.Ltmp3:
0x18a: {  	v0 =	vadd.f32 v61, v0;
	(pc) =	sbr.rel @p0 .LBB2_5-.Ltmp3, $4  }
0x18b: {  	v1 =	vadd.f32 v62, v1  }
0x18c: {  	v0 =	vadd.f32 v63, v0  }
0x18d: {  	[tilespmem:s31+$0xFFFFFFF0] =	vst v1  }
0x18e: {  	s8 =	sadd.s32 $0x40, s8;
	s19 =	sadd.s32 $0x40, s19;
	[tilespmem:s31+$0x0] =	vst v0  }
0x18f: {  	s0 =	simm.s32 $0x7F80  }
0x190: {  	[tilespmem:s23], [sflag:$0x2] =	stream.indirect.gather [hbm4b:s7+s12], $0x20, s0, s12, $0xb8;
	[tilespmem:$0x18A00] =	vst v63  }
0x191: {  	s17 =	simm.s32 $0x8000  }
0x192: {  	[tilespmem:s24], [sflag:$0x2] =	stream.indirect.gather [hbm4b:s7+s12], $0x20, s17, s12, $0xb8;
	[tilespmem:$0x18A00] =	vst v63  }
0x193: {  	s19 =	simm.s32 $0x8080  }
0x194: {  	[tilespmem:s25], [sflag:$0x2] =	stream.indirect.gather [hbm4b:s7+s12], $0x20, s19, s12, $0xb8;
	[tilespmem:$0x18A00] =	vst v63  }
0x195: {  	s21 =	simm.s32 $0x8100  }
0x196: {  	[tilespmem:s26], [sflag:$0x2] =	stream.indirect.gather [hbm4b:s7+s12], $0x20, s21, s12, $0xb8;
	[tilespmem:$0x18A00] =	vst v63  }
0x197: {  	s31 =	simm.s32 $0x8180  }
0x198: {  	[tilespmem:s28], [sflag:$0x2] =	stream.indirect.gather [hbm4b:s7+s12], $0x20, s31, s12, $0xb8;
	[tilespmem:$0x18A00] =	vst v63  }
0x199: {  	_ =	swait.ge [sflag:s29], $0x1000  }
0x19a: {  	[sflag:s29] =	ssyncset.done $0x0  }
0x19b: {  	[sflag:s29] =	ssyncadd.s32 $0xFFFFF000  }
0x19c: {  	_ =	swait.ge [sflag:s29], $0x1000  }
0x19d: {  	[sflag:s29] =	ssyncset.done $0x0  }
0x19e: {  	[sflag:s29] =	ssyncadd.s32 $0xFFFFF000  }
0x19f: {  	_ =	swait.ge [sflag:s29], $0x1000  }
0x1a0: {  	[sflag:s29] =	ssyncset.done $0x0  }
0x1a1: {  	[sflag:s29] =	ssyncadd.s32 $0xFFFFF000  }
0x1a2: {  	_ =	swait.ge [sflag:s29], $0x1000  }
0x1a3: {  	[sflag:s29] =	ssyncset.done $0x0  }
0x1a4: {  	[sflag:s29] =	ssyncadd.s32 $0xFFFFF000  }
0x1a5: {  	_ =	swait.ge [sflag:s29], $0x1000  }
0x1a6: {  	[sflag:s29] =	ssyncset.done $0x0  }
0x1a7: {  	s15 =	simm.s32 $0x0;
	[sflag:s29] =	ssyncadd.s32 $0xFFFFF000  }
0x1a8: {  	v0 =	vld [tilespmem:s15+$0x8610]  }
0x1a9: {  	v3 =	vld [tilespmem:s15+$0x8600]  }
0x1aa: {  	v5 =	vld [tilespmem:s15+$0x8200]  }
0x1ab: {  	v4 =	vld [tilespmem:s15+$0x8210]  }
0x1ac: {  	v1 =	vld [tilespmem:s15+$0x8A00]  }
0x1ad: {  	s3 =	simm.s32 $0x12510;
	s0 =	simm.s32 $0x12510;
	s17 =	simm.s32 $0x80;
	v2 =	vld [tilespmem:s15+$0x8A10]  }
.LBB2_11:
0x1ae: {  	p0 =	sne.s32 s17, $0xF80  }
0x1af: {  	v6 =	vld [tilespmem:s15+$0x8E00];
	s3 =	sadd.s32 $0x340, s3;
	s1 =	smov.u32 s17;
	s17 =	sadd.s32 $0x80, s17  }
0x1b0: {  	v3 =	vadd.f32 v3, v5;
	v5 =	vld [tilespmem:s15+$0x8E10]  }
0x1b1: {  	v0 =	vadd.f32 v0, v4;
	v4 =	vld [tilespmem:s15+$0x9200]  }
0x1b2: {  	s1 =	sshra.s32 s1, $0x2;
	v1 =	vadd.f32 v1, v3;
	v3 =	vld [tilespmem:s15+$0x9210]  }
0x1b3: {  	v0 =	vadd.f32 v2, v0;
	v2 =	vld [tilespmem:s15+$0x9600]  }
0x1b4: {  	v1 =	vadd.f32 v6, v1;
	v6 =	vld [tilespmem:s15+$0x9610]  }
0x1b5: {  	v0 =	vadd.f32 v5, v0;
	v5 =	vld [tilespmem:s15+$0x9A00]  }
0x1b6: {  	v1 =	vadd.f32 v4, v1;
	v4 =	vld [tilespmem:s15+$0x9A10]  }
0x1b7: {  	v0 =	vadd.f32 v3, v0;
	v3 =	vld [tilespmem:s15+$0x9E00]  }
0x1b8: {  	v1 =	vadd.f32 v2, v1;
	v2 =	vld [tilespmem:s15+$0x9E10]  }
0x1b9: {  	v0 =	vadd.f32 v6, v0;
	v6 =	vld [tilespmem:s15+$0xA200]  }
0x1ba: {  	v1 =	vadd.f32 v5, v1;
	v5 =	vld [tilespmem:s15+$0xA210]  }
0x1bb: {  	v0 =	vadd.f32 v4, v0;
	v4 =	vld [tilespmem:s15+$0xA600]  }
0x1bc: {  	v1 =	vadd.f32 v3, v1;
	v3 =	vld [tilespmem:s15+$0xA610]  }
0x1bd: {  	v0 =	vadd.f32 v2, v0;
	v2 =	vld [tilespmem:s15+$0xAA00]  }
0x1be: {  	v1 =	vadd.f32 v6, v1;
	v6 =	vld [tilespmem:s15+$0xAA10]  }
0x1bf: {  	v0 =	vadd.f32 v5, v0;
	v5 =	vld [tilespmem:s15+$0xAE00]  }
0x1c0: {  	v1 =	vadd.f32 v4, v1;
	v4 =	vld [tilespmem:s15+$0xAE10]  }
0x1c1: {  	v0 =	vadd.f32 v3, v0;
	v3 =	vld [tilespmem:s15+$0xB200]  }
0x1c2: {  	v1 =	vadd.f32 v2, v1;
	v2 =	vld [tilespmem:s15+$0xB210]  }
0x1c3: {  	v0 =	vadd.f32 v6, v0;
	v6 =	vld [tilespmem:s15+$0xB600]  }
0x1c4: {  	v1 =	vadd.f32 v5, v1;
	v5 =	vld [tilespmem:s15+$0xB610]  }
0x1c5: {  	v0 =	vadd.f32 v4, v0;
	v4 =	vld [tilespmem:s15+$0xBA00]  }
0x1c6: {  	v1 =	vadd.f32 v3, v1;
	v3 =	vld [tilespmem:s15+$0xBA10]  }
0x1c7: {  	v0 =	vadd.f32 v2, v0;
	v2 =	vld [tilespmem:s15+$0xBE00]  }
0x1c8: {  	v1 =	vadd.f32 v6, v1;
	v6 =	vld [tilespmem:s15+$0xBE10]  }
0x1c9: {  	v0 =	vadd.f32 v5, v0;
	v5 =	vld [tilespmem:s15+$0xC200]  }
0x1ca: {  	v1 =	vadd.f32 v4, v1;
	v4 =	vld [tilespmem:s15+$0xC210]  }
0x1cb: {  	v0 =	vadd.f32 v3, v0;
	v3 =	vld [tilespmem:s15+$0xC600]  }
0x1cc: {  	v1 =	vadd.f32 v2, v1;
	v2 =	vld [tilespmem:s15+$0xC610]  }
0x1cd: {  	v0 =	vadd.f32 v6, v0;
	v6 =	vld [tilespmem:s15+$0xCA00]  }
0x1ce: {  	v1 =	vadd.f32 v5, v1;
	v5 =	vld [tilespmem:s15+$0xCA10]  }
0x1cf: {  	v0 =	vadd.f32 v4, v0;
	v4 =	vld [tilespmem:s15+$0xCE00]  }
0x1d0: {  	v1 =	vadd.f32 v3, v1;
	v3 =	vld [tilespmem:s15+$0xCE10];
	s15 =	smov.u32 s1  }
0x1d1: {  	v0 =	vadd.f32 v2, v0  }
0x1d2: {  	v1 =	vadd.f32 v6, v1  }
0x1d3: {  	v0 =	vadd.f32 v5, v0  }
0x1d4: {  	v1 =	vadd.f32 v4, v1  }
0x1d5: {  	v0 =	vadd.f32 v3, v0  }
0x1d6: {  	[tilespmem:s0+$0xFFFFFFF0] =	vst v1  }
0x1d7: {  	[tilespmem:s0+$0x0] =	vst v0;
	s0 =	smov.u32 s3  }
0x1d8: {  	v0 =	vld [tilespmem:s15+$0x8610]  }
.Ltmp4:
0x1d9: {  	v3 =	vld [tilespmem:s15+$0x8600];
	(pc) =	sbr.rel @p0 .LBB2_11-.Ltmp4, $4  }
0x1da: {  	v5 =	vld [tilespmem:s15+$0x8200]  }
0x1db: {  	v4 =	vld [tilespmem:s15+$0x8210]  }
0x1dc: {  	v1 =	vld [tilespmem:s15+$0x8A00]  }
0x1dd: {  	v2 =	vld [tilespmem:s15+$0x8A10]  }
0x1de: {  	v6 =	vld [tilespmem:s15+$0x8E00]  }
0x1df: {  	v3 =	vadd.f32 v3, v5;
	v5 =	vld [tilespmem:s15+$0x8E10]  }
0x1e0: {  	v0 =	vadd.f32 v0, v4;
	v4 =	vld [tilespmem:s15+$0x9200]  }
0x1e1: {  	v1 =	vadd.f32 v1, v3;
	v3 =	vld [tilespmem:s15+$0x9210]  }
0x1e2: {  	v0 =	vadd.f32 v2, v0;
	v2 =	vld [tilespmem:s15+$0x9600]  }
0x1e3: {  	v1 =	vadd.f32 v6, v1;
	v6 =	vld [tilespmem:s15+$0x9610]  }
0x1e4: {  	v0 =	vadd.f32 v5, v0;
	v5 =	vld [tilespmem:s15+$0x9A00]  }
0x1e5: {  	v1 =	vadd.f32 v4, v1;
	v4 =	vld [tilespmem:s15+$0x9A10]  }
0x1e6: {  	v0 =	vadd.f32 v3, v0;
	v3 =	vld [tilespmem:s15+$0x9E00]  }
0x1e7: {  	v1 =	vadd.f32 v2, v1;
	v2 =	vld [tilespmem:s15+$0x9E10]  }
0x1e8: {  	v0 =	vadd.f32 v6, v0;
	v6 =	vld [tilespmem:s15+$0xA200]  }
0x1e9: {  	v1 =	vadd.f32 v5, v1;
	v5 =	vld [tilespmem:s15+$0xA210]  }
0x1ea: {  	v0 =	vadd.f32 v4, v0;
	v4 =	vld [tilespmem:s15+$0xA600]  }
0x1eb: {  	v1 =	vadd.f32 v3, v1;
	v3 =	vld [tilespmem:s15+$0xA610]  }
0x1ec: {  	v0 =	vadd.f32 v2, v0;
	v2 =	vld [tilespmem:s15+$0xAA00]  }
0x1ed: {  	v1 =	vadd.f32 v6, v1;
	v6 =	vld [tilespmem:s15+$0xAA10]  }
0x1ee: {  	v0 =	vadd.f32 v5, v0;
	v5 =	vld [tilespmem:s15+$0xAE00]  }
0x1ef: {  	v1 =	vadd.f32 v4, v1;
	v4 =	vld [tilespmem:s15+$0xAE10]  }
0x1f0: {  	v0 =	vadd.f32 v3, v0;
	v3 =	vld [tilespmem:s15+$0xB200]  }
0x1f1: {  	v1 =	vadd.f32 v2, v1;
	v2 =	vld [tilespmem:s15+$0xB210]  }
0x1f2: {  	v0 =	vadd.f32 v6, v0;
	v6 =	vld [tilespmem:s15+$0xB600]  }
0x1f3: {  	v1 =	vadd.f32 v5, v1;
	v5 =	vld [tilespmem:s15+$0xB610]  }
0x1f4: {  	v0 =	vadd.f32 v4, v0;
	v4 =	vld [tilespmem:s15+$0xBA00]  }
0x1f5: {  	v1 =	vadd.f32 v3, v1;
	v3 =	vld [tilespmem:s15+$0xBA10]  }
0x1f6: {  	v0 =	vadd.f32 v2, v0;
	v2 =	vld [tilespmem:s15+$0xBE00]  }
0x1f7: {  	v1 =	vadd.f32 v6, v1;
	v6 =	vld [tilespmem:s15+$0xBE10]  }
0x1f8: {  	v0 =	vadd.f32 v5, v0;
	v5 =	vld [tilespmem:s15+$0xC200]  }
0x1f9: {  	v1 =	vadd.f32 v4, v1;
	v4 =	vld [tilespmem:s15+$0xC210]  }
0x1fa: {  	v0 =	vadd.f32 v3, v0;
	v3 =	vld [tilespmem:s15+$0xC600]  }
0x1fb: {  	v1 =	vadd.f32 v2, v1;
	v2 =	vld [tilespmem:s15+$0xC610]  }
0x1fc: {  	v0 =	vadd.f32 v6, v0;
	v6 =	vld [tilespmem:s15+$0xCA00]  }
0x1fd: {  	v1 =	vadd.f32 v5, v1;
	v5 =	vld [tilespmem:s15+$0xCA10]  }
0x1fe: {  	v0 =	vadd.f32 v4, v0;
	v4 =	vld [tilespmem:s15+$0xCE00]  }
0x1ff: {  	v1 =	vadd.f32 v3, v1;
	v3 =	vld [tilespmem:s15+$0xCE10]  }
0x200: {  	v0 =	vadd.f32 v2, v0  }
0x201: {  	v1 =	vadd.f32 v6, v1  }
0x202: {  	v0 =	vadd.f32 v5, v0  }
0x203: {  	v1 =	vadd.f32 v4, v1  }
0x204: {  	v0 =	vadd.f32 v3, v0  }
0x205: {  	[tilespmem:s0+$0xFFFFFFF0] =	vst v1  }
0x206: {  	[tilespmem:s0+$0x0] =	vst v0  }
0x207: {  	_ =	swait.ge [sflag:s30], $0x1000  }
0x208: {  	[sflag:s30] =	ssyncset.done $0x0  }
0x209: {  	[sflag:s30] =	ssyncadd.s32 $0xFFFFF000  }
0x20a: {  	_ =	swait.ge [sflag:s30], $0x1000  }
0x20b: {  	[sflag:s30] =	ssyncset.done $0x0  }
0x20c: {  	[sflag:s30] =	ssyncadd.s32 $0xFFFFF000  }
0x20d: {  	_ =	swait.ge [sflag:s30], $0x1000  }
0x20e: {  	[sflag:s30] =	ssyncset.done $0x0  }
0x20f: {  	[sflag:s30] =	ssyncadd.s32 $0xFFFFF000  }
0x210: {  	_ =	swait.ge [sflag:s30], $0x1000  }
0x211: {  	[sflag:s30] =	ssyncset.done $0x0  }
0x212: {  	[sflag:s30] =	ssyncadd.s32 $0xFFFFF000  }
0x213: {  	_ =	swait.ge [sflag:s30], $0x1000  }
0x214: {  	[sflag:s30] =	ssyncset.done $0x0  }
0x215: {  	s15 =	simm.s32 $0x0;
	[sflag:s30] =	ssyncadd.s32 $0xFFFFF000  }
0x216: {  	v0 =	vld [tilespmem:s15+$0xD610]  }
0x217: {  	v3 =	vld [tilespmem:s15+$0xD600]  }
0x218: {  	v5 =	vld [tilespmem:s15+$0xD200]  }
0x219: {  	v4 =	vld [tilespmem:s15+$0xD210]  }
0x21a: {  	v1 =	vld [tilespmem:s15+$0xDA00]  }
0x21b: {  	s3 =	simm.s32 $0x12530;
	s17 =	simm.s32 $0x80;
	s0 =	simm.s32 $0x12530;
	v2 =	vld [tilespmem:s15+$0xDA10]  }
.LBB2_13:
0x21c: {  	p0 =	sne.s32 s17, $0xF80  }
0x21d: {  	v6 =	vld [tilespmem:s15+$0xDE00];
	s3 =	sadd.s32 $0x340, s3;
	s1 =	smov.u32 s17;
	s17 =	sadd.s32 $0x80, s17  }
0x21e: {  	v3 =	vadd.f32 v3, v5;
	v5 =	vld [tilespmem:s15+$0xDE10]  }
0x21f: {  	v0 =	vadd.f32 v0, v4;
	v4 =	vld [tilespmem:s15+$0xE200]  }
0x220: {  	s1 =	sshra.s32 s1, $0x2;
	v1 =	vadd.f32 v1, v3;
	v3 =	vld [tilespmem:s15+$0xE210]  }
0x221: {  	v0 =	vadd.f32 v2, v0;
	v2 =	vld [tilespmem:s15+$0xE600]  }
0x222: {  	v1 =	vadd.f32 v6, v1;
	v6 =	vld [tilespmem:s15+$0xE610]  }
0x223: {  	v0 =	vadd.f32 v5, v0;
	v5 =	vld [tilespmem:s15+$0xEA00]  }
0x224: {  	v1 =	vadd.f32 v4, v1;
	v4 =	vld [tilespmem:s15+$0xEA10]  }
0x225: {  	v0 =	vadd.f32 v3, v0;
	v3 =	vld [tilespmem:s15+$0xEE00]  }
0x226: {  	v1 =	vadd.f32 v2, v1;
	v2 =	vld [tilespmem:s15+$0xEE10]  }
0x227: {  	v0 =	vadd.f32 v6, v0;
	v6 =	vld [tilespmem:s15+$0xF200]  }
0x228: {  	v1 =	vadd.f32 v5, v1;
	v5 =	vld [tilespmem:s15+$0xF210]  }
0x229: {  	v0 =	vadd.f32 v4, v0;
	v4 =	vld [tilespmem:s15+$0xF600]  }
0x22a: {  	v1 =	vadd.f32 v3, v1;
	v3 =	vld [tilespmem:s15+$0xF610]  }
0x22b: {  	v0 =	vadd.f32 v2, v0;
	v2 =	vld [tilespmem:s15+$0xFA00]  }
0x22c: {  	v1 =	vadd.f32 v6, v1;
	v6 =	vld [tilespmem:s15+$0xFA10]  }
0x22d: {  	v0 =	vadd.f32 v5, v0;
	v5 =	vld [tilespmem:s15+$0xFE00]  }
0x22e: {  	v1 =	vadd.f32 v4, v1;
	v4 =	vld [tilespmem:s15+$0xFE10]  }
0x22f: {  	v0 =	vadd.f32 v3, v0;
	v3 =	vld [tilespmem:s15+$0x10200]  }
0x230: {  	v1 =	vadd.f32 v2, v1;
	v2 =	vld [tilespmem:s15+$0x10210]  }
0x231: {  	v0 =	vadd.f32 v6, v0;
	v6 =	vld [tilespmem:s15+$0x10600]  }
0x232: {  	v1 =	vadd.f32 v5, v1;
	v5 =	vld [tilespmem:s15+$0x10610]  }
0x233: {  	v0 =	vadd.f32 v4, v0;
	v4 =	vld [tilespmem:s15+$0x10A00]  }
0x234: {  	v1 =	vadd.f32 v3, v1;
	v3 =	vld [tilespmem:s15+$0x10A10]  }
0x235: {  	v0 =	vadd.f32 v2, v0;
	v2 =	vld [tilespmem:s15+$0x10E00]  }
0x236: {  	v1 =	vadd.f32 v6, v1;
	v6 =	vld [tilespmem:s15+$0x10E10]  }
0x237: {  	v0 =	vadd.f32 v5, v0;
	v5 =	vld [tilespmem:s15+$0x11200]  }
0x238: {  	v1 =	vadd.f32 v4, v1;
	v4 =	vld [tilespmem:s15+$0x11210]  }
0x239: {  	v0 =	vadd.f32 v3, v0;
	v3 =	vld [tilespmem:s15+$0x11600]  }
0x23a: {  	v1 =	vadd.f32 v2, v1;
	v2 =	vld [tilespmem:s15+$0x11610]  }
0x23b: {  	v0 =	vadd.f32 v6, v0;
	v6 =	vld [tilespmem:s15+$0x11A00]  }
0x23c: {  	v1 =	vadd.f32 v5, v1;
	v5 =	vld [tilespmem:s15+$0x11A10]  }
0x23d: {  	v0 =	vadd.f32 v4, v0;
	v4 =	vld [tilespmem:s15+$0x11E00]  }
0x23e: {  	v1 =	vadd.f32 v3, v1;
	v3 =	vld [tilespmem:s15+$0x11E10];
	s15 =	smov.u32 s1  }
0x23f: {  	v0 =	vadd.f32 v2, v0  }
0x240: {  	v1 =	vadd.f32 v6, v1  }
0x241: {  	v0 =	vadd.f32 v5, v0  }
0x242: {  	v1 =	vadd.f32 v4, v1  }
0x243: {  	v0 =	vadd.f32 v3, v0  }
0x244: {  	[tilespmem:s0+$0xFFFFFFF0] =	vst v1  }
0x245: {  	[tilespmem:s0+$0x0] =	vst v0;
	s0 =	smov.u32 s3  }
0x246: {  	v0 =	vld [tilespmem:s15+$0xD610]  }
.Ltmp5:
0x247: {  	v3 =	vld [tilespmem:s15+$0xD600];
	(pc) =	sbr.rel @p0 .LBB2_13-.Ltmp5, $4  }
0x248: {  	v5 =	vld [tilespmem:s15+$0xD200]  }
0x249: {  	v4 =	vld [tilespmem:s15+$0xD210]  }
0x24a: {  	v1 =	vld [tilespmem:s15+$0xDA00]  }
0x24b: {  	v2 =	vld [tilespmem:s15+$0xDA10]  }
0x24c: {  	v6 =	vld [tilespmem:s15+$0xDE00]  }
0x24d: {  	v31 =	vld [tilespmem:s15+$0xDE10];
	v3 =	vadd.f32 v3, v5  }
0x24e: {  	v32 =	vld [tilespmem:s15+$0xE200];
	v0 =	vadd.f32 v0, v4  }
0x24f: {  	v33 =	vld [tilespmem:s15+$0xE210];
	v1 =	vadd.f32 v1, v3  }
0x250: {  	v34 =	vld [tilespmem:s15+$0xE600];
	v0 =	vadd.f32 v2, v0  }
0x251: {  	v35 =	vld [tilespmem:s15+$0xE610];
	v1 =	vadd.f32 v6, v1  }
0x252: {  	v36 =	vld [tilespmem:s15+$0xEA00];
	v0 =	vadd.f32 v31, v0  }
0x253: {  	v37 =	vld [tilespmem:s15+$0xEA10];
	v1 =	vadd.f32 v32, v1  }
0x254: {  	v38 =	vld [tilespmem:s15+$0xEE00];
	v0 =	vadd.f32 v33, v0  }
0x255: {  	v39 =	vld [tilespmem:s15+$0xEE10];
	v1 =	vadd.f32 v34, v1  }
0x256: {  	v40 =	vld [tilespmem:s15+$0xF200];
	v0 =	vadd.f32 v35, v0  }
0x257: {  	v41 =	vld [tilespmem:s15+$0xF210];
	v1 =	vadd.f32 v36, v1  }
0x258: {  	v42 =	vld [tilespmem:s15+$0xF600];
	v0 =	vadd.f32 v37, v0  }
0x259: {  	v43 =	vld [tilespmem:s15+$0xF610];
	v1 =	vadd.f32 v38, v1  }
0x25a: {  	v44 =	vld [tilespmem:s15+$0xFA00];
	v0 =	vadd.f32 v39, v0  }
0x25b: {  	v45 =	vld [tilespmem:s15+$0xFA10];
	v1 =	vadd.f32 v40, v1  }
0x25c: {  	v46 =	vld [tilespmem:s15+$0xFE00];
	v0 =	vadd.f32 v41, v0  }
0x25d: {  	v47 =	vld [tilespmem:s15+$0xFE10];
	v1 =	vadd.f32 v42, v1  }
0x25e: {  	v48 =	vld [tilespmem:s15+$0x10200];
	v0 =	vadd.f32 v43, v0  }
0x25f: {  	v49 =	vld [tilespmem:s15+$0x10210];
	v1 =	vadd.f32 v44, v1  }
0x260: {  	v50 =	vld [tilespmem:s15+$0x10600];
	v0 =	vadd.f32 v45, v0  }
0x261: {  	v51 =	vld [tilespmem:s15+$0x10610];
	v1 =	vadd.f32 v46, v1  }
0x262: {  	v52 =	vld [tilespmem:s15+$0x10A00];
	v0 =	vadd.f32 v47, v0  }
0x263: {  	v53 =	vld [tilespmem:s15+$0x10A10];
	v1 =	vadd.f32 v48, v1  }
0x264: {  	v54 =	vld [tilespmem:s15+$0x10E00];
	v0 =	vadd.f32 v49, v0  }
0x265: {  	v55 =	vld [tilespmem:s15+$0x10E10];
	v1 =	vadd.f32 v50, v1  }
0x266: {  	v56 =	vld [tilespmem:s15+$0x11200];
	v0 =	vadd.f32 v51, v0  }
0x267: {  	v57 =	vld [tilespmem:s15+$0x11210];
	v1 =	vadd.f32 v52, v1  }
0x268: {  	v58 =	vld [tilespmem:s15+$0x11600];
	v0 =	vadd.f32 v53, v0  }
0x269: {  	v59 =	vld [tilespmem:s15+$0x11610];
	v1 =	vadd.f32 v54, v1  }
0x26a: {  	v60 =	vld [tilespmem:s15+$0x11A00];
	v0 =	vadd.f32 v55, v0  }
0x26b: {  	v61 =	vld [tilespmem:s15+$0x11A10];
	v1 =	vadd.f32 v56, v1  }
0x26c: {  	v62 =	vld [tilespmem:s15+$0x11E00];
	v0 =	vadd.f32 v57, v0  }
0x26d: {  	v63 =	vld [tilespmem:s15+$0x11E10];
	v1 =	vadd.f32 v58, v1  }
0x26e: {  	v0 =	vadd.f32 v59, v0  }
0x26f: {  	v1 =	vadd.f32 v60, v1  }
0x270: {  	v0 =	vadd.f32 v61, v0  }
0x271: {  	v1 =	vadd.f32 v62, v1  }
0x272: {  	s1 =	smul.u32 $0x68, s13;
	s10 =	sadd.s32 $0x1, s10;
	v0 =	vadd.f32 v63, v0  }
0x273: {  	s31 =	rddreg [dreg:$0x1];
	p0 =	sne.s32 s10, $0x4;
	[tilespmem:s0+$0xFFFFFFF0] =	vst v1  }
.Ltmp6:
0x274: {  	[tilespmem:s0+$0x0] =	vst v0;
	s0 =	sadd.s32 s31, s1;
	(pc) =	sbr.rel @p0 .LBB2_2-.Ltmp6, $4  }
0x275: {  	[hbm4b:s0+s2] =	stream.linear.scatter [tilespmem:s9], [sflag:$0x3], $0x6800, $0x38;
	[tilespmem:$0x18A00] =	vst v63  }
0x276: {  	_ =	swait.ge [sflag:s11], $0x6800  }
0x277: {  	[sflag:s11] =	ssyncset.done $0x0  }
0x278: {  	[sflag:s11] =	ssyncadd.s32 $0xFFFF9800  }
0x279: {  	s1 =	rddreg [dreg:$0x4]  }
0x27a: {  	s0 =	rddreg [dreg:$0x3];
	s1 =	sadd.s32 $0x1, s1  }
0x27b: {  	p0 =	sne.s32 s1, s0  }
.Ltmp7:
0x27c: {  	_ = 	snop;
	(pc) =	sbr.rel @p0 .LBB2_1-.Ltmp7, $1  }
0x27d: {  	_ =	sdelay $0x3  }
0x27e: {  	_ =	sfence.sel $0x180000  }
0x27f: {  	[bflag:$0x0] =	sbarrier.arrive $0xFFFF  }
0x280: {  	_ =	strace $0x90000047  }
0x281: {  	s0 =	stileid.u32;
	[bflag:$0x2] =	sbarrier.arrive $0xFFFF  }
0x282: {  	p0 =	sne.s32 s0, $0x0;
	s0 =	rddreg [dreg:$0x2]  }
0x283: {  	s0 =	sadd.s32 @!p0 $0x100000, s0  }
0x284: {  	[sflag:s0] =	ssyncadd.tile.s32 @!p0 $0x1;
	_ =	shalt  }
.Lfunc_end2:
_tile_overlayer_lowered:
.L_overlay_start_2:
0x285: {  	(tag) =	ssettag $0x2  }
0x286: {  	s0 =	rddreg [dreg:$0x0];
	s2 =	stileid.u32  }
0x287: {  	s1 =	rddreg [dreg:$0x1];
	p0 =	sne.s32 s2, $0x0  }
0x288: {  	s3 =	rddreg [dreg:$0x2];
	[bflag:$0x3] =	sbarrier.arrive $0xFFFF;
	s2 =	simm.s32 @!p0 $0x1C03  }
0x289: {  	[timem:s3], [sflag:s2] =	dma.local @!p0 [hbm:s0], s1  }
0x28a: {  	s0 =	simm.s32 @!p0 $0x3  }
0x28b: {  	_ =	swait.ge @!p0 [sflag:s0], s1  }
0x28c: {  	s1 =	ssub.s32 @!p0 $0x0, s1;
	[sflag:s0] =	ssyncset.done @!p0 $0x0  }
0x28d: {  	[sflag:s0] =	ssyncadd.s32 @!p0 s1  }
0x28e: {  	[bflag:$0x3] =	sbarrier.arrive $0xFFFF  }
0x28f: {  	_ =	shalt  }

</sc_bundles>
